<compile_context>
chip_gen: v7x
topology: tpu7x:2x2x1
jax: 0.10.2.dev20260603
libtpu: 0.0.44.dev20260713+nightly
codegen_flags: <defaults>
</compile_context>

<pallas_src>
import jax
import jax.numpy as jnp
from jax import lax
from jax.experimental import pallas as pl
from jax.experimental.pallas import tpu as pltpu
from jax.experimental.pallas import tpu_sc as plsc

_N = 4096
_D = 512
_K = 10
_KP = 16
_NC = 64
_NKM = 4
_NITER = 20
_RB = 256
_SENT = 2 ** 30

_NW = 32
_RPW = _N // _NW
_GCH = _RPW * _KP // 128
_ZPW = _N * _K // _NW
_ZCH = _ZPW // 128
_RSTR = 1344
_ZOFF = 1296
_OPW = _N * _K // _NW


def _simtopk_body(s_ref, t_ref, o_ref):
    i = pl.program_id(0)
    sim = lax.dot_general(s_ref[...], t_ref[...], (((1,), (1,)), ((), ())),
                          preferred_element_type=jnp.float32)
    row_g = i * _RB + lax.broadcasted_iota(jnp.int32, (_RB, _N), 0)
    col = lax.broadcasted_iota(jnp.int32, (_RB, _N), 1)
    sim = sim + jnp.where(col == row_g, jnp.float32(10.0), jnp.float32(0.0))
    idxs = []
    for _ in range(_K):
        idx = jnp.argmax(sim, axis=1).astype(jnp.int32)
        idxs.append(idx)
        sim = jnp.where(col == idx[:, None], -jnp.inf, sim)
    pad = jnp.full((_RB, _KP - _K), _SENT, jnp.int32)
    o_ref[...] = jnp.concatenate([jnp.stack(idxs, axis=1), pad], axis=1)


def _kmeans_body(x_ref, xt_ref, c_ref, o_ref):
    x = x_ref[...]
    xt = xt_ref[...]
    xx = jnp.sum(x * x, axis=1, keepdims=True)

    def _d2(centt):
        ip = lax.dot_general(x, centt, (((1,), (0,)), ((), ())),
                             preferred_element_type=jnp.float32)
        cc = jnp.sum(centt * centt, axis=0)
        return (xx - 2.0 * ip) + cc[None, :]

    def _step(_, centt):
        d2 = _d2(centt)
        h = jnp.concatenate(
            [(d2[:, s * _NC:(s + 1) * _NC]
              == jnp.min(d2[:, s * _NC:(s + 1) * _NC], axis=1, keepdims=True)
              ).astype(jnp.float32) for s in range(_NKM)], axis=1)
        sums_t = lax.dot_general(xt, h, (((1,), (0,)), ((), ())),
                                 preferred_element_type=jnp.float32)
        cnt = jnp.sum(h, axis=0)
        return sums_t / jnp.clip(cnt, 1.0)[None, :]

    centt = lax.fori_loop(0, _NITER, _step, c_ref[...])
    d2 = _d2(centt)
    for s in range(_NKM):
        o_ref[s, :] = jnp.argmin(
            d2[:, s * _NC:(s + 1) * _NC], axis=1).astype(jnp.int32)


def _sgather_body(adj_ref, knn_ref, winfo_ref, adjv_out,
                  knn_v, gidx_v, adjv_v, widb_v, sem_g):
    wid = lax.axis_index("s") * 2 + lax.axis_index("c")
    base_row = wid * _RPW
    pltpu.sync_copy(knn_ref.at[pl.ds(base_row, _RPW)], knn_v)
    pltpu.sync_copy(winfo_ref.at[wid], widb_v)
    base_rowv = widb_v[...] * _RPW

    def _gbody(r, gb):
        cols = knn_v[r]
        valid = cols < _N
        g = jnp.where(valid, gb + cols, 0)
        gidx_v[r // 8, pl.ds((r % 8) * _KP, _KP)] = g
        return gb + _N
    lax.fori_loop(0, _RPW, _gbody, base_rowv * _N)

    pend = [pltpu.async_copy(adj_ref.at[gidx_v.at[j]], adjv_v.at[j], sem_g)
            for j in range(_GCH)]
    for dsc in pend:
        dsc.wait()
    pltpu.sync_copy(adjv_v, adjv_out.at[wid])


def _s1_body(adjv_ref, knn_ref, lab_ref, winfo_ref, interc_out, interr_out,
             tot_out, knn_v, lab_v, adjv_v, cstg_v, rstg_v, widb_v,
             tot_v):
    wid = lax.axis_index("s") * 2 + lax.axis_index("c")
    base_row = wid * _RPW
    pltpu.sync_copy(knn_ref.at[pl.ds(base_row, _RPW)], knn_v)
    pltpu.sync_copy(winfo_ref.at[wid], widb_v)
    base_rowv = widb_v[...] * _RPW
    pltpu.sync_copy(adjv_ref.at[wid], adjv_v)
    pltpu.sync_copy(lab_ref.at[pl.ds(0, _NKM * _N)], lab_v)

    def _zfill(q, c):
        cstg_v[pl.ds(_ZOFF + q * _KP, _KP)] = jnp.zeros((_KP,), jnp.int32)
        rstg_v[pl.ds(_ZOFF + q * _KP, _KP)] = jnp.zeros((_KP,), jnp.int32)
        return c
    lax.fori_loop(0, (_RSTR - _ZOFF) // _KP, _zfill, jnp.int32(0))

    def _rbody(r, carry):
        rgv, totv = carry
        cols = knn_v[r]
        valid = cols < _N
        av = adjv_v[r // 8, pl.ds((r % 8) * _KP, _KP)]
        m = av != 0.0
        safe = jnp.where(valid, cols, 0)
        for s in range(_NKM):
            own = plsc.load_gather(lab_v, [rgv + (s * _N)])
            gl = plsc.load_gather(lab_v, [safe + (s * _N)])
            m = m | (gl == own)
        keep = valid & m
        key = jnp.where(keep, cols, jnp.int32(_SENT))
        skey, _ = plsc.sort_key_val(key, cols)
        cntv = plsc.all_reduce_population_count(keep)
        off = totv[0]
        cstg_v[pl.ds(off, _KP)] = skey
        rstg_v[pl.ds(off, _KP)] = rgv
        return (rgv + 1, totv + cntv)
    _, totv = lax.fori_loop(
        0, _RPW, _rbody, (base_rowv, jnp.zeros((_KP,), jnp.int32)))

    tot_v[...] = totv
    pltpu.sync_copy(cstg_v, interc_out.at[pl.ds(wid * _RSTR, _RSTR)])
    pltpu.sync_copy(rstg_v, interr_out.at[pl.ds(wid * _RSTR, _RSTR)])
    pltpu.sync_copy(tot_v, tot_out.at[wid])


def _srcidx_body(t_ref, o_ref):
    ti = t_ref[...]
    b = jnp.int32(0)
    bases = []
    for w in range(_NW):
        bases.append(b)
        b = b + ti[w, 0]
    m = b
    rows = lax.broadcasted_iota(jnp.int32, (_NW * _KP, 128), 0)
    cols = lax.broadcasted_iota(jnp.int32, (_NW * _KP, 128), 1)
    w16 = rows // _KP
    p = w16 * _OPW + (rows % _KP) * 128 + cols
    acc = p
    for v in range(_NW - 1):
        acc = acc + (p >= bases[v + 1]).astype(jnp.int32) * (_RSTR - ti[v, 0])
    zsrc = w16 * _RSTR + _ZOFF + (cols % 32)
    o_ref[...] = jnp.where(p >= m, zsrc, acc)


def _s2_body(interc_ref, interr_ref, src_ref, rows_out, cols_out,
             gidx_v, cval_v, rval_v, sem_s):
    wid = lax.axis_index("s") * 2 + lax.axis_index("c")
    pltpu.sync_copy(src_ref.at[pl.ds(wid * _KP, _KP)], gidx_v)

    pend = []
    for j in range(_OPW // 128):
        pend.append(pltpu.async_copy(
            interc_ref.at[gidx_v.at[j]], cval_v.at[j], sem_s))
        pend.append(pltpu.async_copy(
            interr_ref.at[gidx_v.at[j]], rval_v.at[j], sem_s))
        if len(pend) == 8:
            for dsc in pend:
                dsc.wait()
            pend = []
    for dsc in pend:
        dsc.wait()

    pltpu.sync_copy(cval_v, cols_out.at[wid])
    pltpu.sync_copy(rval_v, rows_out.at[wid])


def _run_simtopk(student, teacher):
    return pl.pallas_call(
        _simtopk_body,
        grid=(_N // _RB,),
        in_specs=[pl.BlockSpec((_RB, _D), lambda i: (i, 0)),
                  pl.BlockSpec((_N, _D), lambda i: (0, 0))],
        out_specs=pl.BlockSpec((_RB, _KP), lambda i: (i, 0)),
        out_shape=jax.ShapeDtypeStruct((_N, _KP), jnp.int32),
    )(student, teacher)


def _run_kmeans(teacher, teacher_t, cent0t):
    return pl.pallas_call(
        _kmeans_body,
        out_shape=jax.ShapeDtypeStruct((8, _N), jnp.int32),
    )(teacher, teacher_t, cent0t)


_SC_MESH = dict(core_axis_name="c", subcore_axis_name="s")


def _run_sgather(adj_flat, knn, winfo):
    fn = pl.kernel(
        _sgather_body,
        out_type=[jax.ShapeDtypeStruct((_NW, _GCH, 128), jnp.float32)],
        mesh=plsc.VectorSubcoreMesh(**_SC_MESH),
        compiler_params=pltpu.CompilerParams(needs_layout_passes=False),
        scratch_types=[
            pltpu.VMEM((_RPW, _KP), jnp.int32),
            pltpu.VMEM((_GCH, 128), jnp.int32),
            pltpu.VMEM((_GCH, 128), jnp.float32),
            pltpu.VMEM((_KP,), jnp.int32),
            pltpu.SemaphoreType.DMA,
        ],
    )
    return fn(adj_flat, knn, winfo)[0]


def _run_s1(adjv, knn, labs_flat, winfo):
    fn = pl.kernel(
        _s1_body,
        out_type=[jax.ShapeDtypeStruct((_NW * _RSTR,), jnp.int32),
                  jax.ShapeDtypeStruct((_NW * _RSTR,), jnp.int32),
                  jax.ShapeDtypeStruct((_NW, _KP), jnp.int32)],
        mesh=plsc.VectorSubcoreMesh(**_SC_MESH),
        compiler_params=pltpu.CompilerParams(needs_layout_passes=False),
        scratch_types=[
            pltpu.VMEM((_RPW, _KP), jnp.int32),
            pltpu.VMEM((_NKM * _N,), jnp.int32),
            pltpu.VMEM((_GCH, 128), jnp.float32),
            pltpu.VMEM((_RSTR,), jnp.int32),
            pltpu.VMEM((_RSTR,), jnp.int32),
            pltpu.VMEM((_KP,), jnp.int32),
            pltpu.VMEM((_KP,), jnp.int32),
        ],
    )
    return fn(adjv, knn, labs_flat, winfo)


def _run_srcidx(tots):
    return pl.pallas_call(
        _srcidx_body,
        out_shape=jax.ShapeDtypeStruct((_NW * _KP, 128), jnp.int32),
    )(tots)


def _run_s2(interc, interr, srcidx):
    fn = pl.kernel(
        _s2_body,
        out_type=[jax.ShapeDtypeStruct((_NW, _OPW // 128, 128), jnp.int32),
                  jax.ShapeDtypeStruct((_NW, _OPW // 128, 128), jnp.int32)],
        mesh=plsc.VectorSubcoreMesh(**_SC_MESH),
        compiler_params=pltpu.CompilerParams(needs_layout_passes=False),
        scratch_types=[
            pltpu.VMEM((_KP, 128), jnp.int32),
            pltpu.VMEM((_OPW // 128, 128), jnp.int32),
            pltpu.VMEM((_OPW // 128, 128), jnp.int32),
            pltpu.SemaphoreType.DMA,
        ],
    )
    return fn(interc, interr, srcidx)


def kernel(adj, student, teacher, top_k):
    tsg = lax.stop_gradient(teacher)
    knn = _run_simtopk(student, tsg)

    winfo = jnp.broadcast_to(
        jnp.arange(_NW, dtype=jnp.int32)[:, None], (_NW, _KP))
    adjv = _run_sgather(adj.reshape(-1), knn, winfo)

    cents = []
    for s in range(_NKM):
        kk = jax.random.key(1234 + s)
        ii = jax.random.choice(kk, _N, shape=(_NC,), replace=False)
        cents.append(tsg[ii])
    cent0 = jnp.concatenate(cents, axis=0)
    labs = _run_kmeans(tsg, tsg.T, cent0.T)

    interc, interr, tots = _run_s1(adjv, knn, labs.reshape(-1), winfo)
    srcidx = _run_srcidx(tots)
    rows_o, cols_o = _run_s2(interc, interr, srcidx)
    indices = jnp.stack([rows_o.reshape(-1), cols_o.reshape(-1)], axis=0)
    return (indices, top_k)

# --- scband reference (transcript-rebuilt; emitter-appended) ---
"""Pipeline reference for scband-neighbor-50294067036841 (READ-ONLY COPY).

The authoritative reference and input builder live on the scoring server;
editing this copy changes nothing except your own understanding.
"""

import jax, jax.numpy as jnp
import numpy as np

NUM_CENTROIDS = 64
NUM_KMEANS = 4
NITER = 20
TOP_K_STATIC = 10


def _kmeans_labels(x, k, niter, seed):
    # Lloyd's k-means mimicking faiss.Kmeans(d, k, niter=niter, seed=seed)
    key = jax.random.key(seed)
    n, d = x.shape
    init_idx = jax.random.choice(key, n, shape=(k,), replace=False)
    cent = x[init_idx]
    for _ in range(niter):
        d2 = (jnp.sum(x * x, axis=1, keepdims=True)
              - 2.0 * (x @ cent.T)
              + jnp.sum(cent * cent, axis=1)[None, :])
        labels = jnp.argmin(d2, axis=1)
        sums = jax.ops.segment_sum(x, labels, num_segments=k)
        cnt = jax.ops.segment_sum(jnp.ones((n,), dtype=x.dtype), labels, num_segments=k)
        cent = sums / jnp.clip(cnt, 1.0)[:, None]
    d2 = (jnp.sum(x * x, axis=1, keepdims=True)
          - 2.0 * (x @ cent.T)
          + jnp.sum(cent * cent, axis=1)[None, :])
    return jnp.argmin(d2, axis=1)


def setup_inputs(seed: int = 0) -> dict:
    key = jax.random.key(seed)
    k1, k2, k3 = jax.random.split(key, 3)
    n, d = 4096, 512
    adj = jax.random.uniform(k1, (n, n), dtype=jnp.float32)
    student = jax.random.normal(k2, (n, d), dtype=jnp.float32)
    teacher = jax.random.normal(k3, (n, d), dtype=jnp.float32)
    return {"adj": adj, "student": student, "teacher": teacher, "top_k": 10}


def reference(adj, student, teacher, top_k):
    n, d = student.shape
    k_static = TOP_K_STATIC
    teacher_sg = jax.lax.stop_gradient(teacher)  # teacher.detach() in original
    similarity = student @ teacher_sg.T + jnp.eye(n, dtype=student.dtype) * 10.0
    _, I_knn = jax.lax.top_k(similarity, k_static)
    rows = jnp.broadcast_to(jnp.arange(n)[:, None], (n, k_static))
    # create_sparse: ones at (row, knn) -> dense analog of sparse_coo_tensor
    knn_dense = jnp.zeros((n, n), dtype=jnp.float32).at[rows, I_knn].add(1.0)
    locality = knn_dense * adj  # sparse elementwise product
    # num_kmeans independent clusterings of teacher
    cluster_labels = jnp.stack([
        _kmeans_labels(teacher_sg, NUM_CENTROIDS, NITER, 1234 + s)
        for s in range(NUM_KMEANS)
    ], axis=0)
    all_close = None
    for each_k in range(NUM_KMEANS):
        batch_labels = jnp.broadcast_to(cluster_labels[each_k][:, None], (n, k_static))
        top_labels = cluster_labels[each_k][I_knn]
        cur = jnp.equal(batch_labels, top_labels)
        all_close = cur if all_close is None else (all_close | cur)
    # create_sparse_revised: ones at masked (row, knn) positions
    globality = jnp.zeros((n, n), dtype=jnp.float32).at[rows, I_knn].add(
        all_close.astype(jnp.float32))
    pos_ = locality + globality
    nz = jnp.nonzero(pos_, size=n * k_static)  # coalesce()._indices()
    indices = jnp.stack([nz[0], nz[1]], axis=0)
    return (indices, top_k)

if __name__ == "__main__":
    import jax
    _d = setup_inputs()
    print(jax.jit(kernel)(*tuple(_d.values())))

</pallas_src>

<mosaic_0001>
#map = affine_map<(d0, d1) -> (0)>
#map1 = affine_map<(d0, d1) -> (0, 0)>
#map2 = affine_map<(d0, d1) -> (0, 0, 0)>
module attributes {stable_mosaic.version = 14 : i64} {
  func.func @_s2_body(%arg0: i32, %arg1: i32, %arg2: memref<43008xi32, #tpu.memory_space<hbm>>, %arg3: memref<43008xi32, #tpu.memory_space<hbm>>, %arg4: memref<512x128xi32, #tpu.memory_space<hbm>>, %arg5: memref<32x10x128xi32, #tpu.memory_space<hbm>>, %arg6: memref<32x10x128xi32, #tpu.memory_space<hbm>>, %arg7: memref<16x128xi32, #tpu.memory_space<vmem>>, %arg8: memref<10x128xi32, #tpu.memory_space<vmem>>, %arg9: memref<10x128xi32, #tpu.memory_space<vmem>>, %arg10: memref<!tpu.dma_semaphore, #tpu.memory_space<semaphore_mem>>) attributes {dimension_semantics = [#tpu.dimension_semantics<core_parallel>, #tpu.dimension_semantics<subcore_parallel>], iteration_bounds = array<i64: 2, 16>, scalar_prefetch = 0 : i64, scratch_operands = 4 : i64, tpu.core_type = #tpu.core_type<sc_vector_subcore>, window_params = [{transform_indices = #map}, {transform_indices = #map}, {transform_indices = #map1}, {transform_indices = #map2}, {transform_indices = #map2}]} {
    %mul3A = arith.constant 2 : i32
    %mul3A_0 = arith.muli %arg1, %mul3A : i32
    %add3A = arith.addi %mul3A_0, %arg0 : i32
    %mul3A_1 = arith.constant 16 : i32
    %mul3A_2 = arith.muli %add3A, %mul3A_1 : i32
    "tpu.region"() ({
      %run_scoped3A = tpu.sem_alloc : memref<!tpu.dma_semaphore, #tpu.memory_space<semaphore_mem>>
      %dma_start3A_401 = arith.constant 0 : i32
      %dma_start3A_402 = tpu.memref_slice %arg4[%mul3A_2, %dma_start3A_401] : memref<512x128xi32, #tpu.memory_space<hbm>> -> memref<16x128xi32, #tpu.memory_space<hbm>>
      %dma_start3A_403 = arith.constant 0 : i32
      %dma_start3A_404 = tpu.memref_slice %arg4[%mul3A_2, %dma_start3A_403] : memref<512x128xi32, #tpu.memory_space<hbm>> -> memref<16x128xi32, #tpu.memory_space<hbm>>
      tpu.enqueue_dma source(%dma_start3A_404 : memref<16x128xi32, #tpu.memory_space<hbm>>) target(%arg7 : memref<16x128xi32, #tpu.memory_space<vmem>>) target_semaphore(%run_scoped3A : memref<!tpu.dma_semaphore, #tpu.memory_space<semaphore_mem>>)
      %dma_wait3A_405 = arith.constant 0 : i32
      %dma_wait3A_406 = tpu.memref_slice %arg4[%mul3A_2, %dma_wait3A_405] : memref<512x128xi32, #tpu.memory_space<hbm>> -> memref<16x128xi32, #tpu.memory_space<hbm>>
      %dma_wait3A_407 = arith.constant 0 : i32
      %dma_wait3A_408 = tpu.memref_slice %arg4[%mul3A_2, %dma_wait3A_407] : memref<512x128xi32, #tpu.memory_space<hbm>> -> memref<16x128xi32, #tpu.memory_space<hbm>>
      tpu.wait_dma2 semaphore(%run_scoped3A : memref<!tpu.dma_semaphore, #tpu.memory_space<semaphore_mem>>) src(%dma_wait3A_408 : memref<16x128xi32, #tpu.memory_space<hbm>>) dst(%arg7 : memref<16x128xi32, #tpu.memory_space<vmem>>)
      tpu.yield
    }) : () -> ()
    %dma_start3A = arith.constant 0 : i32
    %dma_start3A_3 = arith.constant 0 : i32
    %dma_start3A_4 = arith.constant 0 : i32
    %dma_start3A_5 = tpu.memref_slice %arg8[%dma_start3A_3, %dma_start3A_4] : memref<10x128xi32, #tpu.memory_space<vmem>> -> memref<1x128xi32, #tpu.memory_space<vmem>>
    %dma_start3A_6 = tpu.memref_squeeze %dma_start3A_5 : memref<1x128xi32, #tpu.memory_space<vmem>> -> memref<128xi32, #tpu.memory_space<vmem>>
    %dma_start3A_7 = arith.constant 0 : i32
    %dma_start3A_8 = tpu.memref_slice %arg7[%dma_start3A, %dma_start3A_7] : memref<16x128xi32, #tpu.memory_space<vmem>> -> memref<1x128xi32, #tpu.memory_space<vmem>>
    %dma_start3A_9 = tpu.memref_squeeze %dma_start3A_8 : memref<1x128xi32, #tpu.memory_space<vmem>> -> memref<128xi32, #tpu.memory_space<vmem>>
    %dma_start3A_10 = arith.constant 0 : i32
    %dma_start3A_11 = tpu.memref_slice %arg2[%dma_start3A_10] : memref<43008xi32, #tpu.memory_space<hbm>> -> memref<43008xi32, #tpu.memory_space<hbm>>
    tpu.enqueue_indirect_dma source(%dma_start3A_11 : memref<43008xi32, #tpu.memory_space<hbm>>) target(%dma_start3A_6 : memref<128xi32, #tpu.memory_space<vmem>>) offsets(%dma_start3A_9 : memref<128xi32, #tpu.memory_space<vmem>>) semaphore(%arg10 : memref<!tpu.dma_semaphore, #tpu.memory_space<semaphore_mem>>)
    %dma_start3A_12 = arith.constant 0 : i32
    %dma_start3A_13 = arith.constant 0 : i32
    %dma_start3A_14 = arith.constant 0 : i32
    %dma_start3A_15 = tpu.memref_slice %arg9[%dma_start3A_13, %dma_start3A_14] : memref<10x128xi32, #tpu.memory_space<vmem>> -> memref<1x128xi32, #tpu.memory_space<vmem>>
    %dma_start3A_16 = tpu.memref_squeeze %dma_start3A_15 : memref<1x128xi32, #tpu.memory_space<vmem>> -> memref<128xi32, #tpu.memory_space<vmem>>
    %dma_start3A_17 = arith.constant 0 : i32
    %dma_start3A_18 = tpu.memref_slice %arg7[%dma_start3A_12, %dma_start3A_17] : memref<16x128xi32, #tpu.memory_space<vmem>> -> memref<1x128xi32, #tpu.memory_space<vmem>>
    %dma_start3A_19 = tpu.memref_squeeze %dma_start3A_18 : memref<1x128xi32, #tpu.memory_space<vmem>> -> memref<128xi32, #tpu.memory_space<vmem>>
    %dma_start3A_20 = arith.constant 0 : i32
    %dma_start3A_21 = tpu.memref_slice %arg3[%dma_start3A_20] : memref<43008xi32, #tpu.memory_space<hbm>> -> memref<43008xi32, #tpu.memory_space<hbm>>
    tpu.enqueue_indirect_dma source(%dma_start3A_21 : memref<43008xi32, #tpu.memory_space<hbm>>) target(%dma_start3A_16 : memref<128xi32, #tpu.memory_space<vmem>>) offsets(%dma_start3A_19 : memref<128xi32, #tpu.memory_space<vmem>>) semaphore(%arg10 : memref<!tpu.dma_semaphore, #tpu.memory_space<semaphore_mem>>)
    %dma_start3A_22 = arith.constant 1 : i32
    %dma_start3A_23 = arith.constant 1 : i32
    %dma_start3A_24 = arith.constant 0 : i32
    %dma_start3A_25 = tpu.memref_slice %arg8[%dma_start3A_23, %dma_start3A_24] : memref<10x128xi32, #tpu.memory_space<vmem>> -> memref<1x128xi32, #tpu.memory_space<vmem>>
    %dma_start3A_26 = tpu.memref_squeeze %dma_start3A_25 : memref<1x128xi32, #tpu.memory_space<vmem>> -> memref<128xi32, #tpu.memory_space<vmem>>
    %dma_start3A_27 = arith.constant 0 : i32
    %dma_start3A_28 = tpu.memref_slice %arg7[%dma_start3A_22, %dma_start3A_27] : memref<16x128xi32, #tpu.memory_space<vmem>> -> memref<1x128xi32, #tpu.memory_space<vmem>>
    %dma_start3A_29 = tpu.memref_squeeze %dma_start3A_28 : memref<1x128xi32, #tpu.memory_space<vmem>> -> memref<128xi32, #tpu.memory_space<vmem>>
    %dma_start3A_30 = arith.constant 0 : i32
    %dma_start3A_31 = tpu.memref_slice %arg2[%dma_start3A_30] : memref<43008xi32, #tpu.memory_space<hbm>> -> memref<43008xi32, #tpu.memory_space<hbm>>
    tpu.enqueue_indirect_dma source(%dma_start3A_31 : memref<43008xi32, #tpu.memory_space<hbm>>) target(%dma_start3A_26 : memref<128xi32, #tpu.memory_space<vmem>>) offsets(%dma_start3A_29 : memref<128xi32, #tpu.memory_space<vmem>>) semaphore(%arg10 : memref<!tpu.dma_semaphore, #tpu.memory_space<semaphore_mem>>)
    %dma_start3A_32 = arith.constant 1 : i32
    %dma_start3A_33 = arith.constant 1 : i32
    %dma_start3A_34 = arith.constant 0 : i32
    %dma_start3A_35 = tpu.memref_slice %arg9[%dma_start3A_33, %dma_start3A_34] : memref<10x128xi32, #tpu.memory_space<vmem>> -> memref<1x128xi32, #tpu.memory_space<vmem>>
    %dma_start3A_36 = tpu.memref_squeeze %dma_start3A_35 : memref<1x128xi32, #tpu.memory_space<vmem>> -> memref<128xi32, #tpu.memory_space<vmem>>
    %dma_start3A_37 = arith.constant 0 : i32
    %dma_start3A_38 = tpu.memref_slice %arg7[%dma_start3A_32, %dma_start3A_37] : memref<16x128xi32, #tpu.memory_space<vmem>> -> memref<1x128xi32, #tpu.memory_space<vmem>>
    %dma_start3A_39 = tpu.memref_squeeze %dma_start3A_38 : memref<1x128xi32, #tpu.memory_space<vmem>> -> memref<128xi32, #tpu.memory_space<vmem>>
    %dma_start3A_40 = arith.constant 0 : i32
    %dma_start3A_41 = tpu.memref_slice %arg3[%dma_start3A_40] : memref<43008xi32, #tpu.memory_space<hbm>> -> memref<43008xi32, #tpu.memory_space<hbm>>
    tpu.enqueue_indirect_dma source(%dma_start3A_41 : memref<43008xi32, #tpu.memory_space<hbm>>) target(%dma_start3A_36 : memref<128xi32, #tpu.memory_space<vmem>>) offsets(%dma_start3A_39 : memref<128xi32, #tpu.memory_space<vmem>>) semaphore(%arg10 : memref<!tpu.dma_semaphore, #tpu.memory_space<semaphore_mem>>)
    %dma_start3A_42 = arith.constant 2 : i32
    %dma_start3A_43 = arith.constant 2 : i32
    %dma_start3A_44 = arith.constant 0 : i32
    %dma_start3A_45 = tpu.memref_slice %arg8[%dma_start3A_43, %dma_start3A_44] : memref<10x128xi32, #tpu.memory_space<vmem>> -> memref<1x128xi32, #tpu.memory_space<vmem>>
    %dma_start3A_46 = tpu.memref_squeeze %dma_start3A_45 : memref<1x128xi32, #tpu.memory_space<vmem>> -> memref<128xi32, #tpu.memory_space<vmem>>
    %dma_start3A_47 = arith.constant 0 : i32
    %dma_start3A_48 = tpu.memref_slice %arg7[%dma_start3A_42, %dma_start3A_47] : memref<16x128xi32, #tpu.memory_space<vmem>> -> memref<1x128xi32, #tpu.memory_space<vmem>>
    %dma_start3A_49 = tpu.memref_squeeze %dma_start3A_48 : memref<1x128xi32, #tpu.memory_space<vmem>> -> memref<128xi32, #tpu.memory_space<vmem>>
    %dma_start3A_50 = arith.constant 0 : i32
    %dma_start3A_51 = tpu.memref_slice %arg2[%dma_start3A_50] : memref<43008xi32, #tpu.memory_space<hbm>> -> memref<43008xi32, #tpu.memory_space<hbm>>
    tpu.enqueue_indirect_dma source(%dma_start3A_51 : memref<43008xi32, #tpu.memory_space<hbm>>) target(%dma_start3A_46 : memref<128xi32, #tpu.memory_space<vmem>>) offsets(%dma_start3A_49 : memref<128xi32, #tpu.memory_space<vmem>>) semaphore(%arg10 : memref<!tpu.dma_semaphore, #tpu.memory_space<semaphore_mem>>)
    %dma_start3A_52 = arith.constant 2 : i32
    %dma_start3A_53 = arith.constant 2 : i32
    %dma_start3A_54 = arith.constant 0 : i32
    %dma_start3A_55 = tpu.memref_slice %arg9[%dma_start3A_53, %dma_start3A_54] : memref<10x128xi32, #tpu.memory_space<vmem>> -> memref<1x128xi32, #tpu.memory_space<vmem>>
    %dma_start3A_56 = tpu.memref_squeeze %dma_start3A_55 : memref<1x128xi32, #tpu.memory_space<vmem>> -> memref<128xi32, #tpu.memory_space<vmem>>
    %dma_start3A_57 = arith.constant 0 : i32
    %dma_start3A_58 = tpu.memref_slice %arg7[%dma_start3A_52, %dma_start3A_57] : memref<16x128xi32, #tpu.memory_space<vmem>> -> memref<1x128xi32, #tpu.memory_space<vmem>>
    %dma_start3A_59 = tpu.memref_squeeze %dma_start3A_58 : memref<1x128xi32, #tpu.memory_space<vmem>> -> memref<128xi32, #tpu.memory_space<vmem>>
    %dma_start3A_60 = arith.constant 0 : i32
    %dma_start3A_61 = tpu.memref_slice %arg3[%dma_start3A_60] : memref<43008xi32, #tpu.memory_space<hbm>> -> memref<43008xi32, #tpu.memory_space<hbm>>
    tpu.enqueue_indirect_dma source(%dma_start3A_61 : memref<43008xi32, #tpu.memory_space<hbm>>) target(%dma_start3A_56 : memref<128xi32, #tpu.memory_space<vmem>>) offsets(%dma_start3A_59 : memref<128xi32, #tpu.memory_space<vmem>>) semaphore(%arg10 : memref<!tpu.dma_semaphore, #tpu.memory_space<semaphore_mem>>)
    %dma_start3A_62 = arith.constant 3 : i32
    %dma_start3A_63 = arith.constant 3 : i32
    %dma_start3A_64 = arith.constant 0 : i32
    %dma_start3A_65 = tpu.memref_slice %arg8[%dma_start3A_63, %dma_start3A_64] : memref<10x128xi32, #tpu.memory_space<vmem>> -> memref<1x128xi32, #tpu.memory_space<vmem>>
    %dma_start3A_66 = tpu.memref_squeeze %dma_start3A_65 : memref<1x128xi32, #tpu.memory_space<vmem>> -> memref<128xi32, #tpu.memory_space<vmem>>
    %dma_start3A_67 = arith.constant 0 : i32
    %dma_start3A_68 = tpu.memref_slice %arg7[%dma_start3A_62, %dma_start3A_67] : memref<16x128xi32, #tpu.memory_space<vmem>> -> memref<1x128xi32, #tpu.memory_space<vmem>>
    %dma_start3A_69 = tpu.memref_squeeze %dma_start3A_68 : memref<1x128xi32, #tpu.memory_space<vmem>> -> memref<128xi32, #tpu.memory_space<vmem>>
    %dma_start3A_70 = arith.constant 0 : i32
    %dma_start3A_71 = tpu.memref_slice %arg2[%dma_start3A_70] : memref<43008xi32, #tpu.memory_space<hbm>> -> memref<43008xi32, #tpu.memory_space<hbm>>
    tpu.enqueue_indirect_dma source(%dma_start3A_71 : memref<43008xi32, #tpu.memory_space<hbm>>) target(%dma_start3A_66 : memref<128xi32, #tpu.memory_space<vmem>>) offsets(%dma_start3A_69 : memref<128xi32, #tpu.memory_space<vmem>>) semaphore(%arg10 : memref<!tpu.dma_semaphore, #tpu.memory_space<semaphore_mem>>)
    %dma_start3A_72 = arith.constant 3 : i32
    %dma_start3A_73 = arith.constant 3 : i32
    %dma_start3A_74 = arith.constant 0 : i32
    %dma_start3A_75 = tpu.memref_slice %arg9[%dma_start3A_73, %dma_start3A_74] : memref<10x128xi32, #tpu.memory_space<vmem>> -> memref<1x128xi32, #tpu.memory_space<vmem>>
    %dma_start3A_76 = tpu.memref_squeeze %dma_start3A_75 : memref<1x128xi32, #tpu.memory_space<vmem>> -> memref<128xi32, #tpu.memory_space<vmem>>
    %dma_start3A_77 = arith.constant 0 : i32
    %dma_start3A_78 = tpu.memref_slice %arg7[%dma_start3A_72, %dma_start3A_77] : memref<16x128xi32, #tpu.memory_space<vmem>> -> memref<1x128xi32, #tpu.memory_space<vmem>>
    %dma_start3A_79 = tpu.memref_squeeze %dma_start3A_78 : memref<1x128xi32, #tpu.memory_space<vmem>> -> memref<128xi32, #tpu.memory_space<vmem>>
    %dma_start3A_80 = arith.constant 0 : i32
    %dma_start3A_81 = tpu.memref_slice %arg3[%dma_start3A_80] : memref<43008xi32, #tpu.memory_space<hbm>> -> memref<43008xi32, #tpu.memory_space<hbm>>
    tpu.enqueue_indirect_dma source(%dma_start3A_81 : memref<43008xi32, #tpu.memory_space<hbm>>) target(%dma_start3A_76 : memref<128xi32, #tpu.memory_space<vmem>>) offsets(%dma_start3A_79 : memref<128xi32, #tpu.memory_space<vmem>>) semaphore(%arg10 : memref<!tpu.dma_semaphore, #tpu.memory_space<semaphore_mem>>)
    %dma_wait3A = arith.constant 0 : i32
    %dma_wait3A_82 = arith.constant 0 : i32
    %dma_wait3A_83 = arith.constant 0 : i32
    %dma_wait3A_84 = tpu.memref_slice %arg8[%dma_wait3A_82, %dma_wait3A_83] : memref<10x128xi32, #tpu.memory_space<vmem>> -> memref<1x128xi32, #tpu.memory_space<vmem>>
    %dma_wait3A_85 = tpu.memref_squeeze %dma_wait3A_84 : memref<1x128xi32, #tpu.memory_space<vmem>> -> memref<128xi32, #tpu.memory_space<vmem>>
    %dma_wait3A_86 = arith.constant 0 : i32
    %dma_wait3A_87 = tpu.memref_slice %arg7[%dma_wait3A, %dma_wait3A_86] : memref<16x128xi32, #tpu.memory_space<vmem>> -> memref<1x128xi32, #tpu.memory_space<vmem>>
    %dma_wait3A_88 = tpu.memref_squeeze %dma_wait3A_87 : memref<1x128xi32, #tpu.memory_space<vmem>> -> memref<128xi32, #tpu.memory_space<vmem>>
    %dma_wait3A_89 = arith.constant 0 : i32
    %dma_wait3A_90 = tpu.memref_slice %arg2[%dma_wait3A_89] : memref<43008xi32, #tpu.memory_space<hbm>> -> memref<43008xi32, #tpu.memory_space<hbm>>
    tpu.wait_indirect_dma semaphore(%arg10 : memref<!tpu.dma_semaphore, #tpu.memory_space<semaphore_mem>>) src(%dma_wait3A_90 : memref<43008xi32, #tpu.memory_space<hbm>>) dst(%dma_wait3A_85 : memref<128xi32, #tpu.memory_space<vmem>>)
    %dma_wait3A_91 = arith.constant 0 : i32
    %dma_wait3A_92 = arith.constant 0 : i32
    %dma_wait3A_93 = arith.constant 0 : i32
    %dma_wait3A_94 = tpu.memref_slice %arg9[%dma_wait3A_92, %dma_wait3A_93] : memref<10x128xi32, #tpu.memory_space<vmem>> -> memref<1x128xi32, #tpu.memory_space<vmem>>
    %dma_wait3A_95 = tpu.memref_squeeze %dma_wait3A_94 : memref<1x128xi32, #tpu.memory_space<vmem>> -> memref<128xi32, #tpu.memory_space<vmem>>
    %dma_wait3A_96 = arith.constant 0 : i32
    %dma_wait3A_97 = tpu.memref_slice %arg7[%dma_wait3A_91, %dma_wait3A_96] : memref<16x128xi32, #tpu.memory_space<vmem>> -> memref<1x128xi32, #tpu.memory_space<vmem>>
    %dma_wait3A_98 = tpu.memref_squeeze %dma_wait3A_97 : memref<1x128xi32, #tpu.memory_space<vmem>> -> memref<128xi32, #tpu.memory_space<vmem>>
    %dma_wait3A_99 = arith.constant 0 : i32
    %dma_wait3A_100 = tpu.memref_slice %arg3[%dma_wait3A_99] : memref<43008xi32, #tpu.memory_space<hbm>> -> memref<43008xi32, #tpu.memory_space<hbm>>
    tpu.wait_indirect_dma semaphore(%arg10 : memref<!tpu.dma_semaphore, #tpu.memory_space<semaphore_mem>>) src(%dma_wait3A_100 : memref<43008xi32, #tpu.memory_space<hbm>>) dst(%dma_wait3A_95 : memref<128xi32, #tpu.memory_space<vmem>>)
    %dma_wait3A_101 = arith.constant 1 : i32
    %dma_wait3A_102 = arith.constant 1 : i32
    %dma_wait3A_103 = arith.constant 0 : i32
    %dma_wait3A_104 = tpu.memref_slice %arg8[%dma_wait3A_102, %dma_wait3A_103] : memref<10x128xi32, #tpu.memory_space<vmem>> -> memref<1x128xi32, #tpu.memory_space<vmem>>
    %dma_wait3A_105 = tpu.memref_squeeze %dma_wait3A_104 : memref<1x128xi32, #tpu.memory_space<vmem>> -> memref<128xi32, #tpu.memory_space<vmem>>
    %dma_wait3A_106 = arith.constant 0 : i32
    %dma_wait3A_107 = tpu.memref_slice %arg7[%dma_wait3A_101, %dma_wait3A_106] : memref<16x128xi32, #tpu.memory_space<vmem>> -> memref<1x128xi32, #tpu.memory_space<vmem>>
    %dma_wait3A_108 = tpu.memref_squeeze %dma_wait3A_107 : memref<1x128xi32, #tpu.memory_space<vmem>> -> memref<128xi32, #tpu.memory_space<vmem>>
    %dma_wait3A_109 = arith.constant 0 : i32
    %dma_wait3A_110 = tpu.memref_slice %arg2[%dma_wait3A_109] : memref<43008xi32, #tpu.memory_space<hbm>> -> memref<43008xi32, #tpu.memory_space<hbm>>
    tpu.wait_indirect_dma semaphore(%arg10 : memref<!tpu.dma_semaphore, #tpu.memory_space<semaphore_mem>>) src(%dma_wait3A_110 : memref<43008xi32, #tpu.memory_space<hbm>>) dst(%dma_wait3A_105 : memref<128xi32, #tpu.memory_space<vmem>>)
    %dma_wait3A_111 = arith.constant 1 : i32
    %dma_wait3A_112 = arith.constant 1 : i32
    %dma_wait3A_113 = arith.constant 0 : i32
    %dma_wait3A_114 = tpu.memref_slice %arg9[%dma_wait3A_112, %dma_wait3A_113] : memref<10x128xi32, #tpu.memory_space<vmem>> -> memref<1x128xi32, #tpu.memory_space<vmem>>
    %dma_wait3A_115 = tpu.memref_squeeze %dma_wait3A_114 : memref<1x128xi32, #tpu.memory_space<vmem>> -> memref<128xi32, #tpu.memory_space<vmem>>
    %dma_wait3A_116 = arith.constant 0 : i32
    %dma_wait3A_117 = tpu.memref_slice %arg7[%dma_wait3A_111, %dma_wait3A_116] : memref<16x128xi32, #tpu.memory_space<vmem>> -> memref<1x128xi32, #tpu.memory_space<vmem>>
    %dma_wait3A_118 = tpu.memref_squeeze %dma_wait3A_117 : memref<1x128xi32, #tpu.memory_space<vmem>> -> memref<128xi32, #tpu.memory_space<vmem>>
    %dma_wait3A_119 = arith.constant 0 : i32
    %dma_wait3A_120 = tpu.memref_slice %arg3[%dma_wait3A_119] : memref<43008xi32, #tpu.memory_space<hbm>> -> memref<43008xi32, #tpu.memory_space<hbm>>
    tpu.wait_indirect_dma semaphore(%arg10 : memref<!tpu.dma_semaphore, #tpu.memory_space<semaphore_mem>>) src(%dma_wait3A_120 : memref<43008xi32, #tpu.memory_space<hbm>>) dst(%dma_wait3A_115 : memref<128xi32, #tpu.memory_space<vmem>>)
    %dma_wait3A_121 = arith.constant 2 : i32
    %dma_wait3A_122 = arith.constant 2 : i32
    %dma_wait3A_123 = arith.constant 0 : i32
    %dma_wait3A_124 = tpu.memref_slice %arg8[%dma_wait3A_122, %dma_wait3A_123] : memref<10x128xi32, #tpu.memory_space<vmem>> -> memref<1x128xi32, #tpu.memory_space<vmem>>
    %dma_wait3A_125 = tpu.memref_squeeze %dma_wait3A_124 : memref<1x128xi32, #tpu.memory_space<vmem>> -> memref<128xi32, #tpu.memory_space<vmem>>
    %dma_wait3A_126 = arith.constant 0 : i32
    %dma_wait3A_127 = tpu.memref_slice %arg7[%dma_wait3A_121, %dma_wait3A_126] : memref<16x128xi32, #tpu.memory_space<vmem>> -> memref<1x128xi32, #tpu.memory_space<vmem>>
    %dma_wait3A_128 = tpu.memref_squeeze %dma_wait3A_127 : memref<1x128xi32, #tpu.memory_space<vmem>> -> memref<128xi32, #tpu.memory_space<vmem>>
    %dma_wait3A_129 = arith.constant 0 : i32
    %dma_wait3A_130 = tpu.memref_slice %arg2[%dma_wait3A_129] : memref<43008xi32, #tpu.memory_space<hbm>> -> memref<43008xi32, #tpu.memory_space<hbm>>
    tpu.wait_indirect_dma semaphore(%arg10 : memref<!tpu.dma_semaphore, #tpu.memory_space<semaphore_mem>>) src(%dma_wait3A_130 : memref<43008xi32, #tpu.memory_space<hbm>>) dst(%dma_wait3A_125 : memref<128xi32, #tpu.memory_space<vmem>>)
    %dma_wait3A_131 = arith.constant 2 : i32
    %dma_wait3A_132 = arith.constant 2 : i32
    %dma_wait3A_133 = arith.constant 0 : i32
    %dma_wait3A_134 = tpu.memref_slice %arg9[%dma_wait3A_132, %dma_wait3A_133] : memref<10x128xi32, #tpu.memory_space<vmem>> -> memref<1x128xi32, #tpu.memory_space<vmem>>
    %dma_wait3A_135 = tpu.memref_squeeze %dma_wait3A_134 : memref<1x128xi32, #tpu.memory_space<vmem>> -> memref<128xi32, #tpu.memory_space<vmem>>
    %dma_wait3A_136 = arith.constant 0 : i32
    %dma_wait3A_137 = tpu.memref_slice %arg7[%dma_wait3A_131, %dma_wait3A_136] : memref<16x128xi32, #tpu.memory_space<vmem>> -> memref<1x128xi32, #tpu.memory_space<vmem>>
    %dma_wait3A_138 = tpu.memref_squeeze %dma_wait3A_137 : memref<1x128xi32, #tpu.memory_space<vmem>> -> memref<128xi32, #tpu.memory_space<vmem>>
    %dma_wait3A_139 = arith.constant 0 : i32
    %dma_wait3A_140 = tpu.memref_slice %arg3[%dma_wait3A_139] : memref<43008xi32, #tpu.memory_space<hbm>> -> memref<43008xi32, #tpu.memory_space<hbm>>
    tpu.wait_indirect_dma semaphore(%arg10 : memref<!tpu.dma_semaphore, #tpu.memory_space<semaphore_mem>>) src(%dma_wait3A_140 : memref<43008xi32, #tpu.memory_space<hbm>>) dst(%dma_wait3A_135 : memref<128xi32, #tpu.memory_space<vmem>>)
    %dma_wait3A_141 = arith.constant 3 : i32
    %dma_wait3A_142 = arith.constant 3 : i32
    %dma_wait3A_143 = arith.constant 0 : i32
    %dma_wait3A_144 = tpu.memref_slice %arg8[%dma_wait3A_142, %dma_wait3A_143] : memref<10x128xi32, #tpu.memory_space<vmem>> -> memref<1x128xi32, #tpu.memory_space<vmem>>
    %dma_wait3A_145 = tpu.memref_squeeze %dma_wait3A_144 : memref<1x128xi32, #tpu.memory_space<vmem>> -> memref<128xi32, #tpu.memory_space<vmem>>
    %dma_wait3A_146 = arith.constant 0 : i32
    %dma_wait3A_147 = tpu.memref_slice %arg7[%dma_wait3A_141, %dma_wait3A_146] : memref<16x128xi32, #tpu.memory_space<vmem>> -> memref<1x128xi32, #tpu.memory_space<vmem>>
    %dma_wait3A_148 = tpu.memref_squeeze %dma_wait3A_147 : memref<1x128xi32, #tpu.memory_space<vmem>> -> memref<128xi32, #tpu.memory_space<vmem>>
    %dma_wait3A_149 = arith.constant 0 : i32
    %dma_wait3A_150 = tpu.memref_slice %arg2[%dma_wait3A_149] : memref<43008xi32, #tpu.memory_space<hbm>> -> memref<43008xi32, #tpu.memory_space<hbm>>
    tpu.wait_indirect_dma semaphore(%arg10 : memref<!tpu.dma_semaphore, #tpu.memory_space<semaphore_mem>>) src(%dma_wait3A_150 : memref<43008xi32, #tpu.memory_space<hbm>>) dst(%dma_wait3A_145 : memref<128xi32, #tpu.memory_space<vmem>>)
    %dma_wait3A_151 = arith.constant 3 : i32
    %dma_wait3A_152 = arith.constant 3 : i32
    %dma_wait3A_153 = arith.constant 0 : i32
    %dma_wait3A_154 = tpu.memref_slice %arg9[%dma_wait3A_152, %dma_wait3A_153] : memref<10x128xi32, #tpu.memory_space<vmem>> -> memref<1x128xi32, #tpu.memory_space<vmem>>
    %dma_wait3A_155 = tpu.memref_squeeze %dma_wait3A_154 : memref<1x128xi32, #tpu.memory_space<vmem>> -> memref<128xi32, #tpu.memory_space<vmem>>
    %dma_wait3A_156 = arith.constant 0 : i32
    %dma_wait3A_157 = tpu.memref_slice %arg7[%dma_wait3A_151, %dma_wait3A_156] : memref<16x128xi32, #tpu.memory_space<vmem>> -> memref<1x128xi32, #tpu.memory_space<vmem>>
    %dma_wait3A_158 = tpu.memref_squeeze %dma_wait3A_157 : memref<1x128xi32, #tpu.memory_space<vmem>> -> memref<128xi32, #tpu.memory_space<vmem>>
    %dma_wait3A_159 = arith.constant 0 : i32
    %dma_wait3A_160 = tpu.memref_slice %arg3[%dma_wait3A_159] : memref<43008xi32, #tpu.memory_space<hbm>> -> memref<43008xi32, #tpu.memory_space<hbm>>
    tpu.wait_indirect_dma semaphore(%arg10 : memref<!tpu.dma_semaphore, #tpu.memory_space<semaphore_mem>>) src(%dma_wait3A_160 : memref<43008xi32, #tpu.memory_space<hbm>>) dst(%dma_wait3A_155 : memref<128xi32, #tpu.memory_space<vmem>>)
    %dma_start3A_161 = arith.constant 4 : i32
    %dma_start3A_162 = arith.constant 4 : i32
    %dma_start3A_163 = arith.constant 0 : i32
    %dma_start3A_164 = tpu.memref_slice %arg8[%dma_start3A_162, %dma_start3A_163] : memref<10x128xi32, #tpu.memory_space<vmem>> -> memref<1x128xi32, #tpu.memory_space<vmem>>
    %dma_start3A_165 = tpu.memref_squeeze %dma_start3A_164 : memref<1x128xi32, #tpu.memory_space<vmem>> -> memref<128xi32, #tpu.memory_space<vmem>>
    %dma_start3A_166 = arith.constant 0 : i32
    %dma_start3A_167 = tpu.memref_slice %arg7[%dma_start3A_161, %dma_start3A_166] : memref<16x128xi32, #tpu.memory_space<vmem>> -> memref<1x128xi32, #tpu.memory_space<vmem>>
    %dma_start3A_168 = tpu.memref_squeeze %dma_start3A_167 : memref<1x128xi32, #tpu.memory_space<vmem>> -> memref<128xi32, #tpu.memory_space<vmem>>
    %dma_start3A_169 = arith.constant 0 : i32
    %dma_start3A_170 = tpu.memref_slice %arg2[%dma_start3A_169] : memref<43008xi32, #tpu.memory_space<hbm>> -> memref<43008xi32, #tpu.memory_space<hbm>>
    tpu.enqueue_indirect_dma source(%dma_start3A_170 : memref<43008xi32, #tpu.memory_space<hbm>>) target(%dma_start3A_165 : memref<128xi32, #tpu.memory_space<vmem>>) offsets(%dma_start3A_168 : memref<128xi32, #tpu.memory_space<vmem>>) semaphore(%arg10 : memref<!tpu.dma_semaphore, #tpu.memory_space<semaphore_mem>>)
    %dma_start3A_171 = arith.constant 4 : i32
    %dma_start3A_172 = arith.constant 4 : i32
    %dma_start3A_173 = arith.constant 0 : i32
    %dma_start3A_174 = tpu.memref_slice %arg9[%dma_start3A_172, %dma_start3A_173] : memref<10x128xi32, #tpu.memory_space<vmem>> -> memref<1x128xi32, #tpu.memory_space<vmem>>
    %dma_start3A_175 = tpu.memref_squeeze %dma_start3A_174 : memref<1x128xi32, #tpu.memory_space<vmem>> -> memref<128xi32, #tpu.memory_space<vmem>>
    %dma_start3A_176 = arith.constant 0 : i32
    %dma_start3A_177 = tpu.memref_slice %arg7[%dma_start3A_171, %dma_start3A_176] : memref<16x128xi32, #tpu.memory_space<vmem>> -> memref<1x128xi32, #tpu.memory_space<vmem>>
    %dma_start3A_178 = tpu.memref_squeeze %dma_start3A_177 : memref<1x128xi32, #tpu.memory_space<vmem>> -> memref<128xi32, #tpu.memory_space<vmem>>
    %dma_start3A_179 = arith.constant 0 : i32
    %dma_start3A_180 = tpu.memref_slice %arg3[%dma_start3A_179] : memref<43008xi32, #tpu.memory_space<hbm>> -> memref<43008xi32, #tpu.memory_space<hbm>>
    tpu.enqueue_indirect_dma source(%dma_start3A_180 : memref<43008xi32, #tpu.memory_space<hbm>>) target(%dma_start3A_175 : memref<128xi32, #tpu.memory_space<vmem>>) offsets(%dma_start3A_178 : memref<128xi32, #tpu.memory_space<vmem>>) semaphore(%arg10 : memref<!tpu.dma_semaphore, #tpu.memory_space<semaphore_mem>>)
    %dma_start3A_181 = arith.constant 5 : i32
    %dma_start3A_182 = arith.constant 5 : i32
    %dma_start3A_183 = arith.constant 0 : i32
    %dma_start3A_184 = tpu.memref_slice %arg8[%dma_start3A_182, %dma_start3A_183] : memref<10x128xi32, #tpu.memory_space<vmem>> -> memref<1x128xi32, #tpu.memory_space<vmem>>
    %dma_start3A_185 = tpu.memref_squeeze %dma_start3A_184 : memref<1x128xi32, #tpu.memory_space<vmem>> -> memref<128xi32, #tpu.memory_space<vmem>>
    %dma_start3A_186 = arith.constant 0 : i32
    %dma_start3A_187 = tpu.memref_slice %arg7[%dma_start3A_181, %dma_start3A_186] : memref<16x128xi32, #tpu.memory_space<vmem>> -> memref<1x128xi32, #tpu.memory_space<vmem>>
    %dma_start3A_188 = tpu.memref_squeeze %dma_start3A_187 : memref<1x128xi32, #tpu.memory_space<vmem>> -> memref<128xi32, #tpu.memory_space<vmem>>
    %dma_start3A_189 = arith.constant 0 : i32
    %dma_start3A_190 = tpu.memref_slice %arg2[%dma_start3A_189] : memref<43008xi32, #tpu.memory_space<hbm>> -> memref<43008xi32, #tpu.memory_space<hbm>>
    tpu.enqueue_indirect_dma source(%dma_start3A_190 : memref<43008xi32, #tpu.memory_space<hbm>>) target(%dma_start3A_185 : memref<128xi32, #tpu.memory_space<vmem>>) offsets(%dma_start3A_188 : memref<128xi32, #tpu.memory_space<vmem>>) semaphore(%arg10 : memref<!tpu.dma_semaphore, #tpu.memory_space<semaphore_mem>>)
    %dma_start3A_191 = arith.constant 5 : i32
    %dma_start3A_192 = arith.constant 5 : i32
    %dma_start3A_193 = arith.constant 0 : i32
    %dma_start3A_194 = tpu.memref_slice %arg9[%dma_start3A_192, %dma_start3A_193] : memref<10x128xi32, #tpu.memory_space<vmem>> -> memref<1x128xi32, #tpu.memory_space<vmem>>
    %dma_start3A_195 = tpu.memref_squeeze %dma_start3A_194 : memref<1x128xi32, #tpu.memory_space<vmem>> -> memref<128xi32, #tpu.memory_space<vmem>>
    %dma_start3A_196 = arith.constant 0 : i32
    %dma_start3A_197 = tpu.memref_slice %arg7[%dma_start3A_191, %dma_start3A_196] : memref<16x128xi32, #tpu.memory_space<vmem>> -> memref<1x128xi32, #tpu.memory_space<vmem>>
    %dma_start3A_198 = tpu.memref_squeeze %dma_start3A_197 : memref<1x128xi32, #tpu.memory_space<vmem>> -> memref<128xi32, #tpu.memory_space<vmem>>
    %dma_start3A_199 = arith.constant 0 : i32
    %dma_start3A_200 = tpu.memref_slice %arg3[%dma_start3A_199] : memref<43008xi32, #tpu.memory_space<hbm>> -> memref<43008xi32, #tpu.memory_space<hbm>>
    tpu.enqueue_indirect_dma source(%dma_start3A_200 : memref<43008xi32, #tpu.memory_space<hbm>>) target(%dma_start3A_195 : memref<128xi32, #tpu.memory_space<vmem>>) offsets(%dma_start3A_198 : memref<128xi32, #tpu.memory_space<vmem>>) semaphore(%arg10 : memref<!tpu.dma_semaphore, #tpu.memory_space<semaphore_mem>>)
    %dma_start3A_201 = arith.constant 6 : i32
    %dma_start3A_202 = arith.constant 6 : i32
    %dma_start3A_203 = arith.constant 0 : i32
    %dma_start3A_204 = tpu.memref_slice %arg8[%dma_start3A_202, %dma_start3A_203] : memref<10x128xi32, #tpu.memory_space<vmem>> -> memref<1x128xi32, #tpu.memory_space<vmem>>
    %dma_start3A_205 = tpu.memref_squeeze %dma_start3A_204 : memref<1x128xi32, #tpu.memory_space<vmem>> -> memref<128xi32, #tpu.memory_space<vmem>>
    %dma_start3A_206 = arith.constant 0 : i32
    %dma_start3A_207 = tpu.memref_slice %arg7[%dma_start3A_201, %dma_start3A_206] : memref<16x128xi32, #tpu.memory_space<vmem>> -> memref<1x128xi32, #tpu.memory_space<vmem>>
    %dma_start3A_208 = tpu.memref_squeeze %dma_start3A_207 : memref<1x128xi32, #tpu.memory_space<vmem>> -> memref<128xi32, #tpu.memory_space<vmem>>
    %dma_start3A_209 = arith.constant 0 : i32
    %dma_start3A_210 = tpu.memref_slice %arg2[%dma_start3A_209] : memref<43008xi32, #tpu.memory_space<hbm>> -> memref<43008xi32, #tpu.memory_space<hbm>>
    tpu.enqueue_indirect_dma source(%dma_start3A_210 : memref<43008xi32, #tpu.memory_space<hbm>>) target(%dma_start3A_205 : memref<128xi32, #tpu.memory_space<vmem>>) offsets(%dma_start3A_208 : memref<128xi32, #tpu.memory_space<vmem>>) semaphore(%arg10 : memref<!tpu.dma_semaphore, #tpu.memory_space<semaphore_mem>>)
    %dma_start3A_211 = arith.constant 6 : i32
    %dma_start3A_212 = arith.constant 6 : i32
    %dma_start3A_213 = arith.constant 0 : i32
    %dma_start3A_214 = tpu.memref_slice %arg9[%dma_start3A_212, %dma_start3A_213] : memref<10x128xi32, #tpu.memory_space<vmem>> -> memref<1x128xi32, #tpu.memory_space<vmem>>
    %dma_start3A_215 = tpu.memref_squeeze %dma_start3A_214 : memref<1x128xi32, #tpu.memory_space<vmem>> -> memref<128xi32, #tpu.memory_space<vmem>>
    %dma_start3A_216 = arith.constant 0 : i32
    %dma_start3A_217 = tpu.memref_slice %arg7[%dma_start3A_211, %dma_start3A_216] : memref<16x128xi32, #tpu.memory_space<vmem>> -> memref<1x128xi32, #tpu.memory_space<vmem>>
    %dma_start3A_218 = tpu.memref_squeeze %dma_start3A_217 : memref<1x128xi32, #tpu.memory_space<vmem>> -> memref<128xi32, #tpu.memory_space<vmem>>
    %dma_start3A_219 = arith.constant 0 : i32
    %dma_start3A_220 = tpu.memref_slice %arg3[%dma_start3A_219] : memref<43008xi32, #tpu.memory_space<hbm>> -> memref<43008xi32, #tpu.memory_space<hbm>>
    tpu.enqueue_indirect_dma source(%dma_start3A_220 : memref<43008xi32, #tpu.memory_space<hbm>>) target(%dma_start3A_215 : memref<128xi32, #tpu.memory_space<vmem>>) offsets(%dma_start3A_218 : memref<128xi32, #tpu.memory_space<vmem>>) semaphore(%arg10 : memref<!tpu.dma_semaphore, #tpu.memory_space<semaphore_mem>>)
    %dma_start3A_221 = arith.constant 7 : i32
    %dma_start3A_222 = arith.constant 7 : i32
    %dma_start3A_223 = arith.constant 0 : i32
    %dma_start3A_224 = tpu.memref_slice %arg8[%dma_start3A_222, %dma_start3A_223] : memref<10x128xi32, #tpu.memory_space<vmem>> -> memref<1x128xi32, #tpu.memory_space<vmem>>
    %dma_start3A_225 = tpu.memref_squeeze %dma_start3A_224 : memref<1x128xi32, #tpu.memory_space<vmem>> -> memref<128xi32, #tpu.memory_space<vmem>>
    %dma_start3A_226 = arith.constant 0 : i32
    %dma_start3A_227 = tpu.memref_slice %arg7[%dma_start3A_221, %dma_start3A_226] : memref<16x128xi32, #tpu.memory_space<vmem>> -> memref<1x128xi32, #tpu.memory_space<vmem>>
    %dma_start3A_228 = tpu.memref_squeeze %dma_start3A_227 : memref<1x128xi32, #tpu.memory_space<vmem>> -> memref<128xi32, #tpu.memory_space<vmem>>
    %dma_start3A_229 = arith.constant 0 : i32
    %dma_start3A_230 = tpu.memref_slice %arg2[%dma_start3A_229] : memref<43008xi32, #tpu.memory_space<hbm>> -> memref<43008xi32, #tpu.memory_space<hbm>>
    tpu.enqueue_indirect_dma source(%dma_start3A_230 : memref<43008xi32, #tpu.memory_space<hbm>>) target(%dma_start3A_225 : memref<128xi32, #tpu.memory_space<vmem>>) offsets(%dma_start3A_228 : memref<128xi32, #tpu.memory_space<vmem>>) semaphore(%arg10 : memref<!tpu.dma_semaphore, #tpu.memory_space<semaphore_mem>>)
    %dma_start3A_231 = arith.constant 7 : i32
    %dma_start3A_232 = arith.constant 7 : i32
    %dma_start3A_233 = arith.constant 0 : i32
    %dma_start3A_234 = tpu.memref_slice %arg9[%dma_start3A_232, %dma_start3A_233] : memref<10x128xi32, #tpu.memory_space<vmem>> -> memref<1x128xi32, #tpu.memory_space<vmem>>
    %dma_start3A_235 = tpu.memref_squeeze %dma_start3A_234 : memref<1x128xi32, #tpu.memory_space<vmem>> -> memref<128xi32, #tpu.memory_space<vmem>>
    %dma_start3A_236 = arith.constant 0 : i32
    %dma_start3A_237 = tpu.memref_slice %arg7[%dma_start3A_231, %dma_start3A_236] : memref<16x128xi32, #tpu.memory_space<vmem>> -> memref<1x128xi32, #tpu.memory_space<vmem>>
    %dma_start3A_238 = tpu.memref_squeeze %dma_start3A_237 : memref<1x128xi32, #tpu.memory_space<vmem>> -> memref<128xi32, #tpu.memory_space<vmem>>
    %dma_start3A_239 = arith.constant 0 : i32
    %dma_start3A_240 = tpu.memref_slice %arg3[%dma_start3A_239] : memref<43008xi32, #tpu.memory_space<hbm>> -> memref<43008xi32, #tpu.memory_space<hbm>>
    tpu.enqueue_indirect_dma source(%dma_start3A_240 : memref<43008xi32, #tpu.memory_space<hbm>>) target(%dma_start3A_235 : memref<128xi32, #tpu.memory_space<vmem>>) offsets(%dma_start3A_238 : memref<128xi32, #tpu.memory_space<vmem>>) semaphore(%arg10 : memref<!tpu.dma_semaphore, #tpu.memory_space<semaphore_mem>>)
    %dma_wait3A_241 = arith.constant 4 : i32
    %dma_wait3A_242 = arith.constant 4 : i32
    %dma_wait3A_243 = arith.constant 0 : i32
    %dma_wait3A_244 = tpu.memref_slice %arg8[%dma_wait3A_242, %dma_wait3A_243] : memref<10x128xi32, #tpu.memory_space<vmem>> -> memref<1x128xi32, #tpu.memory_space<vmem>>
    %dma_wait3A_245 = tpu.memref_squeeze %dma_wait3A_244 : memref<1x128xi32, #tpu.memory_space<vmem>> -> memref<128xi32, #tpu.memory_space<vmem>>
    %dma_wait3A_246 = arith.constant 0 : i32
    %dma_wait3A_247 = tpu.memref_slice %arg7[%dma_wait3A_241, %dma_wait3A_246] : memref<16x128xi32, #tpu.memory_space<vmem>> -> memref<1x128xi32, #tpu.memory_space<vmem>>
    %dma_wait3A_248 = tpu.memref_squeeze %dma_wait3A_247 : memref<1x128xi32, #tpu.memory_space<vmem>> -> memref<128xi32, #tpu.memory_space<vmem>>
    %dma_wait3A_249 = arith.constant 0 : i32
    %dma_wait3A_250 = tpu.memref_slice %arg2[%dma_wait3A_249] : memref<43008xi32, #tpu.memory_space<hbm>> -> memref<43008xi32, #tpu.memory_space<hbm>>
    tpu.wait_indirect_dma semaphore(%arg10 : memref<!tpu.dma_semaphore, #tpu.memory_space<semaphore_mem>>) src(%dma_wait3A_250 : memref<43008xi32, #tpu.memory_space<hbm>>) dst(%dma_wait3A_245 : memref<128xi32, #tpu.memory_space<vmem>>)
    %dma_wait3A_251 = arith.constant 4 : i32
    %dma_wait3A_252 = arith.constant 4 : i32
    %dma_wait3A_253 = arith.constant 0 : i32
    %dma_wait3A_254 = tpu.memref_slice %arg9[%dma_wait3A_252, %dma_wait3A_253] : memref<10x128xi32, #tpu.memory_space<vmem>> -> memref<1x128xi32, #tpu.memory_space<vmem>>
    %dma_wait3A_255 = tpu.memref_squeeze %dma_wait3A_254 : memref<1x128xi32, #tpu.memory_space<vmem>> -> memref<128xi32, #tpu.memory_space<vmem>>
    %dma_wait3A_256 = arith.constant 0 : i32
    %dma_wait3A_257 = tpu.memref_slice %arg7[%dma_wait3A_251, %dma_wait3A_256] : memref<16x128xi32, #tpu.memory_space<vmem>> -> memref<1x128xi32, #tpu.memory_space<vmem>>
    %dma_wait3A_258 = tpu.memref_squeeze %dma_wait3A_257 : memref<1x128xi32, #tpu.memory_space<vmem>> -> memref<128xi32, #tpu.memory_space<vmem>>
    %dma_wait3A_259 = arith.constant 0 : i32
    %dma_wait3A_260 = tpu.memref_slice %arg3[%dma_wait3A_259] : memref<43008xi32, #tpu.memory_space<hbm>> -> memref<43008xi32, #tpu.memory_space<hbm>>
    tpu.wait_indirect_dma semaphore(%arg10 : memref<!tpu.dma_semaphore, #tpu.memory_space<semaphore_mem>>) src(%dma_wait3A_260 : memref<43008xi32, #tpu.memory_space<hbm>>) dst(%dma_wait3A_255 : memref<128xi32, #tpu.memory_space<vmem>>)
    %dma_wait3A_261 = arith.constant 5 : i32
    %dma_wait3A_262 = arith.constant 5 : i32
    %dma_wait3A_263 = arith.constant 0 : i32
    %dma_wait3A_264 = tpu.memref_slice %arg8[%dma_wait3A_262, %dma_wait3A_263] : memref<10x128xi32, #tpu.memory_space<vmem>> -> memref<1x128xi32, #tpu.memory_space<vmem>>
    %dma_wait3A_265 = tpu.memref_squeeze %dma_wait3A_264 : memref<1x128xi32, #tpu.memory_space<vmem>> -> memref<128xi32, #tpu.memory_space<vmem>>
    %dma_wait3A_266 = arith.constant 0 : i32
    %dma_wait3A_267 = tpu.memref_slice %arg7[%dma_wait3A_261, %dma_wait3A_266] : memref<16x128xi32, #tpu.memory_space<vmem>> -> memref<1x128xi32, #tpu.memory_space<vmem>>
    %dma_wait3A_268 = tpu.memref_squeeze %dma_wait3A_267 : memref<1x128xi32, #tpu.memory_space<vmem>> -> memref<128xi32, #tpu.memory_space<vmem>>
    %dma_wait3A_269 = arith.constant 0 : i32
    %dma_wait3A_270 = tpu.memref_slice %arg2[%dma_wait3A_269] : memref<43008xi32, #tpu.memory_space<hbm>> -> memref<43008xi32, #tpu.memory_space<hbm>>
    tpu.wait_indirect_dma semaphore(%arg10 : memref<!tpu.dma_semaphore, #tpu.memory_space<semaphore_mem>>) src(%dma_wait3A_270 : memref<43008xi32, #tpu.memory_space<hbm>>) dst(%dma_wait3A_265 : memref<128xi32, #tpu.memory_space<vmem>>)
    %dma_wait3A_271 = arith.constant 5 : i32
    %dma_wait3A_272 = arith.constant 5 : i32
    %dma_wait3A_273 = arith.constant 0 : i32
    %dma_wait3A_274 = tpu.memref_slice %arg9[%dma_wait3A_272, %dma_wait3A_273] : memref<10x128xi32, #tpu.memory_space<vmem>> -> memref<1x128xi32, #tpu.memory_space<vmem>>
    %dma_wait3A_275 = tpu.memref_squeeze %dma_wait3A_274 : memref<1x128xi32, #tpu.memory_space<vmem>> -> memref<128xi32, #tpu.memory_space<vmem>>
    %dma_wait3A_276 = arith.constant 0 : i32
    %dma_wait3A_277 = tpu.memref_slice %arg7[%dma_wait3A_271, %dma_wait3A_276] : memref<16x128xi32, #tpu.memory_space<vmem>> -> memref<1x128xi32, #tpu.memory_space<vmem>>
    %dma_wait3A_278 = tpu.memref_squeeze %dma_wait3A_277 : memref<1x128xi32, #tpu.memory_space<vmem>> -> memref<128xi32, #tpu.memory_space<vmem>>
    %dma_wait3A_279 = arith.constant 0 : i32
    %dma_wait3A_280 = tpu.memref_slice %arg3[%dma_wait3A_279] : memref<43008xi32, #tpu.memory_space<hbm>> -> memref<43008xi32, #tpu.memory_space<hbm>>
    tpu.wait_indirect_dma semaphore(%arg10 : memref<!tpu.dma_semaphore, #tpu.memory_space<semaphore_mem>>) src(%dma_wait3A_280 : memref<43008xi32, #tpu.memory_space<hbm>>) dst(%dma_wait3A_275 : memref<128xi32, #tpu.memory_space<vmem>>)
    %dma_wait3A_281 = arith.constant 6 : i32
    %dma_wait3A_282 = arith.constant 6 : i32
    %dma_wait3A_283 = arith.constant 0 : i32
    %dma_wait3A_284 = tpu.memref_slice %arg8[%dma_wait3A_282, %dma_wait3A_283] : memref<10x128xi32, #tpu.memory_space<vmem>> -> memref<1x128xi32, #tpu.memory_space<vmem>>
    %dma_wait3A_285 = tpu.memref_squeeze %dma_wait3A_284 : memref<1x128xi32, #tpu.memory_space<vmem>> -> memref<128xi32, #tpu.memory_space<vmem>>
    %dma_wait3A_286 = arith.constant 0 : i32
    %dma_wait3A_287 = tpu.memref_slice %arg7[%dma_wait3A_281, %dma_wait3A_286] : memref<16x128xi32, #tpu.memory_space<vmem>> -> memref<1x128xi32, #tpu.memory_space<vmem>>
    %dma_wait3A_288 = tpu.memref_squeeze %dma_wait3A_287 : memref<1x128xi32, #tpu.memory_space<vmem>> -> memref<128xi32, #tpu.memory_space<vmem>>
    %dma_wait3A_289 = arith.constant 0 : i32
    %dma_wait3A_290 = tpu.memref_slice %arg2[%dma_wait3A_289] : memref<43008xi32, #tpu.memory_space<hbm>> -> memref<43008xi32, #tpu.memory_space<hbm>>
    tpu.wait_indirect_dma semaphore(%arg10 : memref<!tpu.dma_semaphore, #tpu.memory_space<semaphore_mem>>) src(%dma_wait3A_290 : memref<43008xi32, #tpu.memory_space<hbm>>) dst(%dma_wait3A_285 : memref<128xi32, #tpu.memory_space<vmem>>)
    %dma_wait3A_291 = arith.constant 6 : i32
    %dma_wait3A_292 = arith.constant 6 : i32
    %dma_wait3A_293 = arith.constant 0 : i32
    %dma_wait3A_294 = tpu.memref_slice %arg9[%dma_wait3A_292, %dma_wait3A_293] : memref<10x128xi32, #tpu.memory_space<vmem>> -> memref<1x128xi32, #tpu.memory_space<vmem>>
    %dma_wait3A_295 = tpu.memref_squeeze %dma_wait3A_294 : memref<1x128xi32, #tpu.memory_space<vmem>> -> memref<128xi32, #tpu.memory_space<vmem>>
    %dma_wait3A_296 = arith.constant 0 : i32
    %dma_wait3A_297 = tpu.memref_slice %arg7[%dma_wait3A_291, %dma_wait3A_296] : memref<16x128xi32, #tpu.memory_space<vmem>> -> memref<1x128xi32, #tpu.memory_space<vmem>>
    %dma_wait3A_298 = tpu.memref_squeeze %dma_wait3A_297 : memref<1x128xi32, #tpu.memory_space<vmem>> -> memref<128xi32, #tpu.memory_space<vmem>>
    %dma_wait3A_299 = arith.constant 0 : i32
    %dma_wait3A_300 = tpu.memref_slice %arg3[%dma_wait3A_299] : memref<43008xi32, #tpu.memory_space<hbm>> -> memref<43008xi32, #tpu.memory_space<hbm>>
    tpu.wait_indirect_dma semaphore(%arg10 : memref<!tpu.dma_semaphore, #tpu.memory_space<semaphore_mem>>) src(%dma_wait3A_300 : memref<43008xi32, #tpu.memory_space<hbm>>) dst(%dma_wait3A_295 : memref<128xi32, #tpu.memory_space<vmem>>)
    %dma_wait3A_301 = arith.constant 7 : i32
    %dma_wait3A_302 = arith.constant 7 : i32
    %dma_wait3A_303 = arith.constant 0 : i32
    %dma_wait3A_304 = tpu.memref_slice %arg8[%dma_wait3A_302, %dma_wait3A_303] : memref<10x128xi32, #tpu.memory_space<vmem>> -> memref<1x128xi32, #tpu.memory_space<vmem>>
    %dma_wait3A_305 = tpu.memref_squeeze %dma_wait3A_304 : memref<1x128xi32, #tpu.memory_space<vmem>> -> memref<128xi32, #tpu.memory_space<vmem>>
    %dma_wait3A_306 = arith.constant 0 : i32
    %dma_wait3A_307 = tpu.memref_slice %arg7[%dma_wait3A_301, %dma_wait3A_306] : memref<16x128xi32, #tpu.memory_space<vmem>> -> memref<1x128xi32, #tpu.memory_space<vmem>>
    %dma_wait3A_308 = tpu.memref_squeeze %dma_wait3A_307 : memref<1x128xi32, #tpu.memory_space<vmem>> -> memref<128xi32, #tpu.memory_space<vmem>>
    %dma_wait3A_309 = arith.constant 0 : i32
    %dma_wait3A_310 = tpu.memref_slice %arg2[%dma_wait3A_309] : memref<43008xi32, #tpu.memory_space<hbm>> -> memref<43008xi32, #tpu.memory_space<hbm>>
    tpu.wait_indirect_dma semaphore(%arg10 : memref<!tpu.dma_semaphore, #tpu.memory_space<semaphore_mem>>) src(%dma_wait3A_310 : memref<43008xi32, #tpu.memory_space<hbm>>) dst(%dma_wait3A_305 : memref<128xi32, #tpu.memory_space<vmem>>)
    %dma_wait3A_311 = arith.constant 7 : i32
    %dma_wait3A_312 = arith.constant 7 : i32
    %dma_wait3A_313 = arith.constant 0 : i32
    %dma_wait3A_314 = tpu.memref_slice %arg9[%dma_wait3A_312, %dma_wait3A_313] : memref<10x128xi32, #tpu.memory_space<vmem>> -> memref<1x128xi32, #tpu.memory_space<vmem>>
    %dma_wait3A_315 = tpu.memref_squeeze %dma_wait3A_314 : memref<1x128xi32, #tpu.memory_space<vmem>> -> memref<128xi32, #tpu.memory_space<vmem>>
    %dma_wait3A_316 = arith.constant 0 : i32
    %dma_wait3A_317 = tpu.memref_slice %arg7[%dma_wait3A_311, %dma_wait3A_316] : memref<16x128xi32, #tpu.memory_space<vmem>> -> memref<1x128xi32, #tpu.memory_space<vmem>>
    %dma_wait3A_318 = tpu.memref_squeeze %dma_wait3A_317 : memref<1x128xi32, #tpu.memory_space<vmem>> -> memref<128xi32, #tpu.memory_space<vmem>>
    %dma_wait3A_319 = arith.constant 0 : i32
    %dma_wait3A_320 = tpu.memref_slice %arg3[%dma_wait3A_319] : memref<43008xi32, #tpu.memory_space<hbm>> -> memref<43008xi32, #tpu.memory_space<hbm>>
    tpu.wait_indirect_dma semaphore(%arg10 : memref<!tpu.dma_semaphore, #tpu.memory_space<semaphore_mem>>) src(%dma_wait3A_320 : memref<43008xi32, #tpu.memory_space<hbm>>) dst(%dma_wait3A_315 : memref<128xi32, #tpu.memory_space<vmem>>)
    %dma_start3A_321 = arith.constant 8 : i32
    %dma_start3A_322 = arith.constant 8 : i32
    %dma_start3A_323 = arith.constant 0 : i32
    %dma_start3A_324 = tpu.memref_slice %arg8[%dma_start3A_322, %dma_start3A_323] : memref<10x128xi32, #tpu.memory_space<vmem>> -> memref<1x128xi32, #tpu.memory_space<vmem>>
    %dma_start3A_325 = tpu.memref_squeeze %dma_start3A_324 : memref<1x128xi32, #tpu.memory_space<vmem>> -> memref<128xi32, #tpu.memory_space<vmem>>
    %dma_start3A_326 = arith.constant 0 : i32
    %dma_start3A_327 = tpu.memref_slice %arg7[%dma_start3A_321, %dma_start3A_326] : memref<16x128xi32, #tpu.memory_space<vmem>> -> memref<1x128xi32, #tpu.memory_space<vmem>>
    %dma_start3A_328 = tpu.memref_squeeze %dma_start3A_327 : memref<1x128xi32, #tpu.memory_space<vmem>> -> memref<128xi32, #tpu.memory_space<vmem>>
    %dma_start3A_329 = arith.constant 0 : i32
    %dma_start3A_330 = tpu.memref_slice %arg2[%dma_start3A_329] : memref<43008xi32, #tpu.memory_space<hbm>> -> memref<43008xi32, #tpu.memory_space<hbm>>
    tpu.enqueue_indirect_dma source(%dma_start3A_330 : memref<43008xi32, #tpu.memory_space<hbm>>) target(%dma_start3A_325 : memref<128xi32, #tpu.memory_space<vmem>>) offsets(%dma_start3A_328 : memref<128xi32, #tpu.memory_space<vmem>>) semaphore(%arg10 : memref<!tpu.dma_semaphore, #tpu.memory_space<semaphore_mem>>)
    %dma_start3A_331 = arith.constant 8 : i32
    %dma_start3A_332 = arith.constant 8 : i32
    %dma_start3A_333 = arith.constant 0 : i32
    %dma_start3A_334 = tpu.memref_slice %arg9[%dma_start3A_332, %dma_start3A_333] : memref<10x128xi32, #tpu.memory_space<vmem>> -> memref<1x128xi32, #tpu.memory_space<vmem>>
    %dma_start3A_335 = tpu.memref_squeeze %dma_start3A_334 : memref<1x128xi32, #tpu.memory_space<vmem>> -> memref<128xi32, #tpu.memory_space<vmem>>
    %dma_start3A_336 = arith.constant 0 : i32
    %dma_start3A_337 = tpu.memref_slice %arg7[%dma_start3A_331, %dma_start3A_336] : memref<16x128xi32, #tpu.memory_space<vmem>> -> memref<1x128xi32, #tpu.memory_space<vmem>>
    %dma_start3A_338 = tpu.memref_squeeze %dma_start3A_337 : memref<1x128xi32, #tpu.memory_space<vmem>> -> memref<128xi32, #tpu.memory_space<vmem>>
    %dma_start3A_339 = arith.constant 0 : i32
    %dma_start3A_340 = tpu.memref_slice %arg3[%dma_start3A_339] : memref<43008xi32, #tpu.memory_space<hbm>> -> memref<43008xi32, #tpu.memory_space<hbm>>
    tpu.enqueue_indirect_dma source(%dma_start3A_340 : memref<43008xi32, #tpu.memory_space<hbm>>) target(%dma_start3A_335 : memref<128xi32, #tpu.memory_space<vmem>>) offsets(%dma_start3A_338 : memref<128xi32, #tpu.memory_space<vmem>>) semaphore(%arg10 : memref<!tpu.dma_semaphore, #tpu.memory_space<semaphore_mem>>)
    %dma_start3A_341 = arith.constant 9 : i32
    %dma_start3A_342 = arith.constant 9 : i32
    %dma_start3A_343 = arith.constant 0 : i32
    %dma_start3A_344 = tpu.memref_slice %arg8[%dma_start3A_342, %dma_start3A_343] : memref<10x128xi32, #tpu.memory_space<vmem>> -> memref<1x128xi32, #tpu.memory_space<vmem>>
    %dma_start3A_345 = tpu.memref_squeeze %dma_start3A_344 : memref<1x128xi32, #tpu.memory_space<vmem>> -> memref<128xi32, #tpu.memory_space<vmem>>
    %dma_start3A_346 = arith.constant 0 : i32
    %dma_start3A_347 = tpu.memref_slice %arg7[%dma_start3A_341, %dma_start3A_346] : memref<16x128xi32, #tpu.memory_space<vmem>> -> memref<1x128xi32, #tpu.memory_space<vmem>>
    %dma_start3A_348 = tpu.memref_squeeze %dma_start3A_347 : memref<1x128xi32, #tpu.memory_space<vmem>> -> memref<128xi32, #tpu.memory_space<vmem>>
    %dma_start3A_349 = arith.constant 0 : i32
    %dma_start3A_350 = tpu.memref_slice %arg2[%dma_start3A_349] : memref<43008xi32, #tpu.memory_space<hbm>> -> memref<43008xi32, #tpu.memory_space<hbm>>
    tpu.enqueue_indirect_dma source(%dma_start3A_350 : memref<43008xi32, #tpu.memory_space<hbm>>) target(%dma_start3A_345 : memref<128xi32, #tpu.memory_space<vmem>>) offsets(%dma_start3A_348 : memref<128xi32, #tpu.memory_space<vmem>>) semaphore(%arg10 : memref<!tpu.dma_semaphore, #tpu.memory_space<semaphore_mem>>)
    %dma_start3A_351 = arith.constant 9 : i32
    %dma_start3A_352 = arith.constant 9 : i32
    %dma_start3A_353 = arith.constant 0 : i32
    %dma_start3A_354 = tpu.memref_slice %arg9[%dma_start3A_352, %dma_start3A_353] : memref<10x128xi32, #tpu.memory_space<vmem>> -> memref<1x128xi32, #tpu.memory_space<vmem>>
    %dma_start3A_355 = tpu.memref_squeeze %dma_start3A_354 : memref<1x128xi32, #tpu.memory_space<vmem>> -> memref<128xi32, #tpu.memory_space<vmem>>
    %dma_start3A_356 = arith.constant 0 : i32
    %dma_start3A_357 = tpu.memref_slice %arg7[%dma_start3A_351, %dma_start3A_356] : memref<16x128xi32, #tpu.memory_space<vmem>> -> memref<1x128xi32, #tpu.memory_space<vmem>>
    %dma_start3A_358 = tpu.memref_squeeze %dma_start3A_357 : memref<1x128xi32, #tpu.memory_space<vmem>> -> memref<128xi32, #tpu.memory_space<vmem>>
    %dma_start3A_359 = arith.constant 0 : i32
    %dma_start3A_360 = tpu.memref_slice %arg3[%dma_start3A_359] : memref<43008xi32, #tpu.memory_space<hbm>> -> memref<43008xi32, #tpu.memory_space<hbm>>
    tpu.enqueue_indirect_dma source(%dma_start3A_360 : memref<43008xi32, #tpu.memory_space<hbm>>) target(%dma_start3A_355 : memref<128xi32, #tpu.memory_space<vmem>>) offsets(%dma_start3A_358 : memref<128xi32, #tpu.memory_space<vmem>>) semaphore(%arg10 : memref<!tpu.dma_semaphore, #tpu.memory_space<semaphore_mem>>)
    %dma_wait3A_361 = arith.constant 8 : i32
    %dma_wait3A_362 = arith.constant 8 : i32
    %dma_wait3A_363 = arith.constant 0 : i32
    %dma_wait3A_364 = tpu.memref_slice %arg8[%dma_wait3A_362, %dma_wait3A_363] : memref<10x128xi32, #tpu.memory_space<vmem>> -> memref<1x128xi32, #tpu.memory_space<vmem>>
    %dma_wait3A_365 = tpu.memref_squeeze %dma_wait3A_364 : memref<1x128xi32, #tpu.memory_space<vmem>> -> memref<128xi32, #tpu.memory_space<vmem>>
    %dma_wait3A_366 = arith.constant 0 : i32
    %dma_wait3A_367 = tpu.memref_slice %arg7[%dma_wait3A_361, %dma_wait3A_366] : memref<16x128xi32, #tpu.memory_space<vmem>> -> memref<1x128xi32, #tpu.memory_space<vmem>>
    %dma_wait3A_368 = tpu.memref_squeeze %dma_wait3A_367 : memref<1x128xi32, #tpu.memory_space<vmem>> -> memref<128xi32, #tpu.memory_space<vmem>>
    %dma_wait3A_369 = arith.constant 0 : i32
    %dma_wait3A_370 = tpu.memref_slice %arg2[%dma_wait3A_369] : memref<43008xi32, #tpu.memory_space<hbm>> -> memref<43008xi32, #tpu.memory_space<hbm>>
    tpu.wait_indirect_dma semaphore(%arg10 : memref<!tpu.dma_semaphore, #tpu.memory_space<semaphore_mem>>) src(%dma_wait3A_370 : memref<43008xi32, #tpu.memory_space<hbm>>) dst(%dma_wait3A_365 : memref<128xi32, #tpu.memory_space<vmem>>)
    %dma_wait3A_371 = arith.constant 8 : i32
    %dma_wait3A_372 = arith.constant 8 : i32
    %dma_wait3A_373 = arith.constant 0 : i32
    %dma_wait3A_374 = tpu.memref_slice %arg9[%dma_wait3A_372, %dma_wait3A_373] : memref<10x128xi32, #tpu.memory_space<vmem>> -> memref<1x128xi32, #tpu.memory_space<vmem>>
    %dma_wait3A_375 = tpu.memref_squeeze %dma_wait3A_374 : memref<1x128xi32, #tpu.memory_space<vmem>> -> memref<128xi32, #tpu.memory_space<vmem>>
    %dma_wait3A_376 = arith.constant 0 : i32
    %dma_wait3A_377 = tpu.memref_slice %arg7[%dma_wait3A_371, %dma_wait3A_376] : memref<16x128xi32, #tpu.memory_space<vmem>> -> memref<1x128xi32, #tpu.memory_space<vmem>>
    %dma_wait3A_378 = tpu.memref_squeeze %dma_wait3A_377 : memref<1x128xi32, #tpu.memory_space<vmem>> -> memref<128xi32, #tpu.memory_space<vmem>>
    %dma_wait3A_379 = arith.constant 0 : i32
    %dma_wait3A_380 = tpu.memref_slice %arg3[%dma_wait3A_379] : memref<43008xi32, #tpu.memory_space<hbm>> -> memref<43008xi32, #tpu.memory_space<hbm>>
    tpu.wait_indirect_dma semaphore(%arg10 : memref<!tpu.dma_semaphore, #tpu.memory_space<semaphore_mem>>) src(%dma_wait3A_380 : memref<43008xi32, #tpu.memory_space<hbm>>) dst(%dma_wait3A_375 : memref<128xi32, #tpu.memory_space<vmem>>)
    %dma_wait3A_381 = arith.constant 9 : i32
    %dma_wait3A_382 = arith.constant 9 : i32
    %dma_wait3A_383 = arith.constant 0 : i32
    %dma_wait3A_384 = tpu.memref_slice %arg8[%dma_wait3A_382, %dma_wait3A_383] : memref<10x128xi32, #tpu.memory_space<vmem>> -> memref<1x128xi32, #tpu.memory_space<vmem>>
    %dma_wait3A_385 = tpu.memref_squeeze %dma_wait3A_384 : memref<1x128xi32, #tpu.memory_space<vmem>> -> memref<128xi32, #tpu.memory_space<vmem>>
    %dma_wait3A_386 = arith.constant 0 : i32
    %dma_wait3A_387 = tpu.memref_slice %arg7[%dma_wait3A_381, %dma_wait3A_386] : memref<16x128xi32, #tpu.memory_space<vmem>> -> memref<1x128xi32, #tpu.memory_space<vmem>>
    %dma_wait3A_388 = tpu.memref_squeeze %dma_wait3A_387 : memref<1x128xi32, #tpu.memory_space<vmem>> -> memref<128xi32, #tpu.memory_space<vmem>>
    %dma_wait3A_389 = arith.constant 0 : i32
    %dma_wait3A_390 = tpu.memref_slice %arg2[%dma_wait3A_389] : memref<43008xi32, #tpu.memory_space<hbm>> -> memref<43008xi32, #tpu.memory_space<hbm>>
    tpu.wait_indirect_dma semaphore(%arg10 : memref<!tpu.dma_semaphore, #tpu.memory_space<semaphore_mem>>) src(%dma_wait3A_390 : memref<43008xi32, #tpu.memory_space<hbm>>) dst(%dma_wait3A_385 : memref<128xi32, #tpu.memory_space<vmem>>)
    %dma_wait3A_391 = arith.constant 9 : i32
    %dma_wait3A_392 = arith.constant 9 : i32
    %dma_wait3A_393 = arith.constant 0 : i32
    %dma_wait3A_394 = tpu.memref_slice %arg9[%dma_wait3A_392, %dma_wait3A_393] : memref<10x128xi32, #tpu.memory_space<vmem>> -> memref<1x128xi32, #tpu.memory_space<vmem>>
    %dma_wait3A_395 = tpu.memref_squeeze %dma_wait3A_394 : memref<1x128xi32, #tpu.memory_space<vmem>> -> memref<128xi32, #tpu.memory_space<vmem>>
    %dma_wait3A_396 = arith.constant 0 : i32
    %dma_wait3A_397 = tpu.memref_slice %arg7[%dma_wait3A_391, %dma_wait3A_396] : memref<16x128xi32, #tpu.memory_space<vmem>> -> memref<1x128xi32, #tpu.memory_space<vmem>>
    %dma_wait3A_398 = tpu.memref_squeeze %dma_wait3A_397 : memref<1x128xi32, #tpu.memory_space<vmem>> -> memref<128xi32, #tpu.memory_space<vmem>>
    %dma_wait3A_399 = arith.constant 0 : i32
    %dma_wait3A_400 = tpu.memref_slice %arg3[%dma_wait3A_399] : memref<43008xi32, #tpu.memory_space<hbm>> -> memref<43008xi32, #tpu.memory_space<hbm>>
    tpu.wait_indirect_dma semaphore(%arg10 : memref<!tpu.dma_semaphore, #tpu.memory_space<semaphore_mem>>) src(%dma_wait3A_400 : memref<43008xi32, #tpu.memory_space<hbm>>) dst(%dma_wait3A_395 : memref<128xi32, #tpu.memory_space<vmem>>)
    "tpu.region"() ({
      %run_scoped3A = tpu.sem_alloc : memref<!tpu.dma_semaphore, #tpu.memory_space<semaphore_mem>>
      %dma_start3A_401 = arith.constant 0 : i32
      %dma_start3A_402 = arith.constant 0 : i32
      %dma_start3A_403 = tpu.memref_slice %arg6[%add3A, %dma_start3A_401, %dma_start3A_402] : memref<32x10x128xi32, #tpu.memory_space<hbm>> -> memref<1x10x128xi32, #tpu.memory_space<hbm>>
      %dma_start3A_404 = tpu.memref_squeeze %dma_start3A_403 : memref<1x10x128xi32, #tpu.memory_space<hbm>> -> memref<10x128xi32, #tpu.memory_space<hbm>>
      %dma_start3A_405 = arith.constant 0 : i32
      %dma_start3A_406 = arith.constant 0 : i32
      %dma_start3A_407 = tpu.memref_slice %arg6[%add3A, %dma_start3A_405, %dma_start3A_406] : memref<32x10x128xi32, #tpu.memory_space<hbm>> -> memref<1x10x128xi32, #tpu.memory_space<hbm>>
      %dma_start3A_408 = tpu.memref_squeeze %dma_start3A_407 : memref<1x10x128xi32, #tpu.memory_space<hbm>> -> memref<10x128xi32, #tpu.memory_space<hbm>>
      tpu.enqueue_dma source(%arg8 : memref<10x128xi32, #tpu.memory_space<vmem>>) target(%dma_start3A_408 : memref<10x128xi32, #tpu.memory_space<hbm>>) target_semaphore(%run_scoped3A : memref<!tpu.dma_semaphore, #tpu.memory_space<semaphore_mem>>)
      %dma_wait3A_409 = arith.constant 0 : i32
      %dma_wait3A_410 = arith.constant 0 : i32
      %dma_wait3A_411 = tpu.memref_slice %arg6[%add3A, %dma_wait3A_409, %dma_wait3A_410] : memref<32x10x128xi32, #tpu.memory_space<hbm>> -> memref<1x10x128xi32, #tpu.memory_space<hbm>>
      %dma_wait3A_412 = tpu.memref_squeeze %dma_wait3A_411 : memref<1x10x128xi32, #tpu.memory_space<hbm>> -> memref<10x128xi32, #tpu.memory_space<hbm>>
      %dma_wait3A_413 = arith.constant 0 : i32
      %dma_wait3A_414 = arith.constant 0 : i32
      %dma_wait3A_415 = tpu.memref_slice %arg6[%add3A, %dma_wait3A_413, %dma_wait3A_414] : memref<32x10x128xi32, #tpu.memory_space<hbm>> -> memref<1x10x128xi32, #tpu.memory_space<hbm>>
      %dma_wait3A_416 = tpu.memref_squeeze %dma_wait3A_415 : memref<1x10x128xi32, #tpu.memory_space<hbm>> -> memref<10x128xi32, #tpu.memory_space<hbm>>
      tpu.wait_dma2 semaphore(%run_scoped3A : memref<!tpu.dma_semaphore, #tpu.memory_space<semaphore_mem>>) src(%arg8 : memref<10x128xi32, #tpu.memory_space<vmem>>) dst(%dma_wait3A_416 : memref<10x128xi32, #tpu.memory_space<hbm>>)
      tpu.yield
    }) : () -> ()
    "tpu.region"() ({
      %run_scoped3A = tpu.sem_alloc : memref<!tpu.dma_semaphore, #tpu.memory_space<semaphore_mem>>
      %dma_start3A_401 = arith.constant 0 : i32
      %dma_start3A_402 = arith.constant 0 : i32
      %dma_start3A_403 = tpu.memref_slice %arg5[%add3A, %dma_start3A_401, %dma_start3A_402] : memref<32x10x128xi32, #tpu.memory_space<hbm>> -> memref<1x10x128xi32, #tpu.memory_space<hbm>>
      %dma_start3A_404 = tpu.memref_squeeze %dma_start3A_403 : memref<1x10x128xi32, #tpu.memory_space<hbm>> -> memref<10x128xi32, #tpu.memory_space<hbm>>
      %dma_start3A_405 = arith.constant 0 : i32
      %dma_start3A_406 = arith.constant 0 : i32
      %dma_start3A_407 = tpu.memref_slice %arg5[%add3A, %dma_start3A_405, %dma_start3A_406] : memref<32x10x128xi32, #tpu.memory_space<hbm>> -> memref<1x10x128xi32, #tpu.memory_space<hbm>>
      %dma_start3A_408 = tpu.memref_squeeze %dma_start3A_407 : memref<1x10x128xi32, #tpu.memory_space<hbm>> -> memref<10x128xi32, #tpu.memory_space<hbm>>
      tpu.enqueue_dma source(%arg9 : memref<10x128xi32, #tpu.memory_space<vmem>>) target(%dma_start3A_408 : memref<10x128xi32, #tpu.memory_space<hbm>>) target_semaphore(%run_scoped3A : memref<!tpu.dma_semaphore, #tpu.memory_space<semaphore_mem>>)
      %dma_wait3A_409 = arith.constant 0 : i32
      %dma_wait3A_410 = arith.constant 0 : i32
      %dma_wait3A_411 = tpu.memref_slice %arg5[%add3A, %dma_wait3A_409, %dma_wait3A_410] : memref<32x10x128xi32, #tpu.memory_space<hbm>> -> memref<1x10x128xi32, #tpu.memory_space<hbm>>
      %dma_wait3A_412 = tpu.memref_squeeze %dma_wait3A_411 : memref<1x10x128xi32, #tpu.memory_space<hbm>> -> memref<10x128xi32, #tpu.memory_space<hbm>>
      %dma_wait3A_413 = arith.constant 0 : i32
      %dma_wait3A_414 = arith.constant 0 : i32
      %dma_wait3A_415 = tpu.memref_slice %arg5[%add3A, %dma_wait3A_413, %dma_wait3A_414] : memref<32x10x128xi32, #tpu.memory_space<hbm>> -> memref<1x10x128xi32, #tpu.memory_space<hbm>>
      %dma_wait3A_416 = tpu.memref_squeeze %dma_wait3A_415 : memref<1x10x128xi32, #tpu.memory_space<hbm>> -> memref<10x128xi32, #tpu.memory_space<hbm>>
      tpu.wait_dma2 semaphore(%run_scoped3A : memref<!tpu.dma_semaphore, #tpu.memory_space<semaphore_mem>>) src(%arg9 : memref<10x128xi32, #tpu.memory_space<vmem>>) dst(%dma_wait3A_416 : memref<10x128xi32, #tpu.memory_space<hbm>>)
      tpu.yield
    }) : () -> ()
    return
  }
}

#map = affine_map<(d0, d1) -> (0, 0, 0)>
#map1 = affine_map<(d0, d1) -> (0, 0)>
#map2 = affine_map<(d0, d1) -> (0)>
module attributes {stable_mosaic.version = 14 : i64} {
  func.func @_s1_body(%arg0: i32, %arg1: i32, %arg2: memref<32x16x128xf32, #tpu.memory_space<hbm>>, %arg3: memref<4096x16xi32, #tpu.memory_space<hbm>>, %arg4: memref<32768xi32, #tpu.memory_space<hbm>>, %arg5: memref<32x16xi32, #tpu.memory_space<hbm>>, %arg6: memref<43008xi32, #tpu.memory_space<hbm>>, %arg7: memref<43008xi32, #tpu.memory_space<hbm>>, %arg8: memref<32x16xi32, #tpu.memory_space<hbm>>, %arg9: memref<128x16xi32, #tpu.memory_space<vmem>>, %arg10: memref<16384xi32, #tpu.memory_space<vmem>>, %arg11: memref<16x128xf32, #tpu.memory_space<vmem>>, %arg12: memref<1344xi32, #tpu.memory_space<vmem>>, %arg13: memref<1344xi32, #tpu.memory_space<vmem>>, %arg14: memref<16xi32, #tpu.memory_space<vmem>>, %arg15: memref<16xi32, #tpu.memory_space<vmem>>) attributes {dimension_semantics = [#tpu.dimension_semantics<core_parallel>, #tpu.dimension_semantics<subcore_parallel>], iteration_bounds = array<i64: 2, 16>, scalar_prefetch = 0 : i64, scratch_operands = 7 : i64, tpu.core_type = #tpu.core_type<sc_vector_subcore>, window_params = [{transform_indices = #map}, {transform_indices = #map1}, {transform_indices = #map2}, {transform_indices = #map1}, {transform_indices = #map2}, {transform_indices = #map2}, {transform_indices = #map1}]} {
    %mul3A = arith.constant 2 : i32
    %mul3A_0 = arith.muli %arg1, %mul3A : i32
    %add3A = arith.addi %mul3A_0, %arg0 : i32
    %mul3A_1 = arith.constant 128 : i32
    %mul3A_2 = arith.muli %add3A, %mul3A_1 : i32
    "tpu.region"() ({
      %run_scoped3A = tpu.sem_alloc : memref<!tpu.dma_semaphore, #tpu.memory_space<semaphore_mem>>
      %dma_start3A = arith.constant 0 : i32
      %dma_start3A_24 = tpu.memref_slice %arg3[%mul3A_2, %dma_start3A] : memref<4096x16xi32, #tpu.memory_space<hbm>> -> memref<128x16xi32, #tpu.memory_space<hbm>>
      %dma_start3A_25 = arith.constant 0 : i32
      %dma_start3A_26 = tpu.memref_slice %arg3[%mul3A_2, %dma_start3A_25] : memref<4096x16xi32, #tpu.memory_space<hbm>> -> memref<128x16xi32, #tpu.memory_space<hbm>>
      tpu.enqueue_dma source(%dma_start3A_26 : memref<128x16xi32, #tpu.memory_space<hbm>>) target(%arg9 : memref<128x16xi32, #tpu.memory_space<vmem>>) target_semaphore(%run_scoped3A : memref<!tpu.dma_semaphore, #tpu.memory_space<semaphore_mem>>)
      %dma_wait3A = arith.constant 0 : i32
      %dma_wait3A_27 = tpu.memref_slice %arg3[%mul3A_2, %dma_wait3A] : memref<4096x16xi32, #tpu.memory_space<hbm>> -> memref<128x16xi32, #tpu.memory_space<hbm>>
      %dma_wait3A_28 = arith.constant 0 : i32
      %dma_wait3A_29 = tpu.memref_slice %arg3[%mul3A_2, %dma_wait3A_28] : memref<4096x16xi32, #tpu.memory_space<hbm>> -> memref<128x16xi32, #tpu.memory_space<hbm>>
      tpu.wait_dma2 semaphore(%run_scoped3A : memref<!tpu.dma_semaphore, #tpu.memory_space<semaphore_mem>>) src(%dma_wait3A_29 : memref<128x16xi32, #tpu.memory_space<hbm>>) dst(%arg9 : memref<128x16xi32, #tpu.memory_space<vmem>>)
      tpu.yield
    }) : () -> ()
    "tpu.region"() ({
      %run_scoped3A = tpu.sem_alloc : memref<!tpu.dma_semaphore, #tpu.memory_space<semaphore_mem>>
      %dma_start3A = arith.constant 0 : i32
      %dma_start3A_24 = tpu.memref_slice %arg5[%add3A, %dma_start3A] : memref<32x16xi32, #tpu.memory_space<hbm>> -> memref<1x16xi32, #tpu.memory_space<hbm>>
      %dma_start3A_25 = tpu.memref_squeeze %dma_start3A_24 : memref<1x16xi32, #tpu.memory_space<hbm>> -> memref<16xi32, #tpu.memory_space<hbm>>
      %dma_start3A_26 = arith.constant 0 : i32
      %dma_start3A_27 = tpu.memref_slice %arg5[%add3A, %dma_start3A_26] : memref<32x16xi32, #tpu.memory_space<hbm>> -> memref<1x16xi32, #tpu.memory_space<hbm>>
      %dma_start3A_28 = tpu.memref_squeeze %dma_start3A_27 : memref<1x16xi32, #tpu.memory_space<hbm>> -> memref<16xi32, #tpu.memory_space<hbm>>
      tpu.enqueue_dma source(%dma_start3A_28 : memref<16xi32, #tpu.memory_space<hbm>>) target(%arg14 : memref<16xi32, #tpu.memory_space<vmem>>) target_semaphore(%run_scoped3A : memref<!tpu.dma_semaphore, #tpu.memory_space<semaphore_mem>>)
      %dma_wait3A = arith.constant 0 : i32
      %dma_wait3A_29 = tpu.memref_slice %arg5[%add3A, %dma_wait3A] : memref<32x16xi32, #tpu.memory_space<hbm>> -> memref<1x16xi32, #tpu.memory_space<hbm>>
      %dma_wait3A_30 = tpu.memref_squeeze %dma_wait3A_29 : memref<1x16xi32, #tpu.memory_space<hbm>> -> memref<16xi32, #tpu.memory_space<hbm>>
      %dma_wait3A_31 = arith.constant 0 : i32
      %dma_wait3A_32 = tpu.memref_slice %arg5[%add3A, %dma_wait3A_31] : memref<32x16xi32, #tpu.memory_space<hbm>> -> memref<1x16xi32, #tpu.memory_space<hbm>>
      %dma_wait3A_33 = tpu.memref_squeeze %dma_wait3A_32 : memref<1x16xi32, #tpu.memory_space<hbm>> -> memref<16xi32, #tpu.memory_space<hbm>>
      tpu.wait_dma2 semaphore(%run_scoped3A : memref<!tpu.dma_semaphore, #tpu.memory_space<semaphore_mem>>) src(%dma_wait3A_33 : memref<16xi32, #tpu.memory_space<hbm>>) dst(%arg14 : memref<16xi32, #tpu.memory_space<vmem>>)
      tpu.yield
    }) : () -> ()
    %get3A = arith.constant 0 : index
    %get3A_3 = tpu.vector_load %arg14[%get3A] {strides = array<i32>} : memref<16xi32, #tpu.memory_space<vmem>>, vector<16xi32>,
    %mul3A_4 = arith.constant 128 : i32
    %mul3A_5 = vector.broadcast %mul3A_4 : i32 to vector<16xi32>
    %mul3A_6 = arith.muli %get3A_3, %mul3A_5 : vector<16xi32>
    "tpu.region"() ({
      %run_scoped3A = tpu.sem_alloc : memref<!tpu.dma_semaphore, #tpu.memory_space<semaphore_mem>>
      %dma_start3A = arith.constant 0 : i32
      %dma_start3A_24 = arith.constant 0 : i32
      %dma_start3A_25 = tpu.memref_slice %arg2[%add3A, %dma_start3A, %dma_start3A_24] : memref<32x16x128xf32, #tpu.memory_space<hbm>> -> memref<1x16x128xf32, #tpu.memory_space<hbm>>
      %dma_start3A_26 = tpu.memref_squeeze %dma_start3A_25 : memref<1x16x128xf32, #tpu.memory_space<hbm>> -> memref<16x128xf32, #tpu.memory_space<hbm>>
      %dma_start3A_27 = arith.constant 0 : i32
      %dma_start3A_28 = arith.constant 0 : i32
      %dma_start3A_29 = tpu.memref_slice %arg2[%add3A, %dma_start3A_27, %dma_start3A_28] : memref<32x16x128xf32, #tpu.memory_space<hbm>> -> memref<1x16x128xf32, #tpu.memory_space<hbm>>
      %dma_start3A_30 = tpu.memref_squeeze %dma_start3A_29 : memref<1x16x128xf32, #tpu.memory_space<hbm>> -> memref<16x128xf32, #tpu.memory_space<hbm>>
      tpu.enqueue_dma source(%dma_start3A_30 : memref<16x128xf32, #tpu.memory_space<hbm>>) target(%arg11 : memref<16x128xf32, #tpu.memory_space<vmem>>) target_semaphore(%run_scoped3A : memref<!tpu.dma_semaphore, #tpu.memory_space<semaphore_mem>>)
      %dma_wait3A = arith.constant 0 : i32
      %dma_wait3A_31 = arith.constant 0 : i32
      %dma_wait3A_32 = tpu.memref_slice %arg2[%add3A, %dma_wait3A, %dma_wait3A_31] : memref<32x16x128xf32, #tpu.memory_space<hbm>> -> memref<1x16x128xf32, #tpu.memory_space<hbm>>
      %dma_wait3A_33 = tpu.memref_squeeze %dma_wait3A_32 : memref<1x16x128xf32, #tpu.memory_space<hbm>> -> memref<16x128xf32, #tpu.memory_space<hbm>>
      %dma_wait3A_34 = arith.constant 0 : i32
      %dma_wait3A_35 = arith.constant 0 : i32
      %dma_wait3A_36 = tpu.memref_slice %arg2[%add3A, %dma_wait3A_34, %dma_wait3A_35] : memref<32x16x128xf32, #tpu.memory_space<hbm>> -> memref<1x16x128xf32, #tpu.memory_space<hbm>>
      %dma_wait3A_37 = tpu.memref_squeeze %dma_wait3A_36 : memref<1x16x128xf32, #tpu.memory_space<hbm>> -> memref<16x128xf32, #tpu.memory_space<hbm>>
      tpu.wait_dma2 semaphore(%run_scoped3A : memref<!tpu.dma_semaphore, #tpu.memory_space<semaphore_mem>>) src(%dma_wait3A_37 : memref<16x128xf32, #tpu.memory_space<hbm>>) dst(%arg11 : memref<16x128xf32, #tpu.memory_space<vmem>>)
      tpu.yield
    }) : () -> ()
    "tpu.region"() ({
      %run_scoped3A = tpu.sem_alloc : memref<!tpu.dma_semaphore, #tpu.memory_space<semaphore_mem>>
      %dma_start3A = arith.constant 0 : i32
      %dma_start3A_24 = tpu.memref_slice %arg4[%dma_start3A] : memref<32768xi32, #tpu.memory_space<hbm>> -> memref<16384xi32, #tpu.memory_space<hbm>>
      %dma_start3A_25 = arith.constant 0 : i32
      %dma_start3A_26 = tpu.memref_slice %arg4[%dma_start3A_25] : memref<32768xi32, #tpu.memory_space<hbm>> -> memref<16384xi32, #tpu.memory_space<hbm>>
      tpu.enqueue_dma source(%dma_start3A_26 : memref<16384xi32, #tpu.memory_space<hbm>>) target(%arg10 : memref<16384xi32, #tpu.memory_space<vmem>>) target_semaphore(%run_scoped3A : memref<!tpu.dma_semaphore, #tpu.memory_space<semaphore_mem>>)
      %dma_wait3A = arith.constant 0 : i32
      %dma_wait3A_27 = tpu.memref_slice %arg4[%dma_wait3A] : memref<32768xi32, #tpu.memory_space<hbm>> -> memref<16384xi32, #tpu.memory_space<hbm>>
      %dma_wait3A_28 = arith.constant 0 : i32
      %dma_wait3A_29 = tpu.memref_slice %arg4[%dma_wait3A_28] : memref<32768xi32, #tpu.memory_space<hbm>> -> memref<16384xi32, #tpu.memory_space<hbm>>
      tpu.wait_dma2 semaphore(%run_scoped3A : memref<!tpu.dma_semaphore, #tpu.memory_space<semaphore_mem>>) src(%dma_wait3A_29 : memref<16384xi32, #tpu.memory_space<hbm>>) dst(%arg10 : memref<16384xi32, #tpu.memory_space<vmem>>)
      tpu.yield
    }) : () -> ()
    %scan3A = arith.constant 0 : i32
    %scan3A_7 = arith.constant 0 : i32
    %scan3A_8 = arith.constant 3 : i32
    %scan3A_9 = arith.addi %scan3A_7, %scan3A_8 : i32
    %scan3A_10 = arith.constant 1 : i32
    scf.for %scan3A_24 = %scan3A_7 to %scan3A_9 step %scan3A_10  : i32 {
      %broadcast_in_dim3A_25 = arith.constant 0 : i32
      %broadcast_in_dim3A_26 = vector.broadcast %broadcast_in_dim3A_25 : i32 to vector<16xi32>
      %mul3A_27 = arith.constant 16 : i32
      %mul3A_28 = arith.muli %scan3A_24, %mul3A_27 : i32
      %add3A_29 = arith.constant 1296 : i32
      %add3A_30 = arith.addi %add3A_29, %mul3A_28 : i32
      %swap3A_31 = arith.index_cast %add3A_30 : i32 to index
      %swap3A_32 = tpu.vector_load %arg12[%swap3A_31] {strides = array<i32>} : memref<1344xi32, #tpu.memory_space<vmem>>, vector<16xi32>,
      tpu.vector_store %arg12[%swap3A_31], %broadcast_in_dim3A_26 {strides = array<i32>} : memref<1344xi32, #tpu.memory_space<vmem>>, vector<16xi32>,
      %broadcast_in_dim3A_33 = arith.constant 0 : i32
      %broadcast_in_dim3A_34 = vector.broadcast %broadcast_in_dim3A_33 : i32 to vector<16xi32>
      %mul3A_35 = arith.constant 16 : i32
      %mul3A_36 = arith.muli %scan3A_24, %mul3A_35 : i32
      %add3A_37 = arith.constant 1296 : i32
      %add3A_38 = arith.addi %add3A_37, %mul3A_36 : i32
      %swap3A_39 = arith.index_cast %add3A_38 : i32 to index
      %swap3A_40 = tpu.vector_load %arg13[%swap3A_39] {strides = array<i32>} : memref<1344xi32, #tpu.memory_space<vmem>>, vector<16xi32>,
      tpu.vector_store %arg13[%swap3A_39], %broadcast_in_dim3A_34 {strides = array<i32>} : memref<1344xi32, #tpu.memory_space<vmem>>, vector<16xi32>,
    }
    %scan3A_11 = arith.constant 3 : i32
    %broadcast_in_dim3A = arith.constant 0 : i32
    %broadcast_in_dim3A_12 = vector.broadcast %broadcast_in_dim3A : i32 to vector<16xi32>
    %scan3A_13 = arith.constant 0 : i32
    %scan3A_14 = arith.constant 128 : i32
    %scan3A_15 = arith.addi %scan3A_13, %scan3A_14 : i32
    %scan3A_16 = arith.constant 1 : i32
    %scan3A_17:2 = scf.for %scan3A_24 = %scan3A_13 to %scan3A_15 step %scan3A_16 iter_args(%scan3A_25 = %mul3A_6, %scan3A_26 = %broadcast_in_dim3A_12) -> (vector<16xi32>, vector<16xi32>)  : i32 {
      %get3A_27 = arith.index_cast %scan3A_24 : i32 to index
      %get3A_28 = arith.constant 0 : index
      %get3A_29 = tpu.vector_load %arg9[%get3A_27, %get3A_28] {strides = array<i32>} : memref<128x16xi32, #tpu.memory_space<vmem>>, vector<16xi32>,
      %lt3A = arith.constant 4096 : i32
      %lt3A_30 = vector.broadcast %lt3A : i32 to vector<16xi32>
      %lt3A_31 = arith.cmpi slt, %get3A_29, %lt3A_30 : vector<16xi32>
      %jit3A = arith.constant 8 : i32
      %div3A = arith.divsi %scan3A_24, %jit3A : i32
      %sign3A = arith.constant 0 : i32
      %sign3A_32 = arith.cmpi sgt, %scan3A_24, %sign3A : i32
      %sign3A_33 = arith.extui %sign3A_32 : i1 to i32
      %sign3A_34 = arith.constant 0 : i32
      %sign3A_35 = arith.cmpi slt, %scan3A_24, %sign3A_34 : i32
      %sign3A_36 = arith.extui %sign3A_35 : i1 to i32
      %sign3A_37 = arith.subi %sign3A_33, %sign3A_36 : i32
      %sign3A_38 = arith.constant 0 : i32
      %sign3A_39 = arith.cmpi sgt, %jit3A, %sign3A_38 : i32
      %sign3A_40 = arith.extui %sign3A_39 : i1 to i32
      %sign3A_41 = arith.constant 0 : i32
      %sign3A_42 = arith.cmpi slt, %jit3A, %sign3A_41 : i32
      %sign3A_43 = arith.extui %sign3A_42 : i1 to i32
      %sign3A_44 = arith.subi %sign3A_40, %sign3A_43 : i32
      %ne3A = arith.cmpi ne, %sign3A_37, %sign3A_44 : i32
      %rem3A = arith.remsi %scan3A_24, %jit3A : i32
      %ne3A_45 = arith.constant 0 : i32
      %ne3A_46 = arith.cmpi ne, %rem3A, %ne3A_45 : i32
      %and3A = arith.andi %ne3A, %ne3A_46 : i1
      %sub3A = arith.constant 1 : i32
      %sub3A_47 = arith.subi %div3A, %sub3A : i32
      %select_n3A = arith.select %and3A, %sub3A_47, %div3A : i32
      %jit3A_48 = arith.constant 8 : i32
      %eq3A = arith.constant 0 : i32
      %eq3A_49 = arith.cmpi eq, %jit3A_48, %eq3A : i32
      %jit3A_50 = arith.constant 1 : i32
      %select_n3A_51 = arith.select %eq3A_49, %jit3A_50, %jit3A_48 : i32
      %rem3A_52 = arith.remsi %scan3A_24, %select_n3A_51 : i32
      %ne3A_53 = arith.constant 0 : i32
      %ne3A_54 = arith.cmpi ne, %rem3A_52, %ne3A_53 : i32
      %lt3A_55 = arith.constant 0 : i32
      %lt3A_56 = arith.cmpi slt, %rem3A_52, %lt3A_55 : i32
      %lt3A_57 = arith.constant 0 : i32
      %lt3A_58 = arith.cmpi slt, %select_n3A_51, %lt3A_57 : i32
      %ne3A_59 = arith.xori %lt3A_56, %lt3A_58 : i1
      %and3A_60 = arith.andi %ne3A_59, %ne3A_54 : i1
      %add3A_61 = arith.addi %rem3A_52, %select_n3A_51 : i32
      %select_n3A_62 = arith.select %and3A_60, %add3A_61, %rem3A_52 : i32
      %mul3A_63 = arith.constant 16 : i32
      %mul3A_64 = arith.muli %select_n3A_62, %mul3A_63 : i32
      %get3A_65 = arith.index_cast %select_n3A : i32 to index
      %get3A_66 = arith.index_cast %mul3A_64 : i32 to index
      %get3A_67 = tpu.vector_load %arg11[%get3A_65, %get3A_66] {strides = array<i32>} : memref<16x128xf32, #tpu.memory_space<vmem>>, vector<16xf32>,
      %ne3A_68 = arith.constant 0.000000e+00 : f32
      %ne3A_69 = vector.broadcast %ne3A_68 : f32 to vector<16xf32>
      %ne3A_70 = arith.cmpf one, %get3A_67, %ne3A_69 : vector<16xf32>
      %jit3A_71 = arith.constant 0 : i32
      %broadcast_in_dim3A_72 = vector.broadcast %jit3A_71 : i32 to vector<16xi32>
      %select_n3A_73 = arith.select %lt3A_31, %get3A_29, %broadcast_in_dim3A_72 : vector<16xi1>, vector<16xi32>
      %add3A_74 = arith.constant 0 : i32
      %add3A_75 = vector.broadcast %add3A_74 : i32 to vector<16xi32>
      %add3A_76 = arith.addi %scan3A_25, %add3A_75 : vector<16xi32>
      %gather3A = tpu.vector_load_idx %arg10[%add3A_76] : memref<16384xi32, #tpu.memory_space<vmem>>[vector<16xi32>], vector<16xi32>,
      %add3A_77 = arith.constant 0 : i32
      %add3A_78 = vector.broadcast %add3A_77 : i32 to vector<16xi32>
      %add3A_79 = arith.addi %select_n3A_73, %add3A_78 : vector<16xi32>
      %gather3A_80 = tpu.vector_load_idx %arg10[%add3A_79] : memref<16384xi32, #tpu.memory_space<vmem>>[vector<16xi32>], vector<16xi32>,
      %eq3A_81 = arith.cmpi eq, %gather3A_80, %gather3A : vector<16xi32>
      %or3A = arith.ori %ne3A_70, %eq3A_81 : vector<16xi1>
      %add3A_82 = arith.constant 4096 : i32
      %add3A_83 = vector.broadcast %add3A_82 : i32 to vector<16xi32>
      %add3A_84 = arith.addi %scan3A_25, %add3A_83 : vector<16xi32>
      %gather3A_85 = tpu.vector_load_idx %arg10[%add3A_84] : memref<16384xi32, #tpu.memory_space<vmem>>[vector<16xi32>], vector<16xi32>,
      %add3A_86 = arith.constant 4096 : i32
      %add3A_87 = vector.broadcast %add3A_86 : i32 to vector<16xi32>
      %add3A_88 = arith.addi %select_n3A_73, %add3A_87 : vector<16xi32>
      %gather3A_89 = tpu.vector_load_idx %arg10[%add3A_88] : memref<16384xi32, #tpu.memory_space<vmem>>[vector<16xi32>], vector<16xi32>,
      %eq3A_90 = arith.cmpi eq, %gather3A_89, %gather3A_85 : vector<16xi32>
      %or3A_91 = arith.ori %or3A, %eq3A_90 : vector<16xi1>
      %add3A_92 = arith.constant 8192 : i32
      %add3A_93 = vector.broadcast %add3A_92 : i32 to vector<16xi32>
      %add3A_94 = arith.addi %scan3A_25, %add3A_93 : vector<16xi32>
      %gather3A_95 = tpu.vector_load_idx %arg10[%add3A_94] : memref<16384xi32, #tpu.memory_space<vmem>>[vector<16xi32>], vector<16xi32>,
      %add3A_96 = arith.constant 8192 : i32
      %add3A_97 = vector.broadcast %add3A_96 : i32 to vector<16xi32>
      %add3A_98 = arith.addi %select_n3A_73, %add3A_97 : vector<16xi32>
      %gather3A_99 = tpu.vector_load_idx %arg10[%add3A_98] : memref<16384xi32, #tpu.memory_space<vmem>>[vector<16xi32>], vector<16xi32>,
      %eq3A_100 = arith.cmpi eq, %gather3A_99, %gather3A_95 : vector<16xi32>
      %or3A_101 = arith.ori %or3A_91, %eq3A_100 : vector<16xi1>
      %add3A_102 = arith.constant 12288 : i32
      %add3A_103 = vector.broadcast %add3A_102 : i32 to vector<16xi32>
      %add3A_104 = arith.addi %scan3A_25, %add3A_103 : vector<16xi32>
      %gather3A_105 = tpu.vector_load_idx %arg10[%add3A_104] : memref<16384xi32, #tpu.memory_space<vmem>>[vector<16xi32>], vector<16xi32>,
      %add3A_106 = arith.constant 12288 : i32
      %add3A_107 = vector.broadcast %add3A_106 : i32 to vector<16xi32>
      %add3A_108 = arith.addi %select_n3A_73, %add3A_107 : vector<16xi32>
      %gather3A_109 = tpu.vector_load_idx %arg10[%add3A_108] : memref<16384xi32, #tpu.memory_space<vmem>>[vector<16xi32>], vector<16xi32>,
      %eq3A_110 = arith.cmpi eq, %gather3A_109, %gather3A_105 : vector<16xi32>
      %or3A_111 = arith.ori %or3A_101, %eq3A_110 : vector<16xi1>
      %and3A_112 = arith.andi %lt3A_31, %or3A_111 : vector<16xi1>
      %jit3A_113 = arith.constant 1073741824 : i32
      %broadcast_in_dim3A_114 = vector.broadcast %jit3A_113 : i32 to vector<16xi32>
      %select_n3A_115 = arith.select %and3A_112, %get3A_29, %broadcast_in_dim3A_114 : vector<16xi1>, vector<16xi32>
      %masked_sort3A = arith.constant dense<true> : vector<16xi1>
      %masked_sort3A_116 = arith.constant -2147483648 : i32
      %masked_sort3A_117 = vector.broadcast %masked_sort3A_116 : i32 to vector<16xi32>
      %masked_sort3A_118 = arith.xori %select_n3A_115, %masked_sort3A_117 : vector<16xi32>
      %masked_sort3A_119, %masked_sort3A_120, %masked_sort3A_121 = tpu.sort %masked_sort3A_118, %get3A_29 masked %masked_sort3A : (vector<16xi32>, vector<16xi32>, vector<16xi1>) -> (vector<16xi1>, vector<16xi32>, vector<16xi32>)
      %masked_sort3A_122 = arith.xori %masked_sort3A_120, %masked_sort3A_117 : vector<16xi32>
      %all_reduce_population_count3A = tpu.all_reduce %and3A_112 {dim = 0 : i64, kind = #tpu.reduction_kind<sum>} : vector<16xi1> -> vector<16xi32>
      %slice3A = vector.extract_strided_slice %scan3A_26 {offsets = [0], sizes = [1], strides = [1]} : vector<16xi32> to vector<1xi32>
      %squeeze3A = vector.extract %slice3A[0] : i32 from vector<1xi32>
      %swap3A_123 = arith.index_cast %squeeze3A : i32 to index
      %swap3A_124 = tpu.vector_load %arg12[%swap3A_123] {strides = array<i32>} : memref<1344xi32, #tpu.memory_space<vmem>>, vector<16xi32>,
      tpu.vector_store %arg12[%swap3A_123], %masked_sort3A_122 {strides = array<i32>} : memref<1344xi32, #tpu.memory_space<vmem>>, vector<16xi32>,
      %swap3A_125 = arith.index_cast %squeeze3A : i32 to index
      %swap3A_126 = tpu.vector_load %arg13[%swap3A_125] {strides = array<i32>} : memref<1344xi32, #tpu.memory_space<vmem>>, vector<16xi32>,
      tpu.vector_store %arg13[%swap3A_125], %scan3A_25 {strides = array<i32>} : memref<1344xi32, #tpu.memory_space<vmem>>, vector<16xi32>,
      %add3A_127 = arith.constant 1 : i32
      %add3A_128 = vector.broadcast %add3A_127 : i32 to vector<16xi32>
      %add3A_129 = arith.addi %scan3A_25, %add3A_128 : vector<16xi32>
      %add3A_130 = arith.addi %scan3A_26, %all_reduce_population_count3A : vector<16xi32>
      scf.yield %add3A_129, %add3A_130 : vector<16xi32>, vector<16xi32>
    }
    %scan3A_18 = arith.constant 128 : i32
    %swap3A = arith.constant 0 : index
    %swap3A_19 = tpu.vector_load %arg15[%swap3A] {strides = array<i32>} : memref<16xi32, #tpu.memory_space<vmem>>, vector<16xi32>,
    tpu.vector_store %arg15[%swap3A], %scan3A_17#1 {strides = array<i32>} : memref<16xi32, #tpu.memory_space<vmem>>, vector<16xi32>,
    %mul3A_20 = arith.constant 1344 : i32
    %mul3A_21 = arith.muli %add3A, %mul3A_20 : i32
    "tpu.region"() ({
      %run_scoped3A = tpu.sem_alloc : memref<!tpu.dma_semaphore, #tpu.memory_space<semaphore_mem>>
      %dma_start3A = tpu.memref_slice %arg6[%mul3A_21] : memref<43008xi32, #tpu.memory_space<hbm>> -> memref<1344xi32, #tpu.memory_space<hbm>>
      %dma_start3A_24 = tpu.memref_slice %arg6[%mul3A_21] : memref<43008xi32, #tpu.memory_space<hbm>> -> memref<1344xi32, #tpu.memory_space<hbm>>
      tpu.enqueue_dma source(%arg12 : memref<1344xi32, #tpu.memory_space<vmem>>) target(%dma_start3A_24 : memref<1344xi32, #tpu.memory_space<hbm>>) target_semaphore(%run_scoped3A : memref<!tpu.dma_semaphore, #tpu.memory_space<semaphore_mem>>)
      %dma_wait3A = tpu.memref_slice %arg6[%mul3A_21] : memref<43008xi32, #tpu.memory_space<hbm>> -> memref<1344xi32, #tpu.memory_space<hbm>>
      %dma_wait3A_25 = tpu.memref_slice %arg6[%mul3A_21] : memref<43008xi32, #tpu.memory_space<hbm>> -> memref<1344xi32, #tpu.memory_space<hbm>>
      tpu.wait_dma2 semaphore(%run_scoped3A : memref<!tpu.dma_semaphore, #tpu.memory_space<semaphore_mem>>) src(%arg12 : memref<1344xi32, #tpu.memory_space<vmem>>) dst(%dma_wait3A_25 : memref<1344xi32, #tpu.memory_space<hbm>>)
      tpu.yield
    }) : () -> ()
    %mul3A_22 = arith.constant 1344 : i32
    %mul3A_23 = arith.muli %add3A, %mul3A_22 : i32
    "tpu.region"() ({
      %run_scoped3A = tpu.sem_alloc : memref<!tpu.dma_semaphore, #tpu.memory_space<semaphore_mem>>
      %dma_start3A = tpu.memref_slice %arg7[%mul3A_23] : memref<43008xi32, #tpu.memory_space<hbm>> -> memref<1344xi32, #tpu.memory_space<hbm>>
      %dma_start3A_24 = tpu.memref_slice %arg7[%mul3A_23] : memref<43008xi32, #tpu.memory_space<hbm>> -> memref<1344xi32, #tpu.memory_space<hbm>>
      tpu.enqueue_dma source(%arg13 : memref<1344xi32, #tpu.memory_space<vmem>>) target(%dma_start3A_24 : memref<1344xi32, #tpu.memory_space<hbm>>) target_semaphore(%run_scoped3A : memref<!tpu.dma_semaphore, #tpu.memory_space<semaphore_mem>>)
      %dma_wait3A = tpu.memref_slice %arg7[%mul3A_23] : memref<43008xi32, #tpu.memory_space<hbm>> -> memref<1344xi32, #tpu.memory_space<hbm>>
      %dma_wait3A_25 = tpu.memref_slice %arg7[%mul3A_23] : memref<43008xi32, #tpu.memory_space<hbm>> -> memref<1344xi32, #tpu.memory_space<hbm>>
      tpu.wait_dma2 semaphore(%run_scoped3A : memref<!tpu.dma_semaphore, #tpu.memory_space<semaphore_mem>>) src(%arg13 : memref<1344xi32, #tpu.memory_space<vmem>>) dst(%dma_wait3A_25 : memref<1344xi32, #tpu.memory_space<hbm>>)
      tpu.yield
    }) : () -> ()
    "tpu.region"() ({
      %run_scoped3A = tpu.sem_alloc : memref<!tpu.dma_semaphore, #tpu.memory_space<semaphore_mem>>
      %dma_start3A = arith.constant 0 : i32
      %dma_start3A_24 = tpu.memref_slice %arg8[%add3A, %dma_start3A] : memref<32x16xi32, #tpu.memory_space<hbm>> -> memref<1x16xi32, #tpu.memory_space<hbm>>
      %dma_start3A_25 = tpu.memref_squeeze %dma_start3A_24 : memref<1x16xi32, #tpu.memory_space<hbm>> -> memref<16xi32, #tpu.memory_space<hbm>>
      %dma_start3A_26 = arith.constant 0 : i32
      %dma_start3A_27 = tpu.memref_slice %arg8[%add3A, %dma_start3A_26] : memref<32x16xi32, #tpu.memory_space<hbm>> -> memref<1x16xi32, #tpu.memory_space<hbm>>
      %dma_start3A_28 = tpu.memref_squeeze %dma_start3A_27 : memref<1x16xi32, #tpu.memory_space<hbm>> -> memref<16xi32, #tpu.memory_space<hbm>>
      tpu.enqueue_dma source(%arg15 : memref<16xi32, #tpu.memory_space<vmem>>) target(%dma_start3A_28 : memref<16xi32, #tpu.memory_space<hbm>>) target_semaphore(%run_scoped3A : memref<!tpu.dma_semaphore, #tpu.memory_space<semaphore_mem>>)
      %dma_wait3A = arith.constant 0 : i32
      %dma_wait3A_29 = tpu.memref_slice %arg8[%add3A, %dma_wait3A] : memref<32x16xi32, #tpu.memory_space<hbm>> -> memref<1x16xi32, #tpu.memory_space<hbm>>
      %dma_wait3A_30 = tpu.memref_squeeze %dma_wait3A_29 : memref<1x16xi32, #tpu.memory_space<hbm>> -> memref<16xi32, #tpu.memory_space<hbm>>
      %dma_wait3A_31 = arith.constant 0 : i32
      %dma_wait3A_32 = tpu.memref_slice %arg8[%add3A, %dma_wait3A_31] : memref<32x16xi32, #tpu.memory_space<hbm>> -> memref<1x16xi32, #tpu.memory_space<hbm>>
      %dma_wait3A_33 = tpu.memref_squeeze %dma_wait3A_32 : memref<1x16xi32, #tpu.memory_space<hbm>> -> memref<16xi32, #tpu.memory_space<hbm>>
      tpu.wait_dma2 semaphore(%run_scoped3A : memref<!tpu.dma_semaphore, #tpu.memory_space<semaphore_mem>>) src(%arg15 : memref<16xi32, #tpu.memory_space<vmem>>) dst(%dma_wait3A_33 : memref<16xi32, #tpu.memory_space<hbm>>)
      tpu.yield
    }) : () -> ()
    return
  }
}

#map = affine_map<(d0, d1) -> (0)>
#map1 = affine_map<(d0, d1) -> (0, 0)>
#map2 = affine_map<(d0, d1) -> (0, 0, 0)>
module attributes {stable_mosaic.version = 14 : i64} {
  func.func @_sgather_body(%arg0: i32, %arg1: i32, %arg2: memref<16777216xf32, #tpu.memory_space<hbm>>, %arg3: memref<4096x16xi32, #tpu.memory_space<hbm>>, %arg4: memref<32x16xi32, #tpu.memory_space<hbm>>, %arg5: memref<32x16x128xf32, #tpu.memory_space<hbm>>, %arg6: memref<128x16xi32, #tpu.memory_space<vmem>>, %arg7: memref<16x128xi32, #tpu.memory_space<vmem>>, %arg8: memref<16x128xf32, #tpu.memory_space<vmem>>, %arg9: memref<16xi32, #tpu.memory_space<vmem>>, %arg10: memref<!tpu.dma_semaphore, #tpu.memory_space<semaphore_mem>>) attributes {dimension_semantics = [#tpu.dimension_semantics<core_parallel>, #tpu.dimension_semantics<subcore_parallel>], iteration_bounds = array<i64: 2, 16>, scalar_prefetch = 0 : i64, scratch_operands = 5 : i64, tpu.core_type = #tpu.core_type<sc_vector_subcore>, window_params = [{transform_indices = #map}, {transform_indices = #map1}, {transform_indices = #map1}, {transform_indices = #map2}]} {
    %mul3A = arith.constant 2 : i32
    %mul3A_0 = arith.muli %arg1, %mul3A : i32
    %add3A = arith.addi %mul3A_0, %arg0 : i32
    %mul3A_1 = arith.constant 128 : i32
    %mul3A_2 = arith.muli %add3A, %mul3A_1 : i32
    "tpu.region"() ({
      %run_scoped3A = tpu.sem_alloc : memref<!tpu.dma_semaphore, #tpu.memory_space<semaphore_mem>>
      %dma_start3A_333 = arith.constant 0 : i32
      %dma_start3A_334 = tpu.memref_slice %arg3[%mul3A_2, %dma_start3A_333] : memref<4096x16xi32, #tpu.memory_space<hbm>> -> memref<128x16xi32, #tpu.memory_space<hbm>>
      %dma_start3A_335 = arith.constant 0 : i32
      %dma_start3A_336 = tpu.memref_slice %arg3[%mul3A_2, %dma_start3A_335] : memref<4096x16xi32, #tpu.memory_space<hbm>> -> memref<128x16xi32, #tpu.memory_space<hbm>>
      tpu.enqueue_dma source(%dma_start3A_336 : memref<128x16xi32, #tpu.memory_space<hbm>>) target(%arg6 : memref<128x16xi32, #tpu.memory_space<vmem>>) target_semaphore(%run_scoped3A : memref<!tpu.dma_semaphore, #tpu.memory_space<semaphore_mem>>)
      %dma_wait3A_337 = arith.constant 0 : i32
      %dma_wait3A_338 = tpu.memref_slice %arg3[%mul3A_2, %dma_wait3A_337] : memref<4096x16xi32, #tpu.memory_space<hbm>> -> memref<128x16xi32, #tpu.memory_space<hbm>>
      %dma_wait3A_339 = arith.constant 0 : i32
      %dma_wait3A_340 = tpu.memref_slice %arg3[%mul3A_2, %dma_wait3A_339] : memref<4096x16xi32, #tpu.memory_space<hbm>> -> memref<128x16xi32, #tpu.memory_space<hbm>>
      tpu.wait_dma2 semaphore(%run_scoped3A : memref<!tpu.dma_semaphore, #tpu.memory_space<semaphore_mem>>) src(%dma_wait3A_340 : memref<128x16xi32, #tpu.memory_space<hbm>>) dst(%arg6 : memref<128x16xi32, #tpu.memory_space<vmem>>)
      tpu.yield
    }) : () -> ()
    "tpu.region"() ({
      %run_scoped3A = tpu.sem_alloc : memref<!tpu.dma_semaphore, #tpu.memory_space<semaphore_mem>>
      %dma_start3A_333 = arith.constant 0 : i32
      %dma_start3A_334 = tpu.memref_slice %arg4[%add3A, %dma_start3A_333] : memref<32x16xi32, #tpu.memory_space<hbm>> -> memref<1x16xi32, #tpu.memory_space<hbm>>
      %dma_start3A_335 = tpu.memref_squeeze %dma_start3A_334 : memref<1x16xi32, #tpu.memory_space<hbm>> -> memref<16xi32, #tpu.memory_space<hbm>>
      %dma_start3A_336 = arith.constant 0 : i32
      %dma_start3A_337 = tpu.memref_slice %arg4[%add3A, %dma_start3A_336] : memref<32x16xi32, #tpu.memory_space<hbm>> -> memref<1x16xi32, #tpu.memory_space<hbm>>
      %dma_start3A_338 = tpu.memref_squeeze %dma_start3A_337 : memref<1x16xi32, #tpu.memory_space<hbm>> -> memref<16xi32, #tpu.memory_space<hbm>>
      tpu.enqueue_dma source(%dma_start3A_338 : memref<16xi32, #tpu.memory_space<hbm>>) target(%arg9 : memref<16xi32, #tpu.memory_space<vmem>>) target_semaphore(%run_scoped3A : memref<!tpu.dma_semaphore, #tpu.memory_space<semaphore_mem>>)
      %dma_wait3A_339 = arith.constant 0 : i32
      %dma_wait3A_340 = tpu.memref_slice %arg4[%add3A, %dma_wait3A_339] : memref<32x16xi32, #tpu.memory_space<hbm>> -> memref<1x16xi32, #tpu.memory_space<hbm>>
      %dma_wait3A_341 = tpu.memref_squeeze %dma_wait3A_340 : memref<1x16xi32, #tpu.memory_space<hbm>> -> memref<16xi32, #tpu.memory_space<hbm>>
      %dma_wait3A_342 = arith.constant 0 : i32
      %dma_wait3A_343 = tpu.memref_slice %arg4[%add3A, %dma_wait3A_342] : memref<32x16xi32, #tpu.memory_space<hbm>> -> memref<1x16xi32, #tpu.memory_space<hbm>>
      %dma_wait3A_344 = tpu.memref_squeeze %dma_wait3A_343 : memref<1x16xi32, #tpu.memory_space<hbm>> -> memref<16xi32, #tpu.memory_space<hbm>>
      tpu.wait_dma2 semaphore(%run_scoped3A : memref<!tpu.dma_semaphore, #tpu.memory_space<semaphore_mem>>) src(%dma_wait3A_344 : memref<16xi32, #tpu.memory_space<hbm>>) dst(%arg9 : memref<16xi32, #tpu.memory_space<vmem>>)
      tpu.yield
    }) : () -> ()
    %get3A = arith.constant 0 : index
    %get3A_3 = tpu.vector_load %arg9[%get3A] {strides = array<i32>} : memref<16xi32, #tpu.memory_space<vmem>>, vector<16xi32>,
    %mul3A_4 = arith.constant 128 : i32
    %mul3A_5 = vector.broadcast %mul3A_4 : i32 to vector<16xi32>
    %mul3A_6 = arith.muli %get3A_3, %mul3A_5 : vector<16xi32>
    %mul3A_7 = arith.constant 4096 : i32
    %mul3A_8 = vector.broadcast %mul3A_7 : i32 to vector<16xi32>
    %mul3A_9 = arith.muli %mul3A_6, %mul3A_8 : vector<16xi32>
    %scan3A = arith.constant 0 : i32
    %scan3A_10 = arith.constant 128 : i32
    %scan3A_11 = arith.addi %scan3A, %scan3A_10 : i32
    %scan3A_12 = arith.constant 1 : i32
    %scan3A_13 = scf.for %scan3A_333 = %scan3A to %scan3A_11 step %scan3A_12 iter_args(%scan3A_334 = %mul3A_9) -> (vector<16xi32>)  : i32 {
      %get3A_335 = arith.index_cast %scan3A_333 : i32 to index
      %get3A_336 = arith.constant 0 : index
      %get3A_337 = tpu.vector_load %arg6[%get3A_335, %get3A_336] {strides = array<i32>} : memref<128x16xi32, #tpu.memory_space<vmem>>, vector<16xi32>,
      %lt3A = arith.constant 4096 : i32
      %lt3A_338 = vector.broadcast %lt3A : i32 to vector<16xi32>
      %lt3A_339 = arith.cmpi slt, %get3A_337, %lt3A_338 : vector<16xi32>
      %add3A_340 = arith.addi %scan3A_334, %get3A_337 : vector<16xi32>
      %jit3A = arith.constant 0 : i32
      %broadcast_in_dim3A = vector.broadcast %jit3A : i32 to vector<16xi32>
      %select_n3A = arith.select %lt3A_339, %add3A_340, %broadcast_in_dim3A : vector<16xi1>, vector<16xi32>
      %jit3A_341 = arith.constant 8 : i32
      %div3A = arith.divsi %scan3A_333, %jit3A_341 : i32
      %sign3A = arith.constant 0 : i32
      %sign3A_342 = arith.cmpi sgt, %scan3A_333, %sign3A : i32
      %sign3A_343 = arith.extui %sign3A_342 : i1 to i32
      %sign3A_344 = arith.constant 0 : i32
      %sign3A_345 = arith.cmpi slt, %scan3A_333, %sign3A_344 : i32
      %sign3A_346 = arith.extui %sign3A_345 : i1 to i32
      %sign3A_347 = arith.subi %sign3A_343, %sign3A_346 : i32
      %sign3A_348 = arith.constant 0 : i32
      %sign3A_349 = arith.cmpi sgt, %jit3A_341, %sign3A_348 : i32
      %sign3A_350 = arith.extui %sign3A_349 : i1 to i32
      %sign3A_351 = arith.constant 0 : i32
      %sign3A_352 = arith.cmpi slt, %jit3A_341, %sign3A_351 : i32
      %sign3A_353 = arith.extui %sign3A_352 : i1 to i32
      %sign3A_354 = arith.subi %sign3A_350, %sign3A_353 : i32
      %ne3A = arith.cmpi ne, %sign3A_347, %sign3A_354 : i32
      %rem3A = arith.remsi %scan3A_333, %jit3A_341 : i32
      %ne3A_355 = arith.constant 0 : i32
      %ne3A_356 = arith.cmpi ne, %rem3A, %ne3A_355 : i32
      %and3A = arith.andi %ne3A, %ne3A_356 : i1
      %sub3A = arith.constant 1 : i32
      %sub3A_357 = arith.subi %div3A, %sub3A : i32
      %select_n3A_358 = arith.select %and3A, %sub3A_357, %div3A : i32
      %jit3A_359 = arith.constant 8 : i32
      %eq3A = arith.constant 0 : i32
      %eq3A_360 = arith.cmpi eq, %jit3A_359, %eq3A : i32
      %jit3A_361 = arith.constant 1 : i32
      %select_n3A_362 = arith.select %eq3A_360, %jit3A_361, %jit3A_359 : i32
      %rem3A_363 = arith.remsi %scan3A_333, %select_n3A_362 : i32
      %ne3A_364 = arith.constant 0 : i32
      %ne3A_365 = arith.cmpi ne, %rem3A_363, %ne3A_364 : i32
      %lt3A_366 = arith.constant 0 : i32
      %lt3A_367 = arith.cmpi slt, %rem3A_363, %lt3A_366 : i32
      %lt3A_368 = arith.constant 0 : i32
      %lt3A_369 = arith.cmpi slt, %select_n3A_362, %lt3A_368 : i32
      %ne3A_370 = arith.xori %lt3A_367, %lt3A_369 : i1
      %and3A_371 = arith.andi %ne3A_370, %ne3A_365 : i1
      %add3A_372 = arith.addi %rem3A_363, %select_n3A_362 : i32
      %select_n3A_373 = arith.select %and3A_371, %add3A_372, %rem3A_363 : i32
      %mul3A_374 = arith.constant 16 : i32
      %mul3A_375 = arith.muli %select_n3A_373, %mul3A_374 : i32
      %swap3A = arith.index_cast %select_n3A_358 : i32 to index
      %swap3A_376 = arith.index_cast %mul3A_375 : i32 to index
      %swap3A_377 = tpu.vector_load %arg7[%swap3A, %swap3A_376] {strides = array<i32>} : memref<16x128xi32, #tpu.memory_space<vmem>>, vector<16xi32>,
      tpu.vector_store %arg7[%swap3A, %swap3A_376], %select_n3A {strides = array<i32>} : memref<16x128xi32, #tpu.memory_space<vmem>>, vector<16xi32>,
      %add3A_378 = arith.constant 4096 : i32
      %add3A_379 = vector.broadcast %add3A_378 : i32 to vector<16xi32>
      %add3A_380 = arith.addi %scan3A_334, %add3A_379 : vector<16xi32>
      scf.yield %add3A_380 : vector<16xi32>
    }
    %scan3A_14 = arith.constant 128 : i32
    %dma_start3A = arith.constant 0 : i32
    %dma_start3A_15 = arith.constant 0 : i32
    %dma_start3A_16 = arith.constant 0 : i32
    %dma_start3A_17 = tpu.memref_slice %arg8[%dma_start3A_15, %dma_start3A_16] : memref<16x128xf32, #tpu.memory_space<vmem>> -> memref<1x128xf32, #tpu.memory_space<vmem>>
    %dma_start3A_18 = tpu.memref_squeeze %dma_start3A_17 : memref<1x128xf32, #tpu.memory_space<vmem>> -> memref<128xf32, #tpu.memory_space<vmem>>
    %dma_start3A_19 = arith.constant 0 : i32
    %dma_start3A_20 = tpu.memref_slice %arg7[%dma_start3A, %dma_start3A_19] : memref<16x128xi32, #tpu.memory_space<vmem>> -> memref<1x128xi32, #tpu.memory_space<vmem>>
    %dma_start3A_21 = tpu.memref_squeeze %dma_start3A_20 : memref<1x128xi32, #tpu.memory_space<vmem>> -> memref<128xi32, #tpu.memory_space<vmem>>
    %dma_start3A_22 = arith.constant 0 : i32
    %dma_start3A_23 = tpu.memref_slice %arg2[%dma_start3A_22] : memref<16777216xf32, #tpu.memory_space<hbm>> -> memref<16777216xf32, #tpu.memory_space<hbm>>
    tpu.enqueue_indirect_dma source(%dma_start3A_23 : memref<16777216xf32, #tpu.memory_space<hbm>>) target(%dma_start3A_18 : memref<128xf32, #tpu.memory_space<vmem>>) offsets(%dma_start3A_21 : memref<128xi32, #tpu.memory_space<vmem>>) semaphore(%arg10 : memref<!tpu.dma_semaphore, #tpu.memory_space<semaphore_mem>>)
    %dma_start3A_24 = arith.constant 1 : i32
    %dma_start3A_25 = arith.constant 1 : i32
    %dma_start3A_26 = arith.constant 0 : i32
    %dma_start3A_27 = tpu.memref_slice %arg8[%dma_start3A_25, %dma_start3A_26] : memref<16x128xf32, #tpu.memory_space<vmem>> -> memref<1x128xf32, #tpu.memory_space<vmem>>
    %dma_start3A_28 = tpu.memref_squeeze %dma_start3A_27 : memref<1x128xf32, #tpu.memory_space<vmem>> -> memref<128xf32, #tpu.memory_space<vmem>>
    %dma_start3A_29 = arith.constant 0 : i32
    %dma_start3A_30 = tpu.memref_slice %arg7[%dma_start3A_24, %dma_start3A_29] : memref<16x128xi32, #tpu.memory_space<vmem>> -> memref<1x128xi32, #tpu.memory_space<vmem>>
    %dma_start3A_31 = tpu.memref_squeeze %dma_start3A_30 : memref<1x128xi32, #tpu.memory_space<vmem>> -> memref<128xi32, #tpu.memory_space<vmem>>
    %dma_start3A_32 = arith.constant 0 : i32
    %dma_start3A_33 = tpu.memref_slice %arg2[%dma_start3A_32] : memref<16777216xf32, #tpu.memory_space<hbm>> -> memref<16777216xf32, #tpu.memory_space<hbm>>
    tpu.enqueue_indirect_dma source(%dma_start3A_33 : memref<16777216xf32, #tpu.memory_space<hbm>>) target(%dma_start3A_28 : memref<128xf32, #tpu.memory_space<vmem>>) offsets(%dma_start3A_31 : memref<128xi32, #tpu.memory_space<vmem>>) semaphore(%arg10 : memref<!tpu.dma_semaphore, #tpu.memory_space<semaphore_mem>>)
    %dma_start3A_34 = arith.constant 2 : i32
    %dma_start3A_35 = arith.constant 2 : i32
    %dma_start3A_36 = arith.constant 0 : i32
    %dma_start3A_37 = tpu.memref_slice %arg8[%dma_start3A_35, %dma_start3A_36] : memref<16x128xf32, #tpu.memory_space<vmem>> -> memref<1x128xf32, #tpu.memory_space<vmem>>
    %dma_start3A_38 = tpu.memref_squeeze %dma_start3A_37 : memref<1x128xf32, #tpu.memory_space<vmem>> -> memref<128xf32, #tpu.memory_space<vmem>>
    %dma_start3A_39 = arith.constant 0 : i32
    %dma_start3A_40 = tpu.memref_slice %arg7[%dma_start3A_34, %dma_start3A_39] : memref<16x128xi32, #tpu.memory_space<vmem>> -> memref<1x128xi32, #tpu.memory_space<vmem>>
    %dma_start3A_41 = tpu.memref_squeeze %dma_start3A_40 : memref<1x128xi32, #tpu.memory_space<vmem>> -> memref<128xi32, #tpu.memory_space<vmem>>
    %dma_start3A_42 = arith.constant 0 : i32
    %dma_start3A_43 = tpu.memref_slice %arg2[%dma_start3A_42] : memref<16777216xf32, #tpu.memory_space<hbm>> -> memref<16777216xf32, #tpu.memory_space<hbm>>
    tpu.enqueue_indirect_dma source(%dma_start3A_43 : memref<16777216xf32, #tpu.memory_space<hbm>>) target(%dma_start3A_38 : memref<128xf32, #tpu.memory_space<vmem>>) offsets(%dma_start3A_41 : memref<128xi32, #tpu.memory_space<vmem>>) semaphore(%arg10 : memref<!tpu.dma_semaphore, #tpu.memory_space<semaphore_mem>>)
    %dma_start3A_44 = arith.constant 3 : i32
    %dma_start3A_45 = arith.constant 3 : i32
    %dma_start3A_46 = arith.constant 0 : i32
    %dma_start3A_47 = tpu.memref_slice %arg8[%dma_start3A_45, %dma_start3A_46] : memref<16x128xf32, #tpu.memory_space<vmem>> -> memref<1x128xf32, #tpu.memory_space<vmem>>
    %dma_start3A_48 = tpu.memref_squeeze %dma_start3A_47 : memref<1x128xf32, #tpu.memory_space<vmem>> -> memref<128xf32, #tpu.memory_space<vmem>>
    %dma_start3A_49 = arith.constant 0 : i32
    %dma_start3A_50 = tpu.memref_slice %arg7[%dma_start3A_44, %dma_start3A_49] : memref<16x128xi32, #tpu.memory_space<vmem>> -> memref<1x128xi32, #tpu.memory_space<vmem>>
    %dma_start3A_51 = tpu.memref_squeeze %dma_start3A_50 : memref<1x128xi32, #tpu.memory_space<vmem>> -> memref<128xi32, #tpu.memory_space<vmem>>
    %dma_start3A_52 = arith.constant 0 : i32
    %dma_start3A_53 = tpu.memref_slice %arg2[%dma_start3A_52] : memref<16777216xf32, #tpu.memory_space<hbm>> -> memref<16777216xf32, #tpu.memory_space<hbm>>
    tpu.enqueue_indirect_dma source(%dma_start3A_53 : memref<16777216xf32, #tpu.memory_space<hbm>>) target(%dma_start3A_48 : memref<128xf32, #tpu.memory_space<vmem>>) offsets(%dma_start3A_51 : memref<128xi32, #tpu.memory_space<vmem>>) semaphore(%arg10 : memref<!tpu.dma_semaphore, #tpu.memory_space<semaphore_mem>>)
    %dma_start3A_54 = arith.constant 4 : i32
    %dma_start3A_55 = arith.constant 4 : i32
    %dma_start3A_56 = arith.constant 0 : i32
    %dma_start3A_57 = tpu.memref_slice %arg8[%dma_start3A_55, %dma_start3A_56] : memref<16x128xf32, #tpu.memory_space<vmem>> -> memref<1x128xf32, #tpu.memory_space<vmem>>
    %dma_start3A_58 = tpu.memref_squeeze %dma_start3A_57 : memref<1x128xf32, #tpu.memory_space<vmem>> -> memref<128xf32, #tpu.memory_space<vmem>>
    %dma_start3A_59 = arith.constant 0 : i32
    %dma_start3A_60 = tpu.memref_slice %arg7[%dma_start3A_54, %dma_start3A_59] : memref<16x128xi32, #tpu.memory_space<vmem>> -> memref<1x128xi32, #tpu.memory_space<vmem>>
    %dma_start3A_61 = tpu.memref_squeeze %dma_start3A_60 : memref<1x128xi32, #tpu.memory_space<vmem>> -> memref<128xi32, #tpu.memory_space<vmem>>
    %dma_start3A_62 = arith.constant 0 : i32
    %dma_start3A_63 = tpu.memref_slice %arg2[%dma_start3A_62] : memref<16777216xf32, #tpu.memory_space<hbm>> -> memref<16777216xf32, #tpu.memory_space<hbm>>
    tpu.enqueue_indirect_dma source(%dma_start3A_63 : memref<16777216xf32, #tpu.memory_space<hbm>>) target(%dma_start3A_58 : memref<128xf32, #tpu.memory_space<vmem>>) offsets(%dma_start3A_61 : memref<128xi32, #tpu.memory_space<vmem>>) semaphore(%arg10 : memref<!tpu.dma_semaphore, #tpu.memory_space<semaphore_mem>>)
    %dma_start3A_64 = arith.constant 5 : i32
    %dma_start3A_65 = arith.constant 5 : i32
    %dma_start3A_66 = arith.constant 0 : i32
    %dma_start3A_67 = tpu.memref_slice %arg8[%dma_start3A_65, %dma_start3A_66] : memref<16x128xf32, #tpu.memory_space<vmem>> -> memref<1x128xf32, #tpu.memory_space<vmem>>
    %dma_start3A_68 = tpu.memref_squeeze %dma_start3A_67 : memref<1x128xf32, #tpu.memory_space<vmem>> -> memref<128xf32, #tpu.memory_space<vmem>>
    %dma_start3A_69 = arith.constant 0 : i32
    %dma_start3A_70 = tpu.memref_slice %arg7[%dma_start3A_64, %dma_start3A_69] : memref<16x128xi32, #tpu.memory_space<vmem>> -> memref<1x128xi32, #tpu.memory_space<vmem>>
    %dma_start3A_71 = tpu.memref_squeeze %dma_start3A_70 : memref<1x128xi32, #tpu.memory_space<vmem>> -> memref<128xi32, #tpu.memory_space<vmem>>
    %dma_start3A_72 = arith.constant 0 : i32
    %dma_start3A_73 = tpu.memref_slice %arg2[%dma_start3A_72] : memref<16777216xf32, #tpu.memory_space<hbm>> -> memref<16777216xf32, #tpu.memory_space<hbm>>
    tpu.enqueue_indirect_dma source(%dma_start3A_73 : memref<16777216xf32, #tpu.memory_space<hbm>>) target(%dma_start3A_68 : memref<128xf32, #tpu.memory_space<vmem>>) offsets(%dma_start3A_71 : memref<128xi32, #tpu.memory_space<vmem>>) semaphore(%arg10 : memref<!tpu.dma_semaphore, #tpu.memory_space<semaphore_mem>>)
    %dma_start3A_74 = arith.constant 6 : i32
    %dma_start3A_75 = arith.constant 6 : i32
    %dma_start3A_76 = arith.constant 0 : i32
    %dma_start3A_77 = tpu.memref_slice %arg8[%dma_start3A_75, %dma_start3A_76] : memref<16x128xf32, #tpu.memory_space<vmem>> -> memref<1x128xf32, #tpu.memory_space<vmem>>
    %dma_start3A_78 = tpu.memref_squeeze %dma_start3A_77 : memref<1x128xf32, #tpu.memory_space<vmem>> -> memref<128xf32, #tpu.memory_space<vmem>>
    %dma_start3A_79 = arith.constant 0 : i32
    %dma_start3A_80 = tpu.memref_slice %arg7[%dma_start3A_74, %dma_start3A_79] : memref<16x128xi32, #tpu.memory_space<vmem>> -> memref<1x128xi32, #tpu.memory_space<vmem>>
    %dma_start3A_81 = tpu.memref_squeeze %dma_start3A_80 : memref<1x128xi32, #tpu.memory_space<vmem>> -> memref<128xi32, #tpu.memory_space<vmem>>
    %dma_start3A_82 = arith.constant 0 : i32
    %dma_start3A_83 = tpu.memref_slice %arg2[%dma_start3A_82] : memref<16777216xf32, #tpu.memory_space<hbm>> -> memref<16777216xf32, #tpu.memory_space<hbm>>
    tpu.enqueue_indirect_dma source(%dma_start3A_83 : memref<16777216xf32, #tpu.memory_space<hbm>>) target(%dma_start3A_78 : memref<128xf32, #tpu.memory_space<vmem>>) offsets(%dma_start3A_81 : memref<128xi32, #tpu.memory_space<vmem>>) semaphore(%arg10 : memref<!tpu.dma_semaphore, #tpu.memory_space<semaphore_mem>>)
    %dma_start3A_84 = arith.constant 7 : i32
    %dma_start3A_85 = arith.constant 7 : i32
    %dma_start3A_86 = arith.constant 0 : i32
    %dma_start3A_87 = tpu.memref_slice %arg8[%dma_start3A_85, %dma_start3A_86] : memref<16x128xf32, #tpu.memory_space<vmem>> -> memref<1x128xf32, #tpu.memory_space<vmem>>
    %dma_start3A_88 = tpu.memref_squeeze %dma_start3A_87 : memref<1x128xf32, #tpu.memory_space<vmem>> -> memref<128xf32, #tpu.memory_space<vmem>>
    %dma_start3A_89 = arith.constant 0 : i32
    %dma_start3A_90 = tpu.memref_slice %arg7[%dma_start3A_84, %dma_start3A_89] : memref<16x128xi32, #tpu.memory_space<vmem>> -> memref<1x128xi32, #tpu.memory_space<vmem>>
    %dma_start3A_91 = tpu.memref_squeeze %dma_start3A_90 : memref<1x128xi32, #tpu.memory_space<vmem>> -> memref<128xi32, #tpu.memory_space<vmem>>
    %dma_start3A_92 = arith.constant 0 : i32
    %dma_start3A_93 = tpu.memref_slice %arg2[%dma_start3A_92] : memref<16777216xf32, #tpu.memory_space<hbm>> -> memref<16777216xf32, #tpu.memory_space<hbm>>
    tpu.enqueue_indirect_dma source(%dma_start3A_93 : memref<16777216xf32, #tpu.memory_space<hbm>>) target(%dma_start3A_88 : memref<128xf32, #tpu.memory_space<vmem>>) offsets(%dma_start3A_91 : memref<128xi32, #tpu.memory_space<vmem>>) semaphore(%arg10 : memref<!tpu.dma_semaphore, #tpu.memory_space<semaphore_mem>>)
    %dma_start3A_94 = arith.constant 8 : i32
    %dma_start3A_95 = arith.constant 8 : i32
    %dma_start3A_96 = arith.constant 0 : i32
    %dma_start3A_97 = tpu.memref_slice %arg8[%dma_start3A_95, %dma_start3A_96] : memref<16x128xf32, #tpu.memory_space<vmem>> -> memref<1x128xf32, #tpu.memory_space<vmem>>
    %dma_start3A_98 = tpu.memref_squeeze %dma_start3A_97 : memref<1x128xf32, #tpu.memory_space<vmem>> -> memref<128xf32, #tpu.memory_space<vmem>>
    %dma_start3A_99 = arith.constant 0 : i32
    %dma_start3A_100 = tpu.memref_slice %arg7[%dma_start3A_94, %dma_start3A_99] : memref<16x128xi32, #tpu.memory_space<vmem>> -> memref<1x128xi32, #tpu.memory_space<vmem>>
    %dma_start3A_101 = tpu.memref_squeeze %dma_start3A_100 : memref<1x128xi32, #tpu.memory_space<vmem>> -> memref<128xi32, #tpu.memory_space<vmem>>
    %dma_start3A_102 = arith.constant 0 : i32
    %dma_start3A_103 = tpu.memref_slice %arg2[%dma_start3A_102] : memref<16777216xf32, #tpu.memory_space<hbm>> -> memref<16777216xf32, #tpu.memory_space<hbm>>
    tpu.enqueue_indirect_dma source(%dma_start3A_103 : memref<16777216xf32, #tpu.memory_space<hbm>>) target(%dma_start3A_98 : memref<128xf32, #tpu.memory_space<vmem>>) offsets(%dma_start3A_101 : memref<128xi32, #tpu.memory_space<vmem>>) semaphore(%arg10 : memref<!tpu.dma_semaphore, #tpu.memory_space<semaphore_mem>>)
    %dma_start3A_104 = arith.constant 9 : i32
    %dma_start3A_105 = arith.constant 9 : i32
    %dma_start3A_106 = arith.constant 0 : i32
    %dma_start3A_107 = tpu.memref_slice %arg8[%dma_start3A_105, %dma_start3A_106] : memref<16x128xf32, #tpu.memory_space<vmem>> -> memref<1x128xf32, #tpu.memory_space<vmem>>
    %dma_start3A_108 = tpu.memref_squeeze %dma_start3A_107 : memref<1x128xf32, #tpu.memory_space<vmem>> -> memref<128xf32, #tpu.memory_space<vmem>>
    %dma_start3A_109 = arith.constant 0 : i32
    %dma_start3A_110 = tpu.memref_slice %arg7[%dma_start3A_104, %dma_start3A_109] : memref<16x128xi32, #tpu.memory_space<vmem>> -> memref<1x128xi32, #tpu.memory_space<vmem>>
    %dma_start3A_111 = tpu.memref_squeeze %dma_start3A_110 : memref<1x128xi32, #tpu.memory_space<vmem>> -> memref<128xi32, #tpu.memory_space<vmem>>
    %dma_start3A_112 = arith.constant 0 : i32
    %dma_start3A_113 = tpu.memref_slice %arg2[%dma_start3A_112] : memref<16777216xf32, #tpu.memory_space<hbm>> -> memref<16777216xf32, #tpu.memory_space<hbm>>
    tpu.enqueue_indirect_dma source(%dma_start3A_113 : memref<16777216xf32, #tpu.memory_space<hbm>>) target(%dma_start3A_108 : memref<128xf32, #tpu.memory_space<vmem>>) offsets(%dma_start3A_111 : memref<128xi32, #tpu.memory_space<vmem>>) semaphore(%arg10 : memref<!tpu.dma_semaphore, #tpu.memory_space<semaphore_mem>>)
    %dma_start3A_114 = arith.constant 10 : i32
    %dma_start3A_115 = arith.constant 10 : i32
    %dma_start3A_116 = arith.constant 0 : i32
    %dma_start3A_117 = tpu.memref_slice %arg8[%dma_start3A_115, %dma_start3A_116] : memref<16x128xf32, #tpu.memory_space<vmem>> -> memref<1x128xf32, #tpu.memory_space<vmem>>
    %dma_start3A_118 = tpu.memref_squeeze %dma_start3A_117 : memref<1x128xf32, #tpu.memory_space<vmem>> -> memref<128xf32, #tpu.memory_space<vmem>>
    %dma_start3A_119 = arith.constant 0 : i32
    %dma_start3A_120 = tpu.memref_slice %arg7[%dma_start3A_114, %dma_start3A_119] : memref<16x128xi32, #tpu.memory_space<vmem>> -> memref<1x128xi32, #tpu.memory_space<vmem>>
    %dma_start3A_121 = tpu.memref_squeeze %dma_start3A_120 : memref<1x128xi32, #tpu.memory_space<vmem>> -> memref<128xi32, #tpu.memory_space<vmem>>
    %dma_start3A_122 = arith.constant 0 : i32
    %dma_start3A_123 = tpu.memref_slice %arg2[%dma_start3A_122] : memref<16777216xf32, #tpu.memory_space<hbm>> -> memref<16777216xf32, #tpu.memory_space<hbm>>
    tpu.enqueue_indirect_dma source(%dma_start3A_123 : memref<16777216xf32, #tpu.memory_space<hbm>>) target(%dma_start3A_118 : memref<128xf32, #tpu.memory_space<vmem>>) offsets(%dma_start3A_121 : memref<128xi32, #tpu.memory_space<vmem>>) semaphore(%arg10 : memref<!tpu.dma_semaphore, #tpu.memory_space<semaphore_mem>>)
    %dma_start3A_124 = arith.constant 11 : i32
    %dma_start3A_125 = arith.constant 11 : i32
    %dma_start3A_126 = arith.constant 0 : i32
    %dma_start3A_127 = tpu.memref_slice %arg8[%dma_start3A_125, %dma_start3A_126] : memref<16x128xf32, #tpu.memory_space<vmem>> -> memref<1x128xf32, #tpu.memory_space<vmem>>
    %dma_start3A_128 = tpu.memref_squeeze %dma_start3A_127 : memref<1x128xf32, #tpu.memory_space<vmem>> -> memref<128xf32, #tpu.memory_space<vmem>>
    %dma_start3A_129 = arith.constant 0 : i32
    %dma_start3A_130 = tpu.memref_slice %arg7[%dma_start3A_124, %dma_start3A_129] : memref<16x128xi32, #tpu.memory_space<vmem>> -> memref<1x128xi32, #tpu.memory_space<vmem>>
    %dma_start3A_131 = tpu.memref_squeeze %dma_start3A_130 : memref<1x128xi32, #tpu.memory_space<vmem>> -> memref<128xi32, #tpu.memory_space<vmem>>
    %dma_start3A_132 = arith.constant 0 : i32
    %dma_start3A_133 = tpu.memref_slice %arg2[%dma_start3A_132] : memref<16777216xf32, #tpu.memory_space<hbm>> -> memref<16777216xf32, #tpu.memory_space<hbm>>
    tpu.enqueue_indirect_dma source(%dma_start3A_133 : memref<16777216xf32, #tpu.memory_space<hbm>>) target(%dma_start3A_128 : memref<128xf32, #tpu.memory_space<vmem>>) offsets(%dma_start3A_131 : memref<128xi32, #tpu.memory_space<vmem>>) semaphore(%arg10 : memref<!tpu.dma_semaphore, #tpu.memory_space<semaphore_mem>>)
    %dma_start3A_134 = arith.constant 12 : i32
    %dma_start3A_135 = arith.constant 12 : i32
    %dma_start3A_136 = arith.constant 0 : i32
    %dma_start3A_137 = tpu.memref_slice %arg8[%dma_start3A_135, %dma_start3A_136] : memref<16x128xf32, #tpu.memory_space<vmem>> -> memref<1x128xf32, #tpu.memory_space<vmem>>
    %dma_start3A_138 = tpu.memref_squeeze %dma_start3A_137 : memref<1x128xf32, #tpu.memory_space<vmem>> -> memref<128xf32, #tpu.memory_space<vmem>>
    %dma_start3A_139 = arith.constant 0 : i32
    %dma_start3A_140 = tpu.memref_slice %arg7[%dma_start3A_134, %dma_start3A_139] : memref<16x128xi32, #tpu.memory_space<vmem>> -> memref<1x128xi32, #tpu.memory_space<vmem>>
    %dma_start3A_141 = tpu.memref_squeeze %dma_start3A_140 : memref<1x128xi32, #tpu.memory_space<vmem>> -> memref<128xi32, #tpu.memory_space<vmem>>
    %dma_start3A_142 = arith.constant 0 : i32
    %dma_start3A_143 = tpu.memref_slice %arg2[%dma_start3A_142] : memref<16777216xf32, #tpu.memory_space<hbm>> -> memref<16777216xf32, #tpu.memory_space<hbm>>
    tpu.enqueue_indirect_dma source(%dma_start3A_143 : memref<16777216xf32, #tpu.memory_space<hbm>>) target(%dma_start3A_138 : memref<128xf32, #tpu.memory_space<vmem>>) offsets(%dma_start3A_141 : memref<128xi32, #tpu.memory_space<vmem>>) semaphore(%arg10 : memref<!tpu.dma_semaphore, #tpu.memory_space<semaphore_mem>>)
    %dma_start3A_144 = arith.constant 13 : i32
    %dma_start3A_145 = arith.constant 13 : i32
    %dma_start3A_146 = arith.constant 0 : i32
    %dma_start3A_147 = tpu.memref_slice %arg8[%dma_start3A_145, %dma_start3A_146] : memref<16x128xf32, #tpu.memory_space<vmem>> -> memref<1x128xf32, #tpu.memory_space<vmem>>
    %dma_start3A_148 = tpu.memref_squeeze %dma_start3A_147 : memref<1x128xf32, #tpu.memory_space<vmem>> -> memref<128xf32, #tpu.memory_space<vmem>>
    %dma_start3A_149 = arith.constant 0 : i32
    %dma_start3A_150 = tpu.memref_slice %arg7[%dma_start3A_144, %dma_start3A_149] : memref<16x128xi32, #tpu.memory_space<vmem>> -> memref<1x128xi32, #tpu.memory_space<vmem>>
    %dma_start3A_151 = tpu.memref_squeeze %dma_start3A_150 : memref<1x128xi32, #tpu.memory_space<vmem>> -> memref<128xi32, #tpu.memory_space<vmem>>
    %dma_start3A_152 = arith.constant 0 : i32
    %dma_start3A_153 = tpu.memref_slice %arg2[%dma_start3A_152] : memref<16777216xf32, #tpu.memory_space<hbm>> -> memref<16777216xf32, #tpu.memory_space<hbm>>
    tpu.enqueue_indirect_dma source(%dma_start3A_153 : memref<16777216xf32, #tpu.memory_space<hbm>>) target(%dma_start3A_148 : memref<128xf32, #tpu.memory_space<vmem>>) offsets(%dma_start3A_151 : memref<128xi32, #tpu.memory_space<vmem>>) semaphore(%arg10 : memref<!tpu.dma_semaphore, #tpu.memory_space<semaphore_mem>>)
    %dma_start3A_154 = arith.constant 14 : i32
    %dma_start3A_155 = arith.constant 14 : i32
    %dma_start3A_156 = arith.constant 0 : i32
    %dma_start3A_157 = tpu.memref_slice %arg8[%dma_start3A_155, %dma_start3A_156] : memref<16x128xf32, #tpu.memory_space<vmem>> -> memref<1x128xf32, #tpu.memory_space<vmem>>
    %dma_start3A_158 = tpu.memref_squeeze %dma_start3A_157 : memref<1x128xf32, #tpu.memory_space<vmem>> -> memref<128xf32, #tpu.memory_space<vmem>>
    %dma_start3A_159 = arith.constant 0 : i32
    %dma_start3A_160 = tpu.memref_slice %arg7[%dma_start3A_154, %dma_start3A_159] : memref<16x128xi32, #tpu.memory_space<vmem>> -> memref<1x128xi32, #tpu.memory_space<vmem>>
    %dma_start3A_161 = tpu.memref_squeeze %dma_start3A_160 : memref<1x128xi32, #tpu.memory_space<vmem>> -> memref<128xi32, #tpu.memory_space<vmem>>
    %dma_start3A_162 = arith.constant 0 : i32
    %dma_start3A_163 = tpu.memref_slice %arg2[%dma_start3A_162] : memref<16777216xf32, #tpu.memory_space<hbm>> -> memref<16777216xf32, #tpu.memory_space<hbm>>
    tpu.enqueue_indirect_dma source(%dma_start3A_163 : memref<16777216xf32, #tpu.memory_space<hbm>>) target(%dma_start3A_158 : memref<128xf32, #tpu.memory_space<vmem>>) offsets(%dma_start3A_161 : memref<128xi32, #tpu.memory_space<vmem>>) semaphore(%arg10 : memref<!tpu.dma_semaphore, #tpu.memory_space<semaphore_mem>>)
    %dma_start3A_164 = arith.constant 15 : i32
    %dma_start3A_165 = arith.constant 15 : i32
    %dma_start3A_166 = arith.constant 0 : i32
    %dma_start3A_167 = tpu.memref_slice %arg8[%dma_start3A_165, %dma_start3A_166] : memref<16x128xf32, #tpu.memory_space<vmem>> -> memref<1x128xf32, #tpu.memory_space<vmem>>
    %dma_start3A_168 = tpu.memref_squeeze %dma_start3A_167 : memref<1x128xf32, #tpu.memory_space<vmem>> -> memref<128xf32, #tpu.memory_space<vmem>>
    %dma_start3A_169 = arith.constant 0 : i32
    %dma_start3A_170 = tpu.memref_slice %arg7[%dma_start3A_164, %dma_start3A_169] : memref<16x128xi32, #tpu.memory_space<vmem>> -> memref<1x128xi32, #tpu.memory_space<vmem>>
    %dma_start3A_171 = tpu.memref_squeeze %dma_start3A_170 : memref<1x128xi32, #tpu.memory_space<vmem>> -> memref<128xi32, #tpu.memory_space<vmem>>
    %dma_start3A_172 = arith.constant 0 : i32
    %dma_start3A_173 = tpu.memref_slice %arg2[%dma_start3A_172] : memref<16777216xf32, #tpu.memory_space<hbm>> -> memref<16777216xf32, #tpu.memory_space<hbm>>
    tpu.enqueue_indirect_dma source(%dma_start3A_173 : memref<16777216xf32, #tpu.memory_space<hbm>>) target(%dma_start3A_168 : memref<128xf32, #tpu.memory_space<vmem>>) offsets(%dma_start3A_171 : memref<128xi32, #tpu.memory_space<vmem>>) semaphore(%arg10 : memref<!tpu.dma_semaphore, #tpu.memory_space<semaphore_mem>>)
    %dma_wait3A = arith.constant 0 : i32
    %dma_wait3A_174 = arith.constant 0 : i32
    %dma_wait3A_175 = arith.constant 0 : i32
    %dma_wait3A_176 = tpu.memref_slice %arg8[%dma_wait3A_174, %dma_wait3A_175] : memref<16x128xf32, #tpu.memory_space<vmem>> -> memref<1x128xf32, #tpu.memory_space<vmem>>
    %dma_wait3A_177 = tpu.memref_squeeze %dma_wait3A_176 : memref<1x128xf32, #tpu.memory_space<vmem>> -> memref<128xf32, #tpu.memory_space<vmem>>
    %dma_wait3A_178 = arith.constant 0 : i32
    %dma_wait3A_179 = tpu.memref_slice %arg7[%dma_wait3A, %dma_wait3A_178] : memref<16x128xi32, #tpu.memory_space<vmem>> -> memref<1x128xi32, #tpu.memory_space<vmem>>
    %dma_wait3A_180 = tpu.memref_squeeze %dma_wait3A_179 : memref<1x128xi32, #tpu.memory_space<vmem>> -> memref<128xi32, #tpu.memory_space<vmem>>
    %dma_wait3A_181 = arith.constant 0 : i32
    %dma_wait3A_182 = tpu.memref_slice %arg2[%dma_wait3A_181] : memref<16777216xf32, #tpu.memory_space<hbm>> -> memref<16777216xf32, #tpu.memory_space<hbm>>
    tpu.wait_indirect_dma semaphore(%arg10 : memref<!tpu.dma_semaphore, #tpu.memory_space<semaphore_mem>>) src(%dma_wait3A_182 : memref<16777216xf32, #tpu.memory_space<hbm>>) dst(%dma_wait3A_177 : memref<128xf32, #tpu.memory_space<vmem>>)
    %dma_wait3A_183 = arith.constant 1 : i32
    %dma_wait3A_184 = arith.constant 1 : i32
    %dma_wait3A_185 = arith.constant 0 : i32
    %dma_wait3A_186 = tpu.memref_slice %arg8[%dma_wait3A_184, %dma_wait3A_185] : memref<16x128xf32, #tpu.memory_space<vmem>> -> memref<1x128xf32, #tpu.memory_space<vmem>>
    %dma_wait3A_187 = tpu.memref_squeeze %dma_wait3A_186 : memref<1x128xf32, #tpu.memory_space<vmem>> -> memref<128xf32, #tpu.memory_space<vmem>>
    %dma_wait3A_188 = arith.constant 0 : i32
    %dma_wait3A_189 = tpu.memref_slice %arg7[%dma_wait3A_183, %dma_wait3A_188] : memref<16x128xi32, #tpu.memory_space<vmem>> -> memref<1x128xi32, #tpu.memory_space<vmem>>
    %dma_wait3A_190 = tpu.memref_squeeze %dma_wait3A_189 : memref<1x128xi32, #tpu.memory_space<vmem>> -> memref<128xi32, #tpu.memory_space<vmem>>
    %dma_wait3A_191 = arith.constant 0 : i32
    %dma_wait3A_192 = tpu.memref_slice %arg2[%dma_wait3A_191] : memref<16777216xf32, #tpu.memory_space<hbm>> -> memref<16777216xf32, #tpu.memory_space<hbm>>
    tpu.wait_indirect_dma semaphore(%arg10 : memref<!tpu.dma_semaphore, #tpu.memory_space<semaphore_mem>>) src(%dma_wait3A_192 : memref<16777216xf32, #tpu.memory_space<hbm>>) dst(%dma_wait3A_187 : memref<128xf32, #tpu.memory_space<vmem>>)
    %dma_wait3A_193 = arith.constant 2 : i32
    %dma_wait3A_194 = arith.constant 2 : i32
    %dma_wait3A_195 = arith.constant 0 : i32
    %dma_wait3A_196 = tpu.memref_slice %arg8[%dma_wait3A_194, %dma_wait3A_195] : memref<16x128xf32, #tpu.memory_space<vmem>> -> memref<1x128xf32, #tpu.memory_space<vmem>>
    %dma_wait3A_197 = tpu.memref_squeeze %dma_wait3A_196 : memref<1x128xf32, #tpu.memory_space<vmem>> -> memref<128xf32, #tpu.memory_space<vmem>>
    %dma_wait3A_198 = arith.constant 0 : i32
    %dma_wait3A_199 = tpu.memref_slice %arg7[%dma_wait3A_193, %dma_wait3A_198] : memref<16x128xi32, #tpu.memory_space<vmem>> -> memref<1x128xi32, #tpu.memory_space<vmem>>
    %dma_wait3A_200 = tpu.memref_squeeze %dma_wait3A_199 : memref<1x128xi32, #tpu.memory_space<vmem>> -> memref<128xi32, #tpu.memory_space<vmem>>
    %dma_wait3A_201 = arith.constant 0 : i32
    %dma_wait3A_202 = tpu.memref_slice %arg2[%dma_wait3A_201] : memref<16777216xf32, #tpu.memory_space<hbm>> -> memref<16777216xf32, #tpu.memory_space<hbm>>
    tpu.wait_indirect_dma semaphore(%arg10 : memref<!tpu.dma_semaphore, #tpu.memory_space<semaphore_mem>>) src(%dma_wait3A_202 : memref<16777216xf32, #tpu.memory_space<hbm>>) dst(%dma_wait3A_197 : memref<128xf32, #tpu.memory_space<vmem>>)
    %dma_wait3A_203 = arith.constant 3 : i32
    %dma_wait3A_204 = arith.constant 3 : i32
    %dma_wait3A_205 = arith.constant 0 : i32
    %dma_wait3A_206 = tpu.memref_slice %arg8[%dma_wait3A_204, %dma_wait3A_205] : memref<16x128xf32, #tpu.memory_space<vmem>> -> memref<1x128xf32, #tpu.memory_space<vmem>>
    %dma_wait3A_207 = tpu.memref_squeeze %dma_wait3A_206 : memref<1x128xf32, #tpu.memory_space<vmem>> -> memref<128xf32, #tpu.memory_space<vmem>>
    %dma_wait3A_208 = arith.constant 0 : i32
    %dma_wait3A_209 = tpu.memref_slice %arg7[%dma_wait3A_203, %dma_wait3A_208] : memref<16x128xi32, #tpu.memory_space<vmem>> -> memref<1x128xi32, #tpu.memory_space<vmem>>
    %dma_wait3A_210 = tpu.memref_squeeze %dma_wait3A_209 : memref<1x128xi32, #tpu.memory_space<vmem>> -> memref<128xi32, #tpu.memory_space<vmem>>
    %dma_wait3A_211 = arith.constant 0 : i32
    %dma_wait3A_212 = tpu.memref_slice %arg2[%dma_wait3A_211] : memref<16777216xf32, #tpu.memory_space<hbm>> -> memref<16777216xf32, #tpu.memory_space<hbm>>
    tpu.wait_indirect_dma semaphore(%arg10 : memref<!tpu.dma_semaphore, #tpu.memory_space<semaphore_mem>>) src(%dma_wait3A_212 : memref<16777216xf32, #tpu.memory_space<hbm>>) dst(%dma_wait3A_207 : memref<128xf32, #tpu.memory_space<vmem>>)
    %dma_wait3A_213 = arith.constant 4 : i32
    %dma_wait3A_214 = arith.constant 4 : i32
    %dma_wait3A_215 = arith.constant 0 : i32
    %dma_wait3A_216 = tpu.memref_slice %arg8[%dma_wait3A_214, %dma_wait3A_215] : memref<16x128xf32, #tpu.memory_space<vmem>> -> memref<1x128xf32, #tpu.memory_space<vmem>>
    %dma_wait3A_217 = tpu.memref_squeeze %dma_wait3A_216 : memref<1x128xf32, #tpu.memory_space<vmem>> -> memref<128xf32, #tpu.memory_space<vmem>>
    %dma_wait3A_218 = arith.constant 0 : i32
    %dma_wait3A_219 = tpu.memref_slice %arg7[%dma_wait3A_213, %dma_wait3A_218] : memref<16x128xi32, #tpu.memory_space<vmem>> -> memref<1x128xi32, #tpu.memory_space<vmem>>
    %dma_wait3A_220 = tpu.memref_squeeze %dma_wait3A_219 : memref<1x128xi32, #tpu.memory_space<vmem>> -> memref<128xi32, #tpu.memory_space<vmem>>
    %dma_wait3A_221 = arith.constant 0 : i32
    %dma_wait3A_222 = tpu.memref_slice %arg2[%dma_wait3A_221] : memref<16777216xf32, #tpu.memory_space<hbm>> -> memref<16777216xf32, #tpu.memory_space<hbm>>
    tpu.wait_indirect_dma semaphore(%arg10 : memref<!tpu.dma_semaphore, #tpu.memory_space<semaphore_mem>>) src(%dma_wait3A_222 : memref<16777216xf32, #tpu.memory_space<hbm>>) dst(%dma_wait3A_217 : memref<128xf32, #tpu.memory_space<vmem>>)
    %dma_wait3A_223 = arith.constant 5 : i32
    %dma_wait3A_224 = arith.constant 5 : i32
    %dma_wait3A_225 = arith.constant 0 : i32
    %dma_wait3A_226 = tpu.memref_slice %arg8[%dma_wait3A_224, %dma_wait3A_225] : memref<16x128xf32, #tpu.memory_space<vmem>> -> memref<1x128xf32, #tpu.memory_space<vmem>>
    %dma_wait3A_227 = tpu.memref_squeeze %dma_wait3A_226 : memref<1x128xf32, #tpu.memory_space<vmem>> -> memref<128xf32, #tpu.memory_space<vmem>>
    %dma_wait3A_228 = arith.constant 0 : i32
    %dma_wait3A_229 = tpu.memref_slice %arg7[%dma_wait3A_223, %dma_wait3A_228] : memref<16x128xi32, #tpu.memory_space<vmem>> -> memref<1x128xi32, #tpu.memory_space<vmem>>
    %dma_wait3A_230 = tpu.memref_squeeze %dma_wait3A_229 : memref<1x128xi32, #tpu.memory_space<vmem>> -> memref<128xi32, #tpu.memory_space<vmem>>
    %dma_wait3A_231 = arith.constant 0 : i32
    %dma_wait3A_232 = tpu.memref_slice %arg2[%dma_wait3A_231] : memref<16777216xf32, #tpu.memory_space<hbm>> -> memref<16777216xf32, #tpu.memory_space<hbm>>
    tpu.wait_indirect_dma semaphore(%arg10 : memref<!tpu.dma_semaphore, #tpu.memory_space<semaphore_mem>>) src(%dma_wait3A_232 : memref<16777216xf32, #tpu.memory_space<hbm>>) dst(%dma_wait3A_227 : memref<128xf32, #tpu.memory_space<vmem>>)
    %dma_wait3A_233 = arith.constant 6 : i32
    %dma_wait3A_234 = arith.constant 6 : i32
    %dma_wait3A_235 = arith.constant 0 : i32
    %dma_wait3A_236 = tpu.memref_slice %arg8[%dma_wait3A_234, %dma_wait3A_235] : memref<16x128xf32, #tpu.memory_space<vmem>> -> memref<1x128xf32, #tpu.memory_space<vmem>>
    %dma_wait3A_237 = tpu.memref_squeeze %dma_wait3A_236 : memref<1x128xf32, #tpu.memory_space<vmem>> -> memref<128xf32, #tpu.memory_space<vmem>>
    %dma_wait3A_238 = arith.constant 0 : i32
    %dma_wait3A_239 = tpu.memref_slice %arg7[%dma_wait3A_233, %dma_wait3A_238] : memref<16x128xi32, #tpu.memory_space<vmem>> -> memref<1x128xi32, #tpu.memory_space<vmem>>
    %dma_wait3A_240 = tpu.memref_squeeze %dma_wait3A_239 : memref<1x128xi32, #tpu.memory_space<vmem>> -> memref<128xi32, #tpu.memory_space<vmem>>
    %dma_wait3A_241 = arith.constant 0 : i32
    %dma_wait3A_242 = tpu.memref_slice %arg2[%dma_wait3A_241] : memref<16777216xf32, #tpu.memory_space<hbm>> -> memref<16777216xf32, #tpu.memory_space<hbm>>
    tpu.wait_indirect_dma semaphore(%arg10 : memref<!tpu.dma_semaphore, #tpu.memory_space<semaphore_mem>>) src(%dma_wait3A_242 : memref<16777216xf32, #tpu.memory_space<hbm>>) dst(%dma_wait3A_237 : memref<128xf32, #tpu.memory_space<vmem>>)
    %dma_wait3A_243 = arith.constant 7 : i32
    %dma_wait3A_244 = arith.constant 7 : i32
    %dma_wait3A_245 = arith.constant 0 : i32
    %dma_wait3A_246 = tpu.memref_slice %arg8[%dma_wait3A_244, %dma_wait3A_245] : memref<16x128xf32, #tpu.memory_space<vmem>> -> memref<1x128xf32, #tpu.memory_space<vmem>>
    %dma_wait3A_247 = tpu.memref_squeeze %dma_wait3A_246 : memref<1x128xf32, #tpu.memory_space<vmem>> -> memref<128xf32, #tpu.memory_space<vmem>>
    %dma_wait3A_248 = arith.constant 0 : i32
    %dma_wait3A_249 = tpu.memref_slice %arg7[%dma_wait3A_243, %dma_wait3A_248] : memref<16x128xi32, #tpu.memory_space<vmem>> -> memref<1x128xi32, #tpu.memory_space<vmem>>
    %dma_wait3A_250 = tpu.memref_squeeze %dma_wait3A_249 : memref<1x128xi32, #tpu.memory_space<vmem>> -> memref<128xi32, #tpu.memory_space<vmem>>
    %dma_wait3A_251 = arith.constant 0 : i32
    %dma_wait3A_252 = tpu.memref_slice %arg2[%dma_wait3A_251] : memref<16777216xf32, #tpu.memory_space<hbm>> -> memref<16777216xf32, #tpu.memory_space<hbm>>
    tpu.wait_indirect_dma semaphore(%arg10 : memref<!tpu.dma_semaphore, #tpu.memory_space<semaphore_mem>>) src(%dma_wait3A_252 : memref<16777216xf32, #tpu.memory_space<hbm>>) dst(%dma_wait3A_247 : memref<128xf32, #tpu.memory_space<vmem>>)
    %dma_wait3A_253 = arith.constant 8 : i32
    %dma_wait3A_254 = arith.constant 8 : i32
    %dma_wait3A_255 = arith.constant 0 : i32
    %dma_wait3A_256 = tpu.memref_slice %arg8[%dma_wait3A_254, %dma_wait3A_255] : memref<16x128xf32, #tpu.memory_space<vmem>> -> memref<1x128xf32, #tpu.memory_space<vmem>>
    %dma_wait3A_257 = tpu.memref_squeeze %dma_wait3A_256 : memref<1x128xf32, #tpu.memory_space<vmem>> -> memref<128xf32, #tpu.memory_space<vmem>>
    %dma_wait3A_258 = arith.constant 0 : i32
    %dma_wait3A_259 = tpu.memref_slice %arg7[%dma_wait3A_253, %dma_wait3A_258] : memref<16x128xi32, #tpu.memory_space<vmem>> -> memref<1x128xi32, #tpu.memory_space<vmem>>
    %dma_wait3A_260 = tpu.memref_squeeze %dma_wait3A_259 : memref<1x128xi32, #tpu.memory_space<vmem>> -> memref<128xi32, #tpu.memory_space<vmem>>
    %dma_wait3A_261 = arith.constant 0 : i32
    %dma_wait3A_262 = tpu.memref_slice %arg2[%dma_wait3A_261] : memref<16777216xf32, #tpu.memory_space<hbm>> -> memref<16777216xf32, #tpu.memory_space<hbm>>
    tpu.wait_indirect_dma semaphore(%arg10 : memref<!tpu.dma_semaphore, #tpu.memory_space<semaphore_mem>>) src(%dma_wait3A_262 : memref<16777216xf32, #tpu.memory_space<hbm>>) dst(%dma_wait3A_257 : memref<128xf32, #tpu.memory_space<vmem>>)
    %dma_wait3A_263 = arith.constant 9 : i32
    %dma_wait3A_264 = arith.constant 9 : i32
    %dma_wait3A_265 = arith.constant 0 : i32
    %dma_wait3A_266 = tpu.memref_slice %arg8[%dma_wait3A_264, %dma_wait3A_265] : memref<16x128xf32, #tpu.memory_space<vmem>> -> memref<1x128xf32, #tpu.memory_space<vmem>>
    %dma_wait3A_267 = tpu.memref_squeeze %dma_wait3A_266 : memref<1x128xf32, #tpu.memory_space<vmem>> -> memref<128xf32, #tpu.memory_space<vmem>>
    %dma_wait3A_268 = arith.constant 0 : i32
    %dma_wait3A_269 = tpu.memref_slice %arg7[%dma_wait3A_263, %dma_wait3A_268] : memref<16x128xi32, #tpu.memory_space<vmem>> -> memref<1x128xi32, #tpu.memory_space<vmem>>
    %dma_wait3A_270 = tpu.memref_squeeze %dma_wait3A_269 : memref<1x128xi32, #tpu.memory_space<vmem>> -> memref<128xi32, #tpu.memory_space<vmem>>
    %dma_wait3A_271 = arith.constant 0 : i32
    %dma_wait3A_272 = tpu.memref_slice %arg2[%dma_wait3A_271] : memref<16777216xf32, #tpu.memory_space<hbm>> -> memref<16777216xf32, #tpu.memory_space<hbm>>
    tpu.wait_indirect_dma semaphore(%arg10 : memref<!tpu.dma_semaphore, #tpu.memory_space<semaphore_mem>>) src(%dma_wait3A_272 : memref<16777216xf32, #tpu.memory_space<hbm>>) dst(%dma_wait3A_267 : memref<128xf32, #tpu.memory_space<vmem>>)
    %dma_wait3A_273 = arith.constant 10 : i32
    %dma_wait3A_274 = arith.constant 10 : i32
    %dma_wait3A_275 = arith.constant 0 : i32
    %dma_wait3A_276 = tpu.memref_slice %arg8[%dma_wait3A_274, %dma_wait3A_275] : memref<16x128xf32, #tpu.memory_space<vmem>> -> memref<1x128xf32, #tpu.memory_space<vmem>>
    %dma_wait3A_277 = tpu.memref_squeeze %dma_wait3A_276 : memref<1x128xf32, #tpu.memory_space<vmem>> -> memref<128xf32, #tpu.memory_space<vmem>>
    %dma_wait3A_278 = arith.constant 0 : i32
    %dma_wait3A_279 = tpu.memref_slice %arg7[%dma_wait3A_273, %dma_wait3A_278] : memref<16x128xi32, #tpu.memory_space<vmem>> -> memref<1x128xi32, #tpu.memory_space<vmem>>
    %dma_wait3A_280 = tpu.memref_squeeze %dma_wait3A_279 : memref<1x128xi32, #tpu.memory_space<vmem>> -> memref<128xi32, #tpu.memory_space<vmem>>
    %dma_wait3A_281 = arith.constant 0 : i32
    %dma_wait3A_282 = tpu.memref_slice %arg2[%dma_wait3A_281] : memref<16777216xf32, #tpu.memory_space<hbm>> -> memref<16777216xf32, #tpu.memory_space<hbm>>
    tpu.wait_indirect_dma semaphore(%arg10 : memref<!tpu.dma_semaphore, #tpu.memory_space<semaphore_mem>>) src(%dma_wait3A_282 : memref<16777216xf32, #tpu.memory_space<hbm>>) dst(%dma_wait3A_277 : memref<128xf32, #tpu.memory_space<vmem>>)
    %dma_wait3A_283 = arith.constant 11 : i32
    %dma_wait3A_284 = arith.constant 11 : i32
    %dma_wait3A_285 = arith.constant 0 : i32
    %dma_wait3A_286 = tpu.memref_slice %arg8[%dma_wait3A_284, %dma_wait3A_285] : memref<16x128xf32, #tpu.memory_space<vmem>> -> memref<1x128xf32, #tpu.memory_space<vmem>>
    %dma_wait3A_287 = tpu.memref_squeeze %dma_wait3A_286 : memref<1x128xf32, #tpu.memory_space<vmem>> -> memref<128xf32, #tpu.memory_space<vmem>>
    %dma_wait3A_288 = arith.constant 0 : i32
    %dma_wait3A_289 = tpu.memref_slice %arg7[%dma_wait3A_283, %dma_wait3A_288] : memref<16x128xi32, #tpu.memory_space<vmem>> -> memref<1x128xi32, #tpu.memory_space<vmem>>
    %dma_wait3A_290 = tpu.memref_squeeze %dma_wait3A_289 : memref<1x128xi32, #tpu.memory_space<vmem>> -> memref<128xi32, #tpu.memory_space<vmem>>
    %dma_wait3A_291 = arith.constant 0 : i32
    %dma_wait3A_292 = tpu.memref_slice %arg2[%dma_wait3A_291] : memref<16777216xf32, #tpu.memory_space<hbm>> -> memref<16777216xf32, #tpu.memory_space<hbm>>
    tpu.wait_indirect_dma semaphore(%arg10 : memref<!tpu.dma_semaphore, #tpu.memory_space<semaphore_mem>>) src(%dma_wait3A_292 : memref<16777216xf32, #tpu.memory_space<hbm>>) dst(%dma_wait3A_287 : memref<128xf32, #tpu.memory_space<vmem>>)
    %dma_wait3A_293 = arith.constant 12 : i32
    %dma_wait3A_294 = arith.constant 12 : i32
    %dma_wait3A_295 = arith.constant 0 : i32
    %dma_wait3A_296 = tpu.memref_slice %arg8[%dma_wait3A_294, %dma_wait3A_295] : memref<16x128xf32, #tpu.memory_space<vmem>> -> memref<1x128xf32, #tpu.memory_space<vmem>>
    %dma_wait3A_297 = tpu.memref_squeeze %dma_wait3A_296 : memref<1x128xf32, #tpu.memory_space<vmem>> -> memref<128xf32, #tpu.memory_space<vmem>>
    %dma_wait3A_298 = arith.constant 0 : i32
    %dma_wait3A_299 = tpu.memref_slice %arg7[%dma_wait3A_293, %dma_wait3A_298] : memref<16x128xi32, #tpu.memory_space<vmem>> -> memref<1x128xi32, #tpu.memory_space<vmem>>
    %dma_wait3A_300 = tpu.memref_squeeze %dma_wait3A_299 : memref<1x128xi32, #tpu.memory_space<vmem>> -> memref<128xi32, #tpu.memory_space<vmem>>
    %dma_wait3A_301 = arith.constant 0 : i32
    %dma_wait3A_302 = tpu.memref_slice %arg2[%dma_wait3A_301] : memref<16777216xf32, #tpu.memory_space<hbm>> -> memref<16777216xf32, #tpu.memory_space<hbm>>
    tpu.wait_indirect_dma semaphore(%arg10 : memref<!tpu.dma_semaphore, #tpu.memory_space<semaphore_mem>>) src(%dma_wait3A_302 : memref<16777216xf32, #tpu.memory_space<hbm>>) dst(%dma_wait3A_297 : memref<128xf32, #tpu.memory_space<vmem>>)
    %dma_wait3A_303 = arith.constant 13 : i32
    %dma_wait3A_304 = arith.constant 13 : i32
    %dma_wait3A_305 = arith.constant 0 : i32
    %dma_wait3A_306 = tpu.memref_slice %arg8[%dma_wait3A_304, %dma_wait3A_305] : memref<16x128xf32, #tpu.memory_space<vmem>> -> memref<1x128xf32, #tpu.memory_space<vmem>>
    %dma_wait3A_307 = tpu.memref_squeeze %dma_wait3A_306 : memref<1x128xf32, #tpu.memory_space<vmem>> -> memref<128xf32, #tpu.memory_space<vmem>>
    %dma_wait3A_308 = arith.constant 0 : i32
    %dma_wait3A_309 = tpu.memref_slice %arg7[%dma_wait3A_303, %dma_wait3A_308] : memref<16x128xi32, #tpu.memory_space<vmem>> -> memref<1x128xi32, #tpu.memory_space<vmem>>
    %dma_wait3A_310 = tpu.memref_squeeze %dma_wait3A_309 : memref<1x128xi32, #tpu.memory_space<vmem>> -> memref<128xi32, #tpu.memory_space<vmem>>
    %dma_wait3A_311 = arith.constant 0 : i32
    %dma_wait3A_312 = tpu.memref_slice %arg2[%dma_wait3A_311] : memref<16777216xf32, #tpu.memory_space<hbm>> -> memref<16777216xf32, #tpu.memory_space<hbm>>
    tpu.wait_indirect_dma semaphore(%arg10 : memref<!tpu.dma_semaphore, #tpu.memory_space<semaphore_mem>>) src(%dma_wait3A_312 : memref<16777216xf32, #tpu.memory_space<hbm>>) dst(%dma_wait3A_307 : memref<128xf32, #tpu.memory_space<vmem>>)
    %dma_wait3A_313 = arith.constant 14 : i32
    %dma_wait3A_314 = arith.constant 14 : i32
    %dma_wait3A_315 = arith.constant 0 : i32
    %dma_wait3A_316 = tpu.memref_slice %arg8[%dma_wait3A_314, %dma_wait3A_315] : memref<16x128xf32, #tpu.memory_space<vmem>> -> memref<1x128xf32, #tpu.memory_space<vmem>>
    %dma_wait3A_317 = tpu.memref_squeeze %dma_wait3A_316 : memref<1x128xf32, #tpu.memory_space<vmem>> -> memref<128xf32, #tpu.memory_space<vmem>>
    %dma_wait3A_318 = arith.constant 0 : i32
    %dma_wait3A_319 = tpu.memref_slice %arg7[%dma_wait3A_313, %dma_wait3A_318] : memref<16x128xi32, #tpu.memory_space<vmem>> -> memref<1x128xi32, #tpu.memory_space<vmem>>
    %dma_wait3A_320 = tpu.memref_squeeze %dma_wait3A_319 : memref<1x128xi32, #tpu.memory_space<vmem>> -> memref<128xi32, #tpu.memory_space<vmem>>
    %dma_wait3A_321 = arith.constant 0 : i32
    %dma_wait3A_322 = tpu.memref_slice %arg2[%dma_wait3A_321] : memref<16777216xf32, #tpu.memory_space<hbm>> -> memref<16777216xf32, #tpu.memory_space<hbm>>
    tpu.wait_indirect_dma semaphore(%arg10 : memref<!tpu.dma_semaphore, #tpu.memory_space<semaphore_mem>>) src(%dma_wait3A_322 : memref<16777216xf32, #tpu.memory_space<hbm>>) dst(%dma_wait3A_317 : memref<128xf32, #tpu.memory_space<vmem>>)
    %dma_wait3A_323 = arith.constant 15 : i32
    %dma_wait3A_324 = arith.constant 15 : i32
    %dma_wait3A_325 = arith.constant 0 : i32
    %dma_wait3A_326 = tpu.memref_slice %arg8[%dma_wait3A_324, %dma_wait3A_325] : memref<16x128xf32, #tpu.memory_space<vmem>> -> memref<1x128xf32, #tpu.memory_space<vmem>>
    %dma_wait3A_327 = tpu.memref_squeeze %dma_wait3A_326 : memref<1x128xf32, #tpu.memory_space<vmem>> -> memref<128xf32, #tpu.memory_space<vmem>>
    %dma_wait3A_328 = arith.constant 0 : i32
    %dma_wait3A_329 = tpu.memref_slice %arg7[%dma_wait3A_323, %dma_wait3A_328] : memref<16x128xi32, #tpu.memory_space<vmem>> -> memref<1x128xi32, #tpu.memory_space<vmem>>
    %dma_wait3A_330 = tpu.memref_squeeze %dma_wait3A_329 : memref<1x128xi32, #tpu.memory_space<vmem>> -> memref<128xi32, #tpu.memory_space<vmem>>
    %dma_wait3A_331 = arith.constant 0 : i32
    %dma_wait3A_332 = tpu.memref_slice %arg2[%dma_wait3A_331] : memref<16777216xf32, #tpu.memory_space<hbm>> -> memref<16777216xf32, #tpu.memory_space<hbm>>
    tpu.wait_indirect_dma semaphore(%arg10 : memref<!tpu.dma_semaphore, #tpu.memory_space<semaphore_mem>>) src(%dma_wait3A_332 : memref<16777216xf32, #tpu.memory_space<hbm>>) dst(%dma_wait3A_327 : memref<128xf32, #tpu.memory_space<vmem>>)
    "tpu.region"() ({
      %run_scoped3A = tpu.sem_alloc : memref<!tpu.dma_semaphore, #tpu.memory_space<semaphore_mem>>
      %dma_start3A_333 = arith.constant 0 : i32
      %dma_start3A_334 = arith.constant 0 : i32
      %dma_start3A_335 = tpu.memref_slice %arg5[%add3A, %dma_start3A_333, %dma_start3A_334] : memref<32x16x128xf32, #tpu.memory_space<hbm>> -> memref<1x16x128xf32, #tpu.memory_space<hbm>>
      %dma_start3A_336 = tpu.memref_squeeze %dma_start3A_335 : memref<1x16x128xf32, #tpu.memory_space<hbm>> -> memref<16x128xf32, #tpu.memory_space<hbm>>
      %dma_start3A_337 = arith.constant 0 : i32
      %dma_start3A_338 = arith.constant 0 : i32
      %dma_start3A_339 = tpu.memref_slice %arg5[%add3A, %dma_start3A_337, %dma_start3A_338] : memref<32x16x128xf32, #tpu.memory_space<hbm>> -> memref<1x16x128xf32, #tpu.memory_space<hbm>>
      %dma_start3A_340 = tpu.memref_squeeze %dma_start3A_339 : memref<1x16x128xf32, #tpu.memory_space<hbm>> -> memref<16x128xf32, #tpu.memory_space<hbm>>
      tpu.enqueue_dma source(%arg8 : memref<16x128xf32, #tpu.memory_space<vmem>>) target(%dma_start3A_340 : memref<16x128xf32, #tpu.memory_space<hbm>>) target_semaphore(%run_scoped3A : memref<!tpu.dma_semaphore, #tpu.memory_space<semaphore_mem>>)
      %dma_wait3A_341 = arith.constant 0 : i32
      %dma_wait3A_342 = arith.constant 0 : i32
      %dma_wait3A_343 = tpu.memref_slice %arg5[%add3A, %dma_wait3A_341, %dma_wait3A_342] : memref<32x16x128xf32, #tpu.memory_space<hbm>> -> memref<1x16x128xf32, #tpu.memory_space<hbm>>
      %dma_wait3A_344 = tpu.memref_squeeze %dma_wait3A_343 : memref<1x16x128xf32, #tpu.memory_space<hbm>> -> memref<16x128xf32, #tpu.memory_space<hbm>>
      %dma_wait3A_345 = arith.constant 0 : i32
      %dma_wait3A_346 = arith.constant 0 : i32
      %dma_wait3A_347 = tpu.memref_slice %arg5[%add3A, %dma_wait3A_345, %dma_wait3A_346] : memref<32x16x128xf32, #tpu.memory_space<hbm>> -> memref<1x16x128xf32, #tpu.memory_space<hbm>>
      %dma_wait3A_348 = tpu.memref_squeeze %dma_wait3A_347 : memref<1x16x128xf32, #tpu.memory_space<hbm>> -> memref<16x128xf32, #tpu.memory_space<hbm>>
      tpu.wait_dma2 semaphore(%run_scoped3A : memref<!tpu.dma_semaphore, #tpu.memory_space<semaphore_mem>>) src(%arg8 : memref<16x128xf32, #tpu.memory_space<vmem>>) dst(%dma_wait3A_348 : memref<16x128xf32, #tpu.memory_space<hbm>>)
      tpu.yield
    }) : () -> ()
    return
  }
}

module attributes {stable_mosaic.version = 14 : i64} {
  func.func @_simtopk_body(%arg0: i32, %arg1: memref<256x512xf32, #tpu.memory_space<vmem>>, %arg2: memref<4096x512xf32, #tpu.memory_space<vmem>>, %arg3: memref<256x16xi32, #tpu.memory_space<vmem>>) attributes {dimension_semantics = [#tpu.dimension_semantics<arbitrary>], iteration_bounds = array<i64: 16>, scalar_prefetch = 0 : i64, scratch_operands = 0 : i64, tpu.core_type = #tpu.core_type<tc>, window_params = [{transform_indices = @transform_0, window_bounds = array<i64: 256, 512>}, {pipeline_mode = #tpu.pipeline_mode<synchronous>, transform_indices = @transform_1, window_bounds = array<i64: 4096, 512>}, {transform_indices = @transform_2, window_bounds = array<i64: 256, 16>}]} {
    %get3A = arith.constant 0 : index
    %get3A_0 = arith.constant 0 : index
    %get3A_1 = vector.load %arg1[%get3A, %get3A_0] : memref<256x512xf32, #tpu.memory_space<vmem>>, vector<256x512xf32>
    %get3A_2 = arith.constant 0 : index
    %get3A_3 = arith.constant 0 : index
    %get3A_4 = vector.load %arg2[%get3A_2, %get3A_3] : memref<4096x512xf32, #tpu.memory_space<vmem>>, vector<4096x512xf32>
    %dot_general3A = arith.constant dense<0.000000e+00> : vector<256x4096xf32>
    %dot_general3A_5 = tpu.matmul %get3A_1, %get3A_4, %dot_general3A {dimension_numbers = #tpu.dot_dimension_numbers<[1], [1], [0], [0], [0, 0, 1, 0], [], []>, transpose_lhs_hint = false} : vector<256x512xf32>, vector<4096x512xf32>, vector<256x4096xf32> -> vector<256x4096xf32>
    %mul3A = arith.constant 256 : i32
    %mul3A_6 = arith.muli %arg0, %mul3A : i32
    %iota3A = tpu.iota {dimensions = array<i32: 0>} : vector<256x4096xi32>
    %add3A = vector.broadcast %mul3A_6 : i32 to vector<256x4096xi32>
    %add3A_7 = arith.addi %add3A, %iota3A : vector<256x4096xi32>
    %iota3A_8 = tpu.iota {dimensions = array<i32: 1>} : vector<256x4096xi32>
    %eq3A = arith.cmpi eq, %iota3A_8, %add3A_7 : vector<256x4096xi32>
    %jit3A = arith.constant 1.000000e+01 : f32
    %jit3A_9 = arith.constant 0.000000e+00 : f32
    %broadcast_in_dim3A = vector.broadcast %jit3A : f32 to vector<256x4096xf32>
    %broadcast_in_dim3A_10 = vector.broadcast %jit3A_9 : f32 to vector<256x4096xf32>
    %select_n3A = arith.select %eq3A, %broadcast_in_dim3A, %broadcast_in_dim3A_10 : vector<256x4096xi1>, vector<256x4096xf32>
    %add3A_11 = arith.addf %dot_general3A_5, %select_n3A : vector<256x4096xf32>
    %argmax3A = tpu.reduce_index %add3A_11 {axis = 1 : i32, kind = #tpu.reduction_kind<arg_max>} : vector<256x4096xf32> -> vector<256xi32>
    %broadcast_in_dim3A_12 = vector.shape_cast %argmax3A : vector<256xi32> to vector<256x1xi32>
    %eq3A_13 = vector.broadcast %broadcast_in_dim3A_12 : vector<256x1xi32> to vector<256x4096xi32>
    %eq3A_14 = arith.cmpi eq, %iota3A_8, %eq3A_13 : vector<256x4096xi32>
    %jit3A_15 = arith.constant 0xFF800000 : f32
    %broadcast_in_dim3A_16 = vector.broadcast %jit3A_15 : f32 to vector<256x4096xf32>
    %select_n3A_17 = arith.select %eq3A_14, %broadcast_in_dim3A_16, %add3A_11 : vector<256x4096xi1>, vector<256x4096xf32>
    %argmax3A_18 = tpu.reduce_index %select_n3A_17 {axis = 1 : i32, kind = #tpu.reduction_kind<arg_max>} : vector<256x4096xf32> -> vector<256xi32>
    %broadcast_in_dim3A_19 = vector.shape_cast %argmax3A_18 : vector<256xi32> to vector<256x1xi32>
    %eq3A_20 = vector.broadcast %broadcast_in_dim3A_19 : vector<256x1xi32> to vector<256x4096xi32>
    %eq3A_21 = arith.cmpi eq, %iota3A_8, %eq3A_20 : vector<256x4096xi32>
    %jit3A_22 = arith.constant 0xFF800000 : f32
    %broadcast_in_dim3A_23 = vector.broadcast %jit3A_22 : f32 to vector<256x4096xf32>
    %select_n3A_24 = arith.select %eq3A_21, %broadcast_in_dim3A_23, %select_n3A_17 : vector<256x4096xi1>, vector<256x4096xf32>
    %argmax3A_25 = tpu.reduce_index %select_n3A_24 {axis = 1 : i32, kind = #tpu.reduction_kind<arg_max>} : vector<256x4096xf32> -> vector<256xi32>
    %broadcast_in_dim3A_26 = vector.shape_cast %argmax3A_25 : vector<256xi32> to vector<256x1xi32>
    %eq3A_27 = vector.broadcast %broadcast_in_dim3A_26 : vector<256x1xi32> to vector<256x4096xi32>
    %eq3A_28 = arith.cmpi eq, %iota3A_8, %eq3A_27 : vector<256x4096xi32>
    %jit3A_29 = arith.constant 0xFF800000 : f32
    %broadcast_in_dim3A_30 = vector.broadcast %jit3A_29 : f32 to vector<256x4096xf32>
    %select_n3A_31 = arith.select %eq3A_28, %broadcast_in_dim3A_30, %select_n3A_24 : vector<256x4096xi1>, vector<256x4096xf32>
    %argmax3A_32 = tpu.reduce_index %select_n3A_31 {axis = 1 : i32, kind = #tpu.reduction_kind<arg_max>} : vector<256x4096xf32> -> vector<256xi32>
    %broadcast_in_dim3A_33 = vector.shape_cast %argmax3A_32 : vector<256xi32> to vector<256x1xi32>
    %eq3A_34 = vector.broadcast %broadcast_in_dim3A_33 : vector<256x1xi32> to vector<256x4096xi32>
    %eq3A_35 = arith.cmpi eq, %iota3A_8, %eq3A_34 : vector<256x4096xi32>
    %jit3A_36 = arith.constant 0xFF800000 : f32
    %broadcast_in_dim3A_37 = vector.broadcast %jit3A_36 : f32 to vector<256x4096xf32>
    %select_n3A_38 = arith.select %eq3A_35, %broadcast_in_dim3A_37, %select_n3A_31 : vector<256x4096xi1>, vector<256x4096xf32>
    %argmax3A_39 = tpu.reduce_index %select_n3A_38 {axis = 1 : i32, kind = #tpu.reduction_kind<arg_max>} : vector<256x4096xf32> -> vector<256xi32>
    %broadcast_in_dim3A_40 = vector.shape_cast %argmax3A_39 : vector<256xi32> to vector<256x1xi32>
    %eq3A_41 = vector.broadcast %broadcast_in_dim3A_40 : vector<256x1xi32> to vector<256x4096xi32>
    %eq3A_42 = arith.cmpi eq, %iota3A_8, %eq3A_41 : vector<256x4096xi32>
    %jit3A_43 = arith.constant 0xFF800000 : f32
    %broadcast_in_dim3A_44 = vector.broadcast %jit3A_43 : f32 to vector<256x4096xf32>
    %select_n3A_45 = arith.select %eq3A_42, %broadcast_in_dim3A_44, %select_n3A_38 : vector<256x4096xi1>, vector<256x4096xf32>
    %argmax3A_46 = tpu.reduce_index %select_n3A_45 {axis = 1 : i32, kind = #tpu.reduction_kind<arg_max>} : vector<256x4096xf32> -> vector<256xi32>
    %broadcast_in_dim3A_47 = vector.shape_cast %argmax3A_46 : vector<256xi32> to vector<256x1xi32>
    %eq3A_48 = vector.broadcast %broadcast_in_dim3A_47 : vector<256x1xi32> to vector<256x4096xi32>
    %eq3A_49 = arith.cmpi eq, %iota3A_8, %eq3A_48 : vector<256x4096xi32>
    %jit3A_50 = arith.constant 0xFF800000 : f32
    %broadcast_in_dim3A_51 = vector.broadcast %jit3A_50 : f32 to vector<256x4096xf32>
    %select_n3A_52 = arith.select %eq3A_49, %broadcast_in_dim3A_51, %select_n3A_45 : vector<256x4096xi1>, vector<256x4096xf32>
    %argmax3A_53 = tpu.reduce_index %select_n3A_52 {axis = 1 : i32, kind = #tpu.reduction_kind<arg_max>} : vector<256x4096xf32> -> vector<256xi32>
    %broadcast_in_dim3A_54 = vector.shape_cast %argmax3A_53 : vector<256xi32> to vector<256x1xi32>
    %eq3A_55 = vector.broadcast %broadcast_in_dim3A_54 : vector<256x1xi32> to vector<256x4096xi32>
    %eq3A_56 = arith.cmpi eq, %iota3A_8, %eq3A_55 : vector<256x4096xi32>
    %jit3A_57 = arith.constant 0xFF800000 : f32
    %broadcast_in_dim3A_58 = vector.broadcast %jit3A_57 : f32 to vector<256x4096xf32>
    %select_n3A_59 = arith.select %eq3A_56, %broadcast_in_dim3A_58, %select_n3A_52 : vector<256x4096xi1>, vector<256x4096xf32>
    %argmax3A_60 = tpu.reduce_index %select_n3A_59 {axis = 1 : i32, kind = #tpu.reduction_kind<arg_max>} : vector<256x4096xf32> -> vector<256xi32>
    %broadcast_in_dim3A_61 = vector.shape_cast %argmax3A_60 : vector<256xi32> to vector<256x1xi32>
    %eq3A_62 = vector.broadcast %broadcast_in_dim3A_61 : vector<256x1xi32> to vector<256x4096xi32>
    %eq3A_63 = arith.cmpi eq, %iota3A_8, %eq3A_62 : vector<256x4096xi32>
    %jit3A_64 = arith.constant 0xFF800000 : f32
    %broadcast_in_dim3A_65 = vector.broadcast %jit3A_64 : f32 to vector<256x4096xf32>
    %select_n3A_66 = arith.select %eq3A_63, %broadcast_in_dim3A_65, %select_n3A_59 : vector<256x4096xi1>, vector<256x4096xf32>
    %argmax3A_67 = tpu.reduce_index %select_n3A_66 {axis = 1 : i32, kind = #tpu.reduction_kind<arg_max>} : vector<256x4096xf32> -> vector<256xi32>
    %broadcast_in_dim3A_68 = vector.shape_cast %argmax3A_67 : vector<256xi32> to vector<256x1xi32>
    %eq3A_69 = vector.broadcast %broadcast_in_dim3A_68 : vector<256x1xi32> to vector<256x4096xi32>
    %eq3A_70 = arith.cmpi eq, %iota3A_8, %eq3A_69 : vector<256x4096xi32>
    %jit3A_71 = arith.constant 0xFF800000 : f32
    %broadcast_in_dim3A_72 = vector.broadcast %jit3A_71 : f32 to vector<256x4096xf32>
    %select_n3A_73 = arith.select %eq3A_70, %broadcast_in_dim3A_72, %select_n3A_66 : vector<256x4096xi1>, vector<256x4096xf32>
    %argmax3A_74 = tpu.reduce_index %select_n3A_73 {axis = 1 : i32, kind = #tpu.reduction_kind<arg_max>} : vector<256x4096xf32> -> vector<256xi32>
    %broadcast_in_dim3A_75 = arith.constant 1073741824 : i32
    %broadcast_in_dim3A_76 = vector.broadcast %broadcast_in_dim3A_75 : i32 to vector<256x6xi32>
    %stack3A = vector.shape_cast %argmax3A : vector<256xi32> to vector<256x1xi32>
    %stack3A_77 = vector.shape_cast %argmax3A_18 : vector<256xi32> to vector<256x1xi32>
    %stack3A_78 = vector.shape_cast %argmax3A_25 : vector<256xi32> to vector<256x1xi32>
    %stack3A_79 = vector.shape_cast %argmax3A_32 : vector<256xi32> to vector<256x1xi32>
    %stack3A_80 = vector.shape_cast %argmax3A_39 : vector<256xi32> to vector<256x1xi32>
    %stack3A_81 = vector.shape_cast %argmax3A_46 : vector<256xi32> to vector<256x1xi32>
    %stack3A_82 = vector.shape_cast %argmax3A_53 : vector<256xi32> to vector<256x1xi32>
    %stack3A_83 = vector.shape_cast %argmax3A_60 : vector<256xi32> to vector<256x1xi32>
    %stack3A_84 = vector.shape_cast %argmax3A_67 : vector<256xi32> to vector<256x1xi32>
    %stack3A_85 = vector.shape_cast %argmax3A_74 : vector<256xi32> to vector<256x1xi32>
    %stack3A_86 = tpu.concatenate %stack3A, %stack3A_77, %stack3A_78, %stack3A_79, %stack3A_80, %stack3A_81, %stack3A_82, %stack3A_83, %stack3A_84, %stack3A_85 in 1 : vector<256x1xi32>, vector<256x1xi32>, vector<256x1xi32>, vector<256x1xi32>, vector<256x1xi32>, vector<256x1xi32>, vector<256x1xi32>, vector<256x1xi32>, vector<256x1xi32>, vector<256x1xi32> -> vector<256x10xi32>
    %concatenate3A = tpu.concatenate %stack3A_86, %broadcast_in_dim3A_76 in 1 : vector<256x10xi32>, vector<256x6xi32> -> vector<256x16xi32>
    %swap3A = arith.constant 0 : index
    %swap3A_87 = arith.constant 0 : index
    %swap3A_88 = vector.load %arg3[%swap3A, %swap3A_87] : memref<256x16xi32, #tpu.memory_space<vmem>>, vector<256x16xi32>
    tpu.vector_store %arg3[%swap3A, %swap3A_87], %concatenate3A {strides = array<i32>} : memref<256x16xi32, #tpu.memory_space<vmem>>, vector<256x16xi32>,
    return
  }
  func.func @transform_0(%arg0: i32) -> (i32, i32) {
    %c0_i32 = arith.constant 0 : i32
    %c0_i32_0 = arith.constant 0 : i32
    return %arg0, %c0_i32 : i32, i32
  }
  func.func @transform_1(%arg0: i32) -> (i32, i32) {
    %c0_i32 = arith.constant 0 : i32
    %c0_i32_0 = arith.constant 0 : i32
    %c0_i32_1 = arith.constant 0 : i32
    return %c0_i32, %c0_i32_0 : i32, i32
  }
  func.func @transform_2(%arg0: i32) -> (i32, i32) {
    %c0_i32 = arith.constant 0 : i32
    %c0_i32_0 = arith.constant 0 : i32
    return %arg0, %c0_i32 : i32, i32
  }
}

module attributes {stable_mosaic.version = 14 : i64} {
  func.func @_kmeans_body(%arg0: memref<4096x512xf32, #tpu.memory_space<vmem>>, %arg1: memref<512x4096xf32, #tpu.memory_space<vmem>>, %arg2: memref<512x256xf32, #tpu.memory_space<vmem>>, %arg3: memref<8x4096xi32, #tpu.memory_space<vmem>>) attributes {dimension_semantics = [], scalar_prefetch = 0 : i64, scratch_operands = 0 : i64, tpu.core_type = #tpu.core_type<tc>} {
    %get3A = arith.constant 0 : index
    %get3A_0 = arith.constant 0 : index
    %get3A_1 = vector.load %arg0[%get3A, %get3A_0] : memref<4096x512xf32, #tpu.memory_space<vmem>>, vector<4096x512xf32>
    %get3A_2 = arith.constant 0 : index
    %get3A_3 = arith.constant 0 : index
    %get3A_4 = vector.load %arg1[%get3A_2, %get3A_3] : memref<512x4096xf32, #tpu.memory_space<vmem>>, vector<512x4096xf32>
    %mul3A = arith.mulf %get3A_1, %get3A_1 : vector<4096x512xf32>
    %reduce_sum3A = arith.constant dense<0.000000e+00> : vector<4096xf32>
    %reduce_sum3A_5 = vector.multi_reduction <add>, %mul3A, %reduce_sum3A [1] : vector<4096x512xf32> to vector<4096xf32>
    %broadcast_in_dim3A = vector.shape_cast %reduce_sum3A_5 : vector<4096xf32> to vector<4096x1xf32>
    %get3A_6 = arith.constant 0 : index
    %get3A_7 = arith.constant 0 : index
    %get3A_8 = vector.load %arg2[%get3A_6, %get3A_7] : memref<512x256xf32, #tpu.memory_space<vmem>>, vector<512x256xf32>
    %scan3A = arith.constant 0 : i32
    %scan3A_9 = arith.constant 20 : i32
    %scan3A_10 = arith.addi %scan3A, %scan3A_9 : i32
    %scan3A_11 = arith.constant 1 : i32
    %scan3A_12 = scf.for %scan3A_48 = %scan3A to %scan3A_10 step %scan3A_11 iter_args(%scan3A_49 = %get3A_8) -> (vector<512x256xf32>)  : i32 {
      %dot_general3A_50 = arith.constant dense<0.000000e+00> : vector<4096x256xf32>
      %dot_general3A_51 = tpu.matmul %get3A_1, %scan3A_49, %dot_general3A_50 {dimension_numbers = #tpu.dot_dimension_numbers<[1], [0], [0], [1], [0, 0, 1, 1], [], []>, transpose_lhs_hint = false} : vector<4096x512xf32>, vector<512x256xf32>, vector<4096x256xf32> -> vector<4096x256xf32>
      %mul3A_52 = arith.mulf %scan3A_49, %scan3A_49 : vector<512x256xf32>
      %reduce_sum3A_53 = arith.constant dense<0.000000e+00> : vector<256xf32>
      %reduce_sum3A_54 = vector.multi_reduction <add>, %mul3A_52, %reduce_sum3A_53 [0] : vector<512x256xf32> to vector<256xf32>
      %mul3A_55 = arith.constant 2.000000e+00 : f32
      %mul3A_56 = vector.broadcast %mul3A_55 : f32 to vector<4096x256xf32>
      %mul3A_57 = arith.mulf %mul3A_56, %dot_general3A_51 : vector<4096x256xf32>
      %sub3A_58 = vector.broadcast %broadcast_in_dim3A : vector<4096x1xf32> to vector<4096x256xf32>
      %sub3A_59 = arith.subf %sub3A_58, %mul3A_57 : vector<4096x256xf32>
      %broadcast_in_dim3A_60 = vector.shape_cast %reduce_sum3A_54 : vector<256xf32> to vector<1x256xf32>
      %add3A_61 = vector.broadcast %broadcast_in_dim3A_60 : vector<1x256xf32> to vector<4096x256xf32>
      %add3A_62 = arith.addf %sub3A_59, %add3A_61 : vector<4096x256xf32>
      %slice3A_63 = vector.extract_strided_slice %add3A_62 {offsets = [0, 0], sizes = [4096, 64], strides = [1, 1]} : vector<4096x256xf32> to vector<4096x64xf32>
      %slice3A_64 = vector.extract_strided_slice %add3A_62 {offsets = [0, 0], sizes = [4096, 64], strides = [1, 1]} : vector<4096x256xf32> to vector<4096x64xf32>
      %reduce_min3A = arith.constant dense<0x7F800000> : vector<4096xf32>
      %reduce_min3A_65 = vector.multi_reduction <minimumf>, %slice3A_64, %reduce_min3A [1] : vector<4096x64xf32> to vector<4096xf32>
      %broadcast_in_dim3A_66 = vector.shape_cast %reduce_min3A_65 : vector<4096xf32> to vector<4096x1xf32>
      %eq3A = vector.broadcast %broadcast_in_dim3A_66 : vector<4096x1xf32> to vector<4096x64xf32>
      %eq3A_67 = arith.cmpf oeq, %slice3A_63, %eq3A : vector<4096x64xf32>
      %convert_element_type3A = arith.extui %eq3A_67 : vector<4096x64xi1> to vector<4096x64xi32>
      %convert_element_type3A_68 = arith.sitofp %convert_element_type3A : vector<4096x64xi32> to vector<4096x64xf32>
      %slice3A_69 = vector.extract_strided_slice %add3A_62 {offsets = [0, 64], sizes = [4096, 64], strides = [1, 1]} : vector<4096x256xf32> to vector<4096x64xf32>
      %slice3A_70 = vector.extract_strided_slice %add3A_62 {offsets = [0, 64], sizes = [4096, 64], strides = [1, 1]} : vector<4096x256xf32> to vector<4096x64xf32>
      %reduce_min3A_71 = arith.constant dense<0x7F800000> : vector<4096xf32>
      %reduce_min3A_72 = vector.multi_reduction <minimumf>, %slice3A_70, %reduce_min3A_71 [1] : vector<4096x64xf32> to vector<4096xf32>
      %broadcast_in_dim3A_73 = vector.shape_cast %reduce_min3A_72 : vector<4096xf32> to vector<4096x1xf32>
      %eq3A_74 = vector.broadcast %broadcast_in_dim3A_73 : vector<4096x1xf32> to vector<4096x64xf32>
      %eq3A_75 = arith.cmpf oeq, %slice3A_69, %eq3A_74 : vector<4096x64xf32>
      %convert_element_type3A_76 = arith.extui %eq3A_75 : vector<4096x64xi1> to vector<4096x64xi32>
      %convert_element_type3A_77 = arith.sitofp %convert_element_type3A_76 : vector<4096x64xi32> to vector<4096x64xf32>
      %slice3A_78 = vector.extract_strided_slice %add3A_62 {offsets = [0, 128], sizes = [4096, 64], strides = [1, 1]} : vector<4096x256xf32> to vector<4096x64xf32>
      %slice3A_79 = vector.extract_strided_slice %add3A_62 {offsets = [0, 128], sizes = [4096, 64], strides = [1, 1]} : vector<4096x256xf32> to vector<4096x64xf32>
      %reduce_min3A_80 = arith.constant dense<0x7F800000> : vector<4096xf32>
      %reduce_min3A_81 = vector.multi_reduction <minimumf>, %slice3A_79, %reduce_min3A_80 [1] : vector<4096x64xf32> to vector<4096xf32>
      %broadcast_in_dim3A_82 = vector.shape_cast %reduce_min3A_81 : vector<4096xf32> to vector<4096x1xf32>
      %eq3A_83 = vector.broadcast %broadcast_in_dim3A_82 : vector<4096x1xf32> to vector<4096x64xf32>
      %eq3A_84 = arith.cmpf oeq, %slice3A_78, %eq3A_83 : vector<4096x64xf32>
      %convert_element_type3A_85 = arith.extui %eq3A_84 : vector<4096x64xi1> to vector<4096x64xi32>
      %convert_element_type3A_86 = arith.sitofp %convert_element_type3A_85 : vector<4096x64xi32> to vector<4096x64xf32>
      %slice3A_87 = vector.extract_strided_slice %add3A_62 {offsets = [0, 192], sizes = [4096, 64], strides = [1, 1]} : vector<4096x256xf32> to vector<4096x64xf32>
      %slice3A_88 = vector.extract_strided_slice %add3A_62 {offsets = [0, 192], sizes = [4096, 64], strides = [1, 1]} : vector<4096x256xf32> to vector<4096x64xf32>
      %reduce_min3A_89 = arith.constant dense<0x7F800000> : vector<4096xf32>
      %reduce_min3A_90 = vector.multi_reduction <minimumf>, %slice3A_88, %reduce_min3A_89 [1] : vector<4096x64xf32> to vector<4096xf32>
      %broadcast_in_dim3A_91 = vector.shape_cast %reduce_min3A_90 : vector<4096xf32> to vector<4096x1xf32>
      %eq3A_92 = vector.broadcast %broadcast_in_dim3A_91 : vector<4096x1xf32> to vector<4096x64xf32>
      %eq3A_93 = arith.cmpf oeq, %slice3A_87, %eq3A_92 : vector<4096x64xf32>
      %convert_element_type3A_94 = arith.extui %eq3A_93 : vector<4096x64xi1> to vector<4096x64xi32>
      %convert_element_type3A_95 = arith.sitofp %convert_element_type3A_94 : vector<4096x64xi32> to vector<4096x64xf32>
      %concatenate3A = tpu.concatenate %convert_element_type3A_68, %convert_element_type3A_77, %convert_element_type3A_86, %convert_element_type3A_95 in 1 : vector<4096x64xf32>, vector<4096x64xf32>, vector<4096x64xf32>, vector<4096x64xf32> -> vector<4096x256xf32>
      %dot_general3A_96 = arith.constant dense<0.000000e+00> : vector<512x256xf32>
      %dot_general3A_97 = tpu.matmul %get3A_4, %concatenate3A, %dot_general3A_96 {dimension_numbers = #tpu.dot_dimension_numbers<[1], [0], [0], [1], [0, 0, 1, 1], [], []>, transpose_lhs_hint = false} : vector<512x4096xf32>, vector<4096x256xf32>, vector<512x256xf32> -> vector<512x256xf32>
      %reduce_sum3A_98 = arith.constant dense<0.000000e+00> : vector<256xf32>
      %reduce_sum3A_99 = vector.multi_reduction <add>, %concatenate3A, %reduce_sum3A_98 [0] : vector<4096x256xf32> to vector<256xf32>
      %jit3A = arith.constant 1.000000e+00 : f32
      %max3A = vector.broadcast %jit3A : f32 to vector<256xf32>
      %max3A_100 = arith.maximumf %max3A, %reduce_sum3A_99 : vector<256xf32>
      %broadcast_in_dim3A_101 = vector.shape_cast %max3A_100 : vector<256xf32> to vector<1x256xf32>
      %div3A = vector.broadcast %broadcast_in_dim3A_101 : vector<1x256xf32> to vector<512x256xf32>
      %div3A_102 = arith.divf %dot_general3A_97, %div3A : vector<512x256xf32>
      scf.yield %div3A_102 : vector<512x256xf32>
    }
    %dot_general3A = arith.constant dense<0.000000e+00> : vector<4096x256xf32>
    %dot_general3A_13 = tpu.matmul %get3A_1, %scan3A_12, %dot_general3A {dimension_numbers = #tpu.dot_dimension_numbers<[1], [0], [0], [1], [0, 0, 1, 1], [], []>, transpose_lhs_hint = false} : vector<4096x512xf32>, vector<512x256xf32>, vector<4096x256xf32> -> vector<4096x256xf32>
    %mul3A_14 = arith.mulf %scan3A_12, %scan3A_12 : vector<512x256xf32>
    %reduce_sum3A_15 = arith.constant dense<0.000000e+00> : vector<256xf32>
    %reduce_sum3A_16 = vector.multi_reduction <add>, %mul3A_14, %reduce_sum3A_15 [0] : vector<512x256xf32> to vector<256xf32>
    %mul3A_17 = arith.constant 2.000000e+00 : f32
    %mul3A_18 = vector.broadcast %mul3A_17 : f32 to vector<4096x256xf32>
    %mul3A_19 = arith.mulf %mul3A_18, %dot_general3A_13 : vector<4096x256xf32>
    %sub3A = vector.broadcast %broadcast_in_dim3A : vector<4096x1xf32> to vector<4096x256xf32>
    %sub3A_20 = arith.subf %sub3A, %mul3A_19 : vector<4096x256xf32>
    %broadcast_in_dim3A_21 = vector.shape_cast %reduce_sum3A_16 : vector<256xf32> to vector<1x256xf32>
    %add3A = vector.broadcast %broadcast_in_dim3A_21 : vector<1x256xf32> to vector<4096x256xf32>
    %add3A_22 = arith.addf %sub3A_20, %add3A : vector<4096x256xf32>
    %slice3A = vector.extract_strided_slice %add3A_22 {offsets = [0, 0], sizes = [4096, 64], strides = [1, 1]} : vector<4096x256xf32> to vector<4096x64xf32>
    %argmin3A = tpu.reduce_index %slice3A {axis = 1 : i32, kind = #tpu.reduction_kind<arg_min>} : vector<4096x64xf32> -> vector<4096xi32>
    %swap3A = arith.constant 0 : index
    %swap3A_23 = arith.constant 0 : index
    %swap3A_24 = vector.load %arg3[%swap3A, %swap3A_23] : memref<8x4096xi32, #tpu.memory_space<vmem>>, vector<1x4096xi32>
    %swap3A_25 = vector.shape_cast %swap3A_24 : vector<1x4096xi32> to vector<4096xi32>
    %swap3A_26 = vector.shape_cast %argmin3A : vector<4096xi32> to vector<1x4096xi32>
    tpu.vector_store %arg3[%swap3A, %swap3A_23], %swap3A_26 {strides = array<i32>} : memref<8x4096xi32, #tpu.memory_space<vmem>>, vector<1x4096xi32>,
    %slice3A_27 = vector.extract_strided_slice %add3A_22 {offsets = [0, 64], sizes = [4096, 64], strides = [1, 1]} : vector<4096x256xf32> to vector<4096x64xf32>
    %argmin3A_28 = tpu.reduce_index %slice3A_27 {axis = 1 : i32, kind = #tpu.reduction_kind<arg_min>} : vector<4096x64xf32> -> vector<4096xi32>
    %swap3A_29 = arith.constant 1 : index
    %swap3A_30 = arith.constant 0 : index
    %swap3A_31 = vector.load %arg3[%swap3A_29, %swap3A_30] : memref<8x4096xi32, #tpu.memory_space<vmem>>, vector<1x4096xi32>
    %swap3A_32 = vector.shape_cast %swap3A_31 : vector<1x4096xi32> to vector<4096xi32>
    %swap3A_33 = vector.shape_cast %argmin3A_28 : vector<4096xi32> to vector<1x4096xi32>
    tpu.vector_store %arg3[%swap3A_29, %swap3A_30], %swap3A_33 {strides = array<i32>} : memref<8x4096xi32, #tpu.memory_space<vmem>>, vector<1x4096xi32>,
    %slice3A_34 = vector.extract_strided_slice %add3A_22 {offsets = [0, 128], sizes = [4096, 64], strides = [1, 1]} : vector<4096x256xf32> to vector<4096x64xf32>
    %argmin3A_35 = tpu.reduce_index %slice3A_34 {axis = 1 : i32, kind = #tpu.reduction_kind<arg_min>} : vector<4096x64xf32> -> vector<4096xi32>
    %swap3A_36 = arith.constant 2 : index
    %swap3A_37 = arith.constant 0 : index
    %swap3A_38 = vector.load %arg3[%swap3A_36, %swap3A_37] : memref<8x4096xi32, #tpu.memory_space<vmem>>, vector<1x4096xi32>
    %swap3A_39 = vector.shape_cast %swap3A_38 : vector<1x4096xi32> to vector<4096xi32>
    %swap3A_40 = vector.shape_cast %argmin3A_35 : vector<4096xi32> to vector<1x4096xi32>
    tpu.vector_store %arg3[%swap3A_36, %swap3A_37], %swap3A_40 {strides = array<i32>} : memref<8x4096xi32, #tpu.memory_space<vmem>>, vector<1x4096xi32>,
    %slice3A_41 = vector.extract_strided_slice %add3A_22 {offsets = [0, 192], sizes = [4096, 64], strides = [1, 1]} : vector<4096x256xf32> to vector<4096x64xf32>
    %argmin3A_42 = tpu.reduce_index %slice3A_41 {axis = 1 : i32, kind = #tpu.reduction_kind<arg_min>} : vector<4096x64xf32> -> vector<4096xi32>
    %swap3A_43 = arith.constant 3 : index
    %swap3A_44 = arith.constant 0 : index
    %swap3A_45 = vector.load %arg3[%swap3A_43, %swap3A_44] : memref<8x4096xi32, #tpu.memory_space<vmem>>, vector<1x4096xi32>
    %swap3A_46 = vector.shape_cast %swap3A_45 : vector<1x4096xi32> to vector<4096xi32>
    %swap3A_47 = vector.shape_cast %argmin3A_42 : vector<4096xi32> to vector<1x4096xi32>
    tpu.vector_store %arg3[%swap3A_43, %swap3A_44], %swap3A_47 {strides = array<i32>} : memref<8x4096xi32, #tpu.memory_space<vmem>>, vector<1x4096xi32>,
    return
  }
}

module attributes {stable_mosaic.version = 14 : i64} {
  func.func @_srcidx_body(%arg0: memref<32x16xi32, #tpu.memory_space<vmem>>, %arg1: memref<512x128xi32, #tpu.memory_space<vmem>>) attributes {dimension_semantics = [], scalar_prefetch = 0 : i64, scratch_operands = 0 : i64, tpu.core_type = #tpu.core_type<tc>} {
    %get3A = arith.constant 0 : index
    %get3A_0 = arith.constant 0 : index
    %get3A_1 = vector.load %arg0[%get3A, %get3A_0] : memref<32x16xi32, #tpu.memory_space<vmem>>, vector<32x16xi32>
    %slice3A = vector.extract_strided_slice %get3A_1 {offsets = [0, 0], sizes = [1, 1], strides = [1, 1]} : vector<32x16xi32> to vector<1x1xi32>
    %squeeze3A = vector.extract %slice3A[0, 0] : i32 from vector<1x1xi32>
    %add3A = arith.constant 0 : i32
    %add3A_2 = arith.addi %add3A, %squeeze3A : i32
    %slice3A_3 = vector.extract_strided_slice %get3A_1 {offsets = [1, 0], sizes = [1, 1], strides = [1, 1]} : vector<32x16xi32> to vector<1x1xi32>
    %squeeze3A_4 = vector.extract %slice3A_3[0, 0] : i32 from vector<1x1xi32>
    %add3A_5 = arith.addi %add3A_2, %squeeze3A_4 : i32
    %slice3A_6 = vector.extract_strided_slice %get3A_1 {offsets = [2, 0], sizes = [1, 1], strides = [1, 1]} : vector<32x16xi32> to vector<1x1xi32>
    %squeeze3A_7 = vector.extract %slice3A_6[0, 0] : i32 from vector<1x1xi32>
    %add3A_8 = arith.addi %add3A_5, %squeeze3A_7 : i32
    %slice3A_9 = vector.extract_strided_slice %get3A_1 {offsets = [3, 0], sizes = [1, 1], strides = [1, 1]} : vector<32x16xi32> to vector<1x1xi32>
    %squeeze3A_10 = vector.extract %slice3A_9[0, 0] : i32 from vector<1x1xi32>
    %add3A_11 = arith.addi %add3A_8, %squeeze3A_10 : i32
    %slice3A_12 = vector.extract_strided_slice %get3A_1 {offsets = [4, 0], sizes = [1, 1], strides = [1, 1]} : vector<32x16xi32> to vector<1x1xi32>
    %squeeze3A_13 = vector.extract %slice3A_12[0, 0] : i32 from vector<1x1xi32>
    %add3A_14 = arith.addi %add3A_11, %squeeze3A_13 : i32
    %slice3A_15 = vector.extract_strided_slice %get3A_1 {offsets = [5, 0], sizes = [1, 1], strides = [1, 1]} : vector<32x16xi32> to vector<1x1xi32>
    %squeeze3A_16 = vector.extract %slice3A_15[0, 0] : i32 from vector<1x1xi32>
    %add3A_17 = arith.addi %add3A_14, %squeeze3A_16 : i32
    %slice3A_18 = vector.extract_strided_slice %get3A_1 {offsets = [6, 0], sizes = [1, 1], strides = [1, 1]} : vector<32x16xi32> to vector<1x1xi32>
    %squeeze3A_19 = vector.extract %slice3A_18[0, 0] : i32 from vector<1x1xi32>
    %add3A_20 = arith.addi %add3A_17, %squeeze3A_19 : i32
    %slice3A_21 = vector.extract_strided_slice %get3A_1 {offsets = [7, 0], sizes = [1, 1], strides = [1, 1]} : vector<32x16xi32> to vector<1x1xi32>
    %squeeze3A_22 = vector.extract %slice3A_21[0, 0] : i32 from vector<1x1xi32>
    %add3A_23 = arith.addi %add3A_20, %squeeze3A_22 : i32
    %slice3A_24 = vector.extract_strided_slice %get3A_1 {offsets = [8, 0], sizes = [1, 1], strides = [1, 1]} : vector<32x16xi32> to vector<1x1xi32>
    %squeeze3A_25 = vector.extract %slice3A_24[0, 0] : i32 from vector<1x1xi32>
    %add3A_26 = arith.addi %add3A_23, %squeeze3A_25 : i32
    %slice3A_27 = vector.extract_strided_slice %get3A_1 {offsets = [9, 0], sizes = [1, 1], strides = [1, 1]} : vector<32x16xi32> to vector<1x1xi32>
    %squeeze3A_28 = vector.extract %slice3A_27[0, 0] : i32 from vector<1x1xi32>
    %add3A_29 = arith.addi %add3A_26, %squeeze3A_28 : i32
    %slice3A_30 = vector.extract_strided_slice %get3A_1 {offsets = [10, 0], sizes = [1, 1], strides = [1, 1]} : vector<32x16xi32> to vector<1x1xi32>
    %squeeze3A_31 = vector.extract %slice3A_30[0, 0] : i32 from vector<1x1xi32>
    %add3A_32 = arith.addi %add3A_29, %squeeze3A_31 : i32
    %slice3A_33 = vector.extract_strided_slice %get3A_1 {offsets = [11, 0], sizes = [1, 1], strides = [1, 1]} : vector<32x16xi32> to vector<1x1xi32>
    %squeeze3A_34 = vector.extract %slice3A_33[0, 0] : i32 from vector<1x1xi32>
    %add3A_35 = arith.addi %add3A_32, %squeeze3A_34 : i32
    %slice3A_36 = vector.extract_strided_slice %get3A_1 {offsets = [12, 0], sizes = [1, 1], strides = [1, 1]} : vector<32x16xi32> to vector<1x1xi32>
    %squeeze3A_37 = vector.extract %slice3A_36[0, 0] : i32 from vector<1x1xi32>
    %add3A_38 = arith.addi %add3A_35, %squeeze3A_37 : i32
    %slice3A_39 = vector.extract_strided_slice %get3A_1 {offsets = [13, 0], sizes = [1, 1], strides = [1, 1]} : vector<32x16xi32> to vector<1x1xi32>
    %squeeze3A_40 = vector.extract %slice3A_39[0, 0] : i32 from vector<1x1xi32>
    %add3A_41 = arith.addi %add3A_38, %squeeze3A_40 : i32
    %slice3A_42 = vector.extract_strided_slice %get3A_1 {offsets = [14, 0], sizes = [1, 1], strides = [1, 1]} : vector<32x16xi32> to vector<1x1xi32>
    %squeeze3A_43 = vector.extract %slice3A_42[0, 0] : i32 from vector<1x1xi32>
    %add3A_44 = arith.addi %add3A_41, %squeeze3A_43 : i32
    %slice3A_45 = vector.extract_strided_slice %get3A_1 {offsets = [15, 0], sizes = [1, 1], strides = [1, 1]} : vector<32x16xi32> to vector<1x1xi32>
    %squeeze3A_46 = vector.extract %slice3A_45[0, 0] : i32 from vector<1x1xi32>
    %add3A_47 = arith.addi %add3A_44, %squeeze3A_46 : i32
    %slice3A_48 = vector.extract_strided_slice %get3A_1 {offsets = [16, 0], sizes = [1, 1], strides = [1, 1]} : vector<32x16xi32> to vector<1x1xi32>
    %squeeze3A_49 = vector.extract %slice3A_48[0, 0] : i32 from vector<1x1xi32>
    %add3A_50 = arith.addi %add3A_47, %squeeze3A_49 : i32
    %slice3A_51 = vector.extract_strided_slice %get3A_1 {offsets = [17, 0], sizes = [1, 1], strides = [1, 1]} : vector<32x16xi32> to vector<1x1xi32>
    %squeeze3A_52 = vector.extract %slice3A_51[0, 0] : i32 from vector<1x1xi32>
    %add3A_53 = arith.addi %add3A_50, %squeeze3A_52 : i32
    %slice3A_54 = vector.extract_strided_slice %get3A_1 {offsets = [18, 0], sizes = [1, 1], strides = [1, 1]} : vector<32x16xi32> to vector<1x1xi32>
    %squeeze3A_55 = vector.extract %slice3A_54[0, 0] : i32 from vector<1x1xi32>
    %add3A_56 = arith.addi %add3A_53, %squeeze3A_55 : i32
    %slice3A_57 = vector.extract_strided_slice %get3A_1 {offsets = [19, 0], sizes = [1, 1], strides = [1, 1]} : vector<32x16xi32> to vector<1x1xi32>
    %squeeze3A_58 = vector.extract %slice3A_57[0, 0] : i32 from vector<1x1xi32>
    %add3A_59 = arith.addi %add3A_56, %squeeze3A_58 : i32
    %slice3A_60 = vector.extract_strided_slice %get3A_1 {offsets = [20, 0], sizes = [1, 1], strides = [1, 1]} : vector<32x16xi32> to vector<1x1xi32>
    %squeeze3A_61 = vector.extract %slice3A_60[0, 0] : i32 from vector<1x1xi32>
    %add3A_62 = arith.addi %add3A_59, %squeeze3A_61 : i32
    %slice3A_63 = vector.extract_strided_slice %get3A_1 {offsets = [21, 0], sizes = [1, 1], strides = [1, 1]} : vector<32x16xi32> to vector<1x1xi32>
    %squeeze3A_64 = vector.extract %slice3A_63[0, 0] : i32 from vector<1x1xi32>
    %add3A_65 = arith.addi %add3A_62, %squeeze3A_64 : i32
    %slice3A_66 = vector.extract_strided_slice %get3A_1 {offsets = [22, 0], sizes = [1, 1], strides = [1, 1]} : vector<32x16xi32> to vector<1x1xi32>
    %squeeze3A_67 = vector.extract %slice3A_66[0, 0] : i32 from vector<1x1xi32>
    %add3A_68 = arith.addi %add3A_65, %squeeze3A_67 : i32
    %slice3A_69 = vector.extract_strided_slice %get3A_1 {offsets = [23, 0], sizes = [1, 1], strides = [1, 1]} : vector<32x16xi32> to vector<1x1xi32>
    %squeeze3A_70 = vector.extract %slice3A_69[0, 0] : i32 from vector<1x1xi32>
    %add3A_71 = arith.addi %add3A_68, %squeeze3A_70 : i32
    %slice3A_72 = vector.extract_strided_slice %get3A_1 {offsets = [24, 0], sizes = [1, 1], strides = [1, 1]} : vector<32x16xi32> to vector<1x1xi32>
    %squeeze3A_73 = vector.extract %slice3A_72[0, 0] : i32 from vector<1x1xi32>
    %add3A_74 = arith.addi %add3A_71, %squeeze3A_73 : i32
    %slice3A_75 = vector.extract_strided_slice %get3A_1 {offsets = [25, 0], sizes = [1, 1], strides = [1, 1]} : vector<32x16xi32> to vector<1x1xi32>
    %squeeze3A_76 = vector.extract %slice3A_75[0, 0] : i32 from vector<1x1xi32>
    %add3A_77 = arith.addi %add3A_74, %squeeze3A_76 : i32
    %slice3A_78 = vector.extract_strided_slice %get3A_1 {offsets = [26, 0], sizes = [1, 1], strides = [1, 1]} : vector<32x16xi32> to vector<1x1xi32>
    %squeeze3A_79 = vector.extract %slice3A_78[0, 0] : i32 from vector<1x1xi32>
    %add3A_80 = arith.addi %add3A_77, %squeeze3A_79 : i32
    %slice3A_81 = vector.extract_strided_slice %get3A_1 {offsets = [27, 0], sizes = [1, 1], strides = [1, 1]} : vector<32x16xi32> to vector<1x1xi32>
    %squeeze3A_82 = vector.extract %slice3A_81[0, 0] : i32 from vector<1x1xi32>
    %add3A_83 = arith.addi %add3A_80, %squeeze3A_82 : i32
    %slice3A_84 = vector.extract_strided_slice %get3A_1 {offsets = [28, 0], sizes = [1, 1], strides = [1, 1]} : vector<32x16xi32> to vector<1x1xi32>
    %squeeze3A_85 = vector.extract %slice3A_84[0, 0] : i32 from vector<1x1xi32>
    %add3A_86 = arith.addi %add3A_83, %squeeze3A_85 : i32
    %slice3A_87 = vector.extract_strided_slice %get3A_1 {offsets = [29, 0], sizes = [1, 1], strides = [1, 1]} : vector<32x16xi32> to vector<1x1xi32>
    %squeeze3A_88 = vector.extract %slice3A_87[0, 0] : i32 from vector<1x1xi32>
    %add3A_89 = arith.addi %add3A_86, %squeeze3A_88 : i32
    %slice3A_90 = vector.extract_strided_slice %get3A_1 {offsets = [30, 0], sizes = [1, 1], strides = [1, 1]} : vector<32x16xi32> to vector<1x1xi32>
    %squeeze3A_91 = vector.extract %slice3A_90[0, 0] : i32 from vector<1x1xi32>
    %add3A_92 = arith.addi %add3A_89, %squeeze3A_91 : i32
    %slice3A_93 = vector.extract_strided_slice %get3A_1 {offsets = [31, 0], sizes = [1, 1], strides = [1, 1]} : vector<32x16xi32> to vector<1x1xi32>
    %squeeze3A_94 = vector.extract %slice3A_93[0, 0] : i32 from vector<1x1xi32>
    %add3A_95 = arith.addi %add3A_92, %squeeze3A_94 : i32
    %iota3A = tpu.iota {dimensions = array<i32: 0>} : vector<512x128xi32>
    %iota3A_96 = tpu.iota {dimensions = array<i32: 1>} : vector<512x128xi32>
    %jit3A = arith.constant 16 : i32
    %div3A = vector.broadcast %jit3A : i32 to vector<512x128xi32>
    %div3A_97 = arith.divsi %iota3A, %div3A : vector<512x128xi32>
    %sign3A = arith.constant 0 : i32
    %sign3A_98 = vector.broadcast %sign3A : i32 to vector<512x128xi32>
    %sign3A_99 = arith.cmpi sgt, %iota3A, %sign3A_98 : vector<512x128xi32>
    %sign3A_100 = arith.extui %sign3A_99 : vector<512x128xi1> to vector<512x128xi32>
    %sign3A_101 = arith.constant 0 : i32
    %sign3A_102 = vector.broadcast %sign3A_101 : i32 to vector<512x128xi32>
    %sign3A_103 = arith.cmpi slt, %iota3A, %sign3A_102 : vector<512x128xi32>
    %sign3A_104 = arith.extui %sign3A_103 : vector<512x128xi1> to vector<512x128xi32>
    %sign3A_105 = arith.subi %sign3A_100, %sign3A_104 : vector<512x128xi32>
    %sign3A_106 = arith.constant 0 : i32
    %sign3A_107 = arith.cmpi sgt, %jit3A, %sign3A_106 : i32
    %sign3A_108 = arith.extui %sign3A_107 : i1 to i32
    %sign3A_109 = arith.constant 0 : i32
    %sign3A_110 = arith.cmpi slt, %jit3A, %sign3A_109 : i32
    %sign3A_111 = arith.extui %sign3A_110 : i1 to i32
    %sign3A_112 = arith.subi %sign3A_108, %sign3A_111 : i32
    %ne3A = vector.broadcast %sign3A_112 : i32 to vector<512x128xi32>
    %ne3A_113 = arith.cmpi ne, %sign3A_105, %ne3A : vector<512x128xi32>
    %rem3A = vector.broadcast %jit3A : i32 to vector<512x128xi32>
    %rem3A_114 = arith.remsi %iota3A, %rem3A : vector<512x128xi32>
    %ne3A_115 = arith.constant 0 : i32
    %ne3A_116 = vector.broadcast %ne3A_115 : i32 to vector<512x128xi32>
    %ne3A_117 = arith.cmpi ne, %rem3A_114, %ne3A_116 : vector<512x128xi32>
    %and3A = arith.andi %ne3A_113, %ne3A_117 : vector<512x128xi1>
    %sub3A = arith.constant 1 : i32
    %sub3A_118 = vector.broadcast %sub3A : i32 to vector<512x128xi32>
    %sub3A_119 = arith.subi %div3A_97, %sub3A_118 : vector<512x128xi32>
    %select_n3A = arith.select %and3A, %sub3A_119, %div3A_97 : vector<512x128xi1>, vector<512x128xi32>
    %mul3A = arith.constant 1280 : i32
    %mul3A_120 = vector.broadcast %mul3A : i32 to vector<512x128xi32>
    %mul3A_121 = arith.muli %select_n3A, %mul3A_120 : vector<512x128xi32>
    %jit3A_122 = arith.constant 16 : i32
    %eq3A = arith.constant 0 : i32
    %eq3A_123 = arith.cmpi eq, %jit3A_122, %eq3A : i32
    %jit3A_124 = arith.constant 1 : i32
    %select_n3A_125 = arith.select %eq3A_123, %jit3A_124, %jit3A_122 : i32
    %rem3A_126 = vector.broadcast %select_n3A_125 : i32 to vector<512x128xi32>
    %rem3A_127 = arith.remsi %iota3A, %rem3A_126 : vector<512x128xi32>
    %ne3A_128 = arith.constant 0 : i32
    %ne3A_129 = vector.broadcast %ne3A_128 : i32 to vector<512x128xi32>
    %ne3A_130 = arith.cmpi ne, %rem3A_127, %ne3A_129 : vector<512x128xi32>
    %lt3A = arith.constant 0 : i32
    %lt3A_131 = vector.broadcast %lt3A : i32 to vector<512x128xi32>
    %lt3A_132 = arith.cmpi slt, %rem3A_127, %lt3A_131 : vector<512x128xi32>
    %lt3A_133 = arith.constant 0 : i32
    %lt3A_134 = arith.cmpi slt, %select_n3A_125, %lt3A_133 : i32
    %ne3A_135 = vector.broadcast %lt3A_134 : i1 to vector<512x128xi1>
    %ne3A_136 = vector.broadcast %ne3A_135 : vector<512x128xi1> to vector<512x128xi1>
    %ne3A_137 = arith.xori %lt3A_132, %ne3A_136 : vector<512x128xi1>
    %and3A_138 = arith.andi %ne3A_137, %ne3A_130 : vector<512x128xi1>
    %add3A_139 = vector.broadcast %select_n3A_125 : i32 to vector<512x128xi32>
    %add3A_140 = arith.addi %rem3A_127, %add3A_139 : vector<512x128xi32>
    %select_n3A_141 = arith.select %and3A_138, %add3A_140, %rem3A_127 : vector<512x128xi1>, vector<512x128xi32>
    %mul3A_142 = arith.constant 128 : i32
    %mul3A_143 = vector.broadcast %mul3A_142 : i32 to vector<512x128xi32>
    %mul3A_144 = arith.muli %select_n3A_141, %mul3A_143 : vector<512x128xi32>
    %add3A_145 = arith.addi %mul3A_121, %mul3A_144 : vector<512x128xi32>
    %add3A_146 = arith.addi %add3A_145, %iota3A_96 : vector<512x128xi32>
    %ge3A = vector.broadcast %add3A_2 : i32 to vector<512x128xi32>
    %ge3A_147 = arith.cmpi sge, %add3A_146, %ge3A : vector<512x128xi32>
    %convert_element_type3A = arith.extui %ge3A_147 : vector<512x128xi1> to vector<512x128xi32>
    %slice3A_148 = vector.extract_strided_slice %get3A_1 {offsets = [0, 0], sizes = [1, 1], strides = [1, 1]} : vector<32x16xi32> to vector<1x1xi32>
    %squeeze3A_149 = vector.extract %slice3A_148[0, 0] : i32 from vector<1x1xi32>
    %sub3A_150 = arith.constant 1344 : i32
    %sub3A_151 = arith.subi %sub3A_150, %squeeze3A_149 : i32
    %mul3A_152 = vector.broadcast %sub3A_151 : i32 to vector<512x128xi32>
    %mul3A_153 = arith.muli %convert_element_type3A, %mul3A_152 : vector<512x128xi32>
    %add3A_154 = arith.addi %add3A_146, %mul3A_153 : vector<512x128xi32>
    %ge3A_155 = vector.broadcast %add3A_5 : i32 to vector<512x128xi32>
    %ge3A_156 = arith.cmpi sge, %add3A_146, %ge3A_155 : vector<512x128xi32>
    %convert_element_type3A_157 = arith.extui %ge3A_156 : vector<512x128xi1> to vector<512x128xi32>
    %slice3A_158 = vector.extract_strided_slice %get3A_1 {offsets = [1, 0], sizes = [1, 1], strides = [1, 1]} : vector<32x16xi32> to vector<1x1xi32>
    %squeeze3A_159 = vector.extract %slice3A_158[0, 0] : i32 from vector<1x1xi32>
    %sub3A_160 = arith.constant 1344 : i32
    %sub3A_161 = arith.subi %sub3A_160, %squeeze3A_159 : i32
    %mul3A_162 = vector.broadcast %sub3A_161 : i32 to vector<512x128xi32>
    %mul3A_163 = arith.muli %convert_element_type3A_157, %mul3A_162 : vector<512x128xi32>
    %add3A_164 = arith.addi %add3A_154, %mul3A_163 : vector<512x128xi32>
    %ge3A_165 = vector.broadcast %add3A_8 : i32 to vector<512x128xi32>
    %ge3A_166 = arith.cmpi sge, %add3A_146, %ge3A_165 : vector<512x128xi32>
    %convert_element_type3A_167 = arith.extui %ge3A_166 : vector<512x128xi1> to vector<512x128xi32>
    %slice3A_168 = vector.extract_strided_slice %get3A_1 {offsets = [2, 0], sizes = [1, 1], strides = [1, 1]} : vector<32x16xi32> to vector<1x1xi32>
    %squeeze3A_169 = vector.extract %slice3A_168[0, 0] : i32 from vector<1x1xi32>
    %sub3A_170 = arith.constant 1344 : i32
    %sub3A_171 = arith.subi %sub3A_170, %squeeze3A_169 : i32
    %mul3A_172 = vector.broadcast %sub3A_171 : i32 to vector<512x128xi32>
    %mul3A_173 = arith.muli %convert_element_type3A_167, %mul3A_172 : vector<512x128xi32>
    %add3A_174 = arith.addi %add3A_164, %mul3A_173 : vector<512x128xi32>
    %ge3A_175 = vector.broadcast %add3A_11 : i32 to vector<512x128xi32>
    %ge3A_176 = arith.cmpi sge, %add3A_146, %ge3A_175 : vector<512x128xi32>
    %convert_element_type3A_177 = arith.extui %ge3A_176 : vector<512x128xi1> to vector<512x128xi32>
    %slice3A_178 = vector.extract_strided_slice %get3A_1 {offsets = [3, 0], sizes = [1, 1], strides = [1, 1]} : vector<32x16xi32> to vector<1x1xi32>
    %squeeze3A_179 = vector.extract %slice3A_178[0, 0] : i32 from vector<1x1xi32>
    %sub3A_180 = arith.constant 1344 : i32
    %sub3A_181 = arith.subi %sub3A_180, %squeeze3A_179 : i32
    %mul3A_182 = vector.broadcast %sub3A_181 : i32 to vector<512x128xi32>
    %mul3A_183 = arith.muli %convert_element_type3A_177, %mul3A_182 : vector<512x128xi32>
    %add3A_184 = arith.addi %add3A_174, %mul3A_183 : vector<512x128xi32>
    %ge3A_185 = vector.broadcast %add3A_14 : i32 to vector<512x128xi32>
    %ge3A_186 = arith.cmpi sge, %add3A_146, %ge3A_185 : vector<512x128xi32>
    %convert_element_type3A_187 = arith.extui %ge3A_186 : vector<512x128xi1> to vector<512x128xi32>
    %slice3A_188 = vector.extract_strided_slice %get3A_1 {offsets = [4, 0], sizes = [1, 1], strides = [1, 1]} : vector<32x16xi32> to vector<1x1xi32>
    %squeeze3A_189 = vector.extract %slice3A_188[0, 0] : i32 from vector<1x1xi32>
    %sub3A_190 = arith.constant 1344 : i32
    %sub3A_191 = arith.subi %sub3A_190, %squeeze3A_189 : i32
    %mul3A_192 = vector.broadcast %sub3A_191 : i32 to vector<512x128xi32>
    %mul3A_193 = arith.muli %convert_element_type3A_187, %mul3A_192 : vector<512x128xi32>
    %add3A_194 = arith.addi %add3A_184, %mul3A_193 : vector<512x128xi32>
    %ge3A_195 = vector.broadcast %add3A_17 : i32 to vector<512x128xi32>
    %ge3A_196 = arith.cmpi sge, %add3A_146, %ge3A_195 : vector<512x128xi32>
    %convert_element_type3A_197 = arith.extui %ge3A_196 : vector<512x128xi1> to vector<512x128xi32>
    %slice3A_198 = vector.extract_strided_slice %get3A_1 {offsets = [5, 0], sizes = [1, 1], strides = [1, 1]} : vector<32x16xi32> to vector<1x1xi32>
    %squeeze3A_199 = vector.extract %slice3A_198[0, 0] : i32 from vector<1x1xi32>
    %sub3A_200 = arith.constant 1344 : i32
    %sub3A_201 = arith.subi %sub3A_200, %squeeze3A_199 : i32
    %mul3A_202 = vector.broadcast %sub3A_201 : i32 to vector<512x128xi32>
    %mul3A_203 = arith.muli %convert_element_type3A_197, %mul3A_202 : vector<512x128xi32>
    %add3A_204 = arith.addi %add3A_194, %mul3A_203 : vector<512x128xi32>
    %ge3A_205 = vector.broadcast %add3A_20 : i32 to vector<512x128xi32>
    %ge3A_206 = arith.cmpi sge, %add3A_146, %ge3A_205 : vector<512x128xi32>
    %convert_element_type3A_207 = arith.extui %ge3A_206 : vector<512x128xi1> to vector<512x128xi32>
    %slice3A_208 = vector.extract_strided_slice %get3A_1 {offsets = [6, 0], sizes = [1, 1], strides = [1, 1]} : vector<32x16xi32> to vector<1x1xi32>
    %squeeze3A_209 = vector.extract %slice3A_208[0, 0] : i32 from vector<1x1xi32>
    %sub3A_210 = arith.constant 1344 : i32
    %sub3A_211 = arith.subi %sub3A_210, %squeeze3A_209 : i32
    %mul3A_212 = vector.broadcast %sub3A_211 : i32 to vector<512x128xi32>
    %mul3A_213 = arith.muli %convert_element_type3A_207, %mul3A_212 : vector<512x128xi32>
    %add3A_214 = arith.addi %add3A_204, %mul3A_213 : vector<512x128xi32>
    %ge3A_215 = vector.broadcast %add3A_23 : i32 to vector<512x128xi32>
    %ge3A_216 = arith.cmpi sge, %add3A_146, %ge3A_215 : vector<512x128xi32>
    %convert_element_type3A_217 = arith.extui %ge3A_216 : vector<512x128xi1> to vector<512x128xi32>
    %slice3A_218 = vector.extract_strided_slice %get3A_1 {offsets = [7, 0], sizes = [1, 1], strides = [1, 1]} : vector<32x16xi32> to vector<1x1xi32>
    %squeeze3A_219 = vector.extract %slice3A_218[0, 0] : i32 from vector<1x1xi32>
    %sub3A_220 = arith.constant 1344 : i32
    %sub3A_221 = arith.subi %sub3A_220, %squeeze3A_219 : i32
    %mul3A_222 = vector.broadcast %sub3A_221 : i32 to vector<512x128xi32>
    %mul3A_223 = arith.muli %convert_element_type3A_217, %mul3A_222 : vector<512x128xi32>
    %add3A_224 = arith.addi %add3A_214, %mul3A_223 : vector<512x128xi32>
    %ge3A_225 = vector.broadcast %add3A_26 : i32 to vector<512x128xi32>
    %ge3A_226 = arith.cmpi sge, %add3A_146, %ge3A_225 : vector<512x128xi32>
    %convert_element_type3A_227 = arith.extui %ge3A_226 : vector<512x128xi1> to vector<512x128xi32>
    %slice3A_228 = vector.extract_strided_slice %get3A_1 {offsets = [8, 0], sizes = [1, 1], strides = [1, 1]} : vector<32x16xi32> to vector<1x1xi32>
    %squeeze3A_229 = vector.extract %slice3A_228[0, 0] : i32 from vector<1x1xi32>
    %sub3A_230 = arith.constant 1344 : i32
    %sub3A_231 = arith.subi %sub3A_230, %squeeze3A_229 : i32
    %mul3A_232 = vector.broadcast %sub3A_231 : i32 to vector<512x128xi32>
    %mul3A_233 = arith.muli %convert_element_type3A_227, %mul3A_232 : vector<512x128xi32>
    %add3A_234 = arith.addi %add3A_224, %mul3A_233 : vector<512x128xi32>
    %ge3A_235 = vector.broadcast %add3A_29 : i32 to vector<512x128xi32>
    %ge3A_236 = arith.cmpi sge, %add3A_146, %ge3A_235 : vector<512x128xi32>
    %convert_element_type3A_237 = arith.extui %ge3A_236 : vector<512x128xi1> to vector<512x128xi32>
    %slice3A_238 = vector.extract_strided_slice %get3A_1 {offsets = [9, 0], sizes = [1, 1], strides = [1, 1]} : vector<32x16xi32> to vector<1x1xi32>
    %squeeze3A_239 = vector.extract %slice3A_238[0, 0] : i32 from vector<1x1xi32>
    %sub3A_240 = arith.constant 1344 : i32
    %sub3A_241 = arith.subi %sub3A_240, %squeeze3A_239 : i32
    %mul3A_242 = vector.broadcast %sub3A_241 : i32 to vector<512x128xi32>
    %mul3A_243 = arith.muli %convert_element_type3A_237, %mul3A_242 : vector<512x128xi32>
    %add3A_244 = arith.addi %add3A_234, %mul3A_243 : vector<512x128xi32>
    %ge3A_245 = vector.broadcast %add3A_32 : i32 to vector<512x128xi32>
    %ge3A_246 = arith.cmpi sge, %add3A_146, %ge3A_245 : vector<512x128xi32>
    %convert_element_type3A_247 = arith.extui %ge3A_246 : vector<512x128xi1> to vector<512x128xi32>
    %slice3A_248 = vector.extract_strided_slice %get3A_1 {offsets = [10, 0], sizes = [1, 1], strides = [1, 1]} : vector<32x16xi32> to vector<1x1xi32>
    %squeeze3A_249 = vector.extract %slice3A_248[0, 0] : i32 from vector<1x1xi32>
    %sub3A_250 = arith.constant 1344 : i32
    %sub3A_251 = arith.subi %sub3A_250, %squeeze3A_249 : i32
    %mul3A_252 = vector.broadcast %sub3A_251 : i32 to vector<512x128xi32>
    %mul3A_253 = arith.muli %convert_element_type3A_247, %mul3A_252 : vector<512x128xi32>
    %add3A_254 = arith.addi %add3A_244, %mul3A_253 : vector<512x128xi32>
    %ge3A_255 = vector.broadcast %add3A_35 : i32 to vector<512x128xi32>
    %ge3A_256 = arith.cmpi sge, %add3A_146, %ge3A_255 : vector<512x128xi32>
    %convert_element_type3A_257 = arith.extui %ge3A_256 : vector<512x128xi1> to vector<512x128xi32>
    %slice3A_258 = vector.extract_strided_slice %get3A_1 {offsets = [11, 0], sizes = [1, 1], strides = [1, 1]} : vector<32x16xi32> to vector<1x1xi32>
    %squeeze3A_259 = vector.extract %slice3A_258[0, 0] : i32 from vector<1x1xi32>
    %sub3A_260 = arith.constant 1344 : i32
    %sub3A_261 = arith.subi %sub3A_260, %squeeze3A_259 : i32
    %mul3A_262 = vector.broadcast %sub3A_261 : i32 to vector<512x128xi32>
    %mul3A_263 = arith.muli %convert_element_type3A_257, %mul3A_262 : vector<512x128xi32>
    %add3A_264 = arith.addi %add3A_254, %mul3A_263 : vector<512x128xi32>
    %ge3A_265 = vector.broadcast %add3A_38 : i32 to vector<512x128xi32>
    %ge3A_266 = arith.cmpi sge, %add3A_146, %ge3A_265 : vector<512x128xi32>
    %convert_element_type3A_267 = arith.extui %ge3A_266 : vector<512x128xi1> to vector<512x128xi32>
    %slice3A_268 = vector.extract_strided_slice %get3A_1 {offsets = [12, 0], sizes = [1, 1], strides = [1, 1]} : vector<32x16xi32> to vector<1x1xi32>
    %squeeze3A_269 = vector.extract %slice3A_268[0, 0] : i32 from vector<1x1xi32>
    %sub3A_270 = arith.constant 1344 : i32
    %sub3A_271 = arith.subi %sub3A_270, %squeeze3A_269 : i32
    %mul3A_272 = vector.broadcast %sub3A_271 : i32 to vector<512x128xi32>
    %mul3A_273 = arith.muli %convert_element_type3A_267, %mul3A_272 : vector<512x128xi32>
    %add3A_274 = arith.addi %add3A_264, %mul3A_273 : vector<512x128xi32>
    %ge3A_275 = vector.broadcast %add3A_41 : i32 to vector<512x128xi32>
    %ge3A_276 = arith.cmpi sge, %add3A_146, %ge3A_275 : vector<512x128xi32>
    %convert_element_type3A_277 = arith.extui %ge3A_276 : vector<512x128xi1> to vector<512x128xi32>
    %slice3A_278 = vector.extract_strided_slice %get3A_1 {offsets = [13, 0], sizes = [1, 1], strides = [1, 1]} : vector<32x16xi32> to vector<1x1xi32>
    %squeeze3A_279 = vector.extract %slice3A_278[0, 0] : i32 from vector<1x1xi32>
    %sub3A_280 = arith.constant 1344 : i32
    %sub3A_281 = arith.subi %sub3A_280, %squeeze3A_279 : i32
    %mul3A_282 = vector.broadcast %sub3A_281 : i32 to vector<512x128xi32>
    %mul3A_283 = arith.muli %convert_element_type3A_277, %mul3A_282 : vector<512x128xi32>
    %add3A_284 = arith.addi %add3A_274, %mul3A_283 : vector<512x128xi32>
    %ge3A_285 = vector.broadcast %add3A_44 : i32 to vector<512x128xi32>
    %ge3A_286 = arith.cmpi sge, %add3A_146, %ge3A_285 : vector<512x128xi32>
    %convert_element_type3A_287 = arith.extui %ge3A_286 : vector<512x128xi1> to vector<512x128xi32>
    %slice3A_288 = vector.extract_strided_slice %get3A_1 {offsets = [14, 0], sizes = [1, 1], strides = [1, 1]} : vector<32x16xi32> to vector<1x1xi32>
    %squeeze3A_289 = vector.extract %slice3A_288[0, 0] : i32 from vector<1x1xi32>
    %sub3A_290 = arith.constant 1344 : i32
    %sub3A_291 = arith.subi %sub3A_290, %squeeze3A_289 : i32
    %mul3A_292 = vector.broadcast %sub3A_291 : i32 to vector<512x128xi32>
    %mul3A_293 = arith.muli %convert_element_type3A_287, %mul3A_292 : vector<512x128xi32>
    %add3A_294 = arith.addi %add3A_284, %mul3A_293 : vector<512x128xi32>
    %ge3A_295 = vector.broadcast %add3A_47 : i32 to vector<512x128xi32>
    %ge3A_296 = arith.cmpi sge, %add3A_146, %ge3A_295 : vector<512x128xi32>
    %convert_element_type3A_297 = arith.extui %ge3A_296 : vector<512x128xi1> to vector<512x128xi32>
    %slice3A_298 = vector.extract_strided_slice %get3A_1 {offsets = [15, 0], sizes = [1, 1], strides = [1, 1]} : vector<32x16xi32> to vector<1x1xi32>
    %squeeze3A_299 = vector.extract %slice3A_298[0, 0] : i32 from vector<1x1xi32>
    %sub3A_300 = arith.constant 1344 : i32
    %sub3A_301 = arith.subi %sub3A_300, %squeeze3A_299 : i32
    %mul3A_302 = vector.broadcast %sub3A_301 : i32 to vector<512x128xi32>
    %mul3A_303 = arith.muli %convert_element_type3A_297, %mul3A_302 : vector<512x128xi32>
    %add3A_304 = arith.addi %add3A_294, %mul3A_303 : vector<512x128xi32>
    %ge3A_305 = vector.broadcast %add3A_50 : i32 to vector<512x128xi32>
    %ge3A_306 = arith.cmpi sge, %add3A_146, %ge3A_305 : vector<512x128xi32>
    %convert_element_type3A_307 = arith.extui %ge3A_306 : vector<512x128xi1> to vector<512x128xi32>
    %slice3A_308 = vector.extract_strided_slice %get3A_1 {offsets = [16, 0], sizes = [1, 1], strides = [1, 1]} : vector<32x16xi32> to vector<1x1xi32>
    %squeeze3A_309 = vector.extract %slice3A_308[0, 0] : i32 from vector<1x1xi32>
    %sub3A_310 = arith.constant 1344 : i32
    %sub3A_311 = arith.subi %sub3A_310, %squeeze3A_309 : i32
    %mul3A_312 = vector.broadcast %sub3A_311 : i32 to vector<512x128xi32>
    %mul3A_313 = arith.muli %convert_element_type3A_307, %mul3A_312 : vector<512x128xi32>
    %add3A_314 = arith.addi %add3A_304, %mul3A_313 : vector<512x128xi32>
    %ge3A_315 = vector.broadcast %add3A_53 : i32 to vector<512x128xi32>
    %ge3A_316 = arith.cmpi sge, %add3A_146, %ge3A_315 : vector<512x128xi32>
    %convert_element_type3A_317 = arith.extui %ge3A_316 : vector<512x128xi1> to vector<512x128xi32>
    %slice3A_318 = vector.extract_strided_slice %get3A_1 {offsets = [17, 0], sizes = [1, 1], strides = [1, 1]} : vector<32x16xi32> to vector<1x1xi32>
    %squeeze3A_319 = vector.extract %slice3A_318[0, 0] : i32 from vector<1x1xi32>
    %sub3A_320 = arith.constant 1344 : i32
    %sub3A_321 = arith.subi %sub3A_320, %squeeze3A_319 : i32
    %mul3A_322 = vector.broadcast %sub3A_321 : i32 to vector<512x128xi32>
    %mul3A_323 = arith.muli %convert_element_type3A_317, %mul3A_322 : vector<512x128xi32>
    %add3A_324 = arith.addi %add3A_314, %mul3A_323 : vector<512x128xi32>
    %ge3A_325 = vector.broadcast %add3A_56 : i32 to vector<512x128xi32>
    %ge3A_326 = arith.cmpi sge, %add3A_146, %ge3A_325 : vector<512x128xi32>
    %convert_element_type3A_327 = arith.extui %ge3A_326 : vector<512x128xi1> to vector<512x128xi32>
    %slice3A_328 = vector.extract_strided_slice %get3A_1 {offsets = [18, 0], sizes = [1, 1], strides = [1, 1]} : vector<32x16xi32> to vector<1x1xi32>
    %squeeze3A_329 = vector.extract %slice3A_328[0, 0] : i32 from vector<1x1xi32>
    %sub3A_330 = arith.constant 1344 : i32
    %sub3A_331 = arith.subi %sub3A_330, %squeeze3A_329 : i32
    %mul3A_332 = vector.broadcast %sub3A_331 : i32 to vector<512x128xi32>
    %mul3A_333 = arith.muli %convert_element_type3A_327, %mul3A_332 : vector<512x128xi32>
    %add3A_334 = arith.addi %add3A_324, %mul3A_333 : vector<512x128xi32>
    %ge3A_335 = vector.broadcast %add3A_59 : i32 to vector<512x128xi32>
    %ge3A_336 = arith.cmpi sge, %add3A_146, %ge3A_335 : vector<512x128xi32>
    %convert_element_type3A_337 = arith.extui %ge3A_336 : vector<512x128xi1> to vector<512x128xi32>
    %slice3A_338 = vector.extract_strided_slice %get3A_1 {offsets = [19, 0], sizes = [1, 1], strides = [1, 1]} : vector<32x16xi32> to vector<1x1xi32>
    %squeeze3A_339 = vector.extract %slice3A_338[0, 0] : i32 from vector<1x1xi32>
    %sub3A_340 = arith.constant 1344 : i32
    %sub3A_341 = arith.subi %sub3A_340, %squeeze3A_339 : i32
    %mul3A_342 = vector.broadcast %sub3A_341 : i32 to vector<512x128xi32>
    %mul3A_343 = arith.muli %convert_element_type3A_337, %mul3A_342 : vector<512x128xi32>
    %add3A_344 = arith.addi %add3A_334, %mul3A_343 : vector<512x128xi32>
    %ge3A_345 = vector.broadcast %add3A_62 : i32 to vector<512x128xi32>
    %ge3A_346 = arith.cmpi sge, %add3A_146, %ge3A_345 : vector<512x128xi32>
    %convert_element_type3A_347 = arith.extui %ge3A_346 : vector<512x128xi1> to vector<512x128xi32>
    %slice3A_348 = vector.extract_strided_slice %get3A_1 {offsets = [20, 0], sizes = [1, 1], strides = [1, 1]} : vector<32x16xi32> to vector<1x1xi32>
    %squeeze3A_349 = vector.extract %slice3A_348[0, 0] : i32 from vector<1x1xi32>
    %sub3A_350 = arith.constant 1344 : i32
    %sub3A_351 = arith.subi %sub3A_350, %squeeze3A_349 : i32
    %mul3A_352 = vector.broadcast %sub3A_351 : i32 to vector<512x128xi32>
    %mul3A_353 = arith.muli %convert_element_type3A_347, %mul3A_352 : vector<512x128xi32>
    %add3A_354 = arith.addi %add3A_344, %mul3A_353 : vector<512x128xi32>
    %ge3A_355 = vector.broadcast %add3A_65 : i32 to vector<512x128xi32>
    %ge3A_356 = arith.cmpi sge, %add3A_146, %ge3A_355 : vector<512x128xi32>
    %convert_element_type3A_357 = arith.extui %ge3A_356 : vector<512x128xi1> to vector<512x128xi32>
    %slice3A_358 = vector.extract_strided_slice %get3A_1 {offsets = [21, 0], sizes = [1, 1], strides = [1, 1]} : vector<32x16xi32> to vector<1x1xi32>
    %squeeze3A_359 = vector.extract %slice3A_358[0, 0] : i32 from vector<1x1xi32>
    %sub3A_360 = arith.constant 1344 : i32
    %sub3A_361 = arith.subi %sub3A_360, %squeeze3A_359 : i32
    %mul3A_362 = vector.broadcast %sub3A_361 : i32 to vector<512x128xi32>
    %mul3A_363 = arith.muli %convert_element_type3A_357, %mul3A_362 : vector<512x128xi32>
    %add3A_364 = arith.addi %add3A_354, %mul3A_363 : vector<512x128xi32>
    %ge3A_365 = vector.broadcast %add3A_68 : i32 to vector<512x128xi32>
    %ge3A_366 = arith.cmpi sge, %add3A_146, %ge3A_365 : vector<512x128xi32>
    %convert_element_type3A_367 = arith.extui %ge3A_366 : vector<512x128xi1> to vector<512x128xi32>
    %slice3A_368 = vector.extract_strided_slice %get3A_1 {offsets = [22, 0], sizes = [1, 1], strides = [1, 1]} : vector<32x16xi32> to vector<1x1xi32>
    %squeeze3A_369 = vector.extract %slice3A_368[0, 0] : i32 from vector<1x1xi32>
    %sub3A_370 = arith.constant 1344 : i32
    %sub3A_371 = arith.subi %sub3A_370, %squeeze3A_369 : i32
    %mul3A_372 = vector.broadcast %sub3A_371 : i32 to vector<512x128xi32>
    %mul3A_373 = arith.muli %convert_element_type3A_367, %mul3A_372 : vector<512x128xi32>
    %add3A_374 = arith.addi %add3A_364, %mul3A_373 : vector<512x128xi32>
    %ge3A_375 = vector.broadcast %add3A_71 : i32 to vector<512x128xi32>
    %ge3A_376 = arith.cmpi sge, %add3A_146, %ge3A_375 : vector<512x128xi32>
    %convert_element_type3A_377 = arith.extui %ge3A_376 : vector<512x128xi1> to vector<512x128xi32>
    %slice3A_378 = vector.extract_strided_slice %get3A_1 {offsets = [23, 0], sizes = [1, 1], strides = [1, 1]} : vector<32x16xi32> to vector<1x1xi32>
    %squeeze3A_379 = vector.extract %slice3A_378[0, 0] : i32 from vector<1x1xi32>
    %sub3A_380 = arith.constant 1344 : i32
    %sub3A_381 = arith.subi %sub3A_380, %squeeze3A_379 : i32
    %mul3A_382 = vector.broadcast %sub3A_381 : i32 to vector<512x128xi32>
    %mul3A_383 = arith.muli %convert_element_type3A_377, %mul3A_382 : vector<512x128xi32>
    %add3A_384 = arith.addi %add3A_374, %mul3A_383 : vector<512x128xi32>
    %ge3A_385 = vector.broadcast %add3A_74 : i32 to vector<512x128xi32>
    %ge3A_386 = arith.cmpi sge, %add3A_146, %ge3A_385 : vector<512x128xi32>
    %convert_element_type3A_387 = arith.extui %ge3A_386 : vector<512x128xi1> to vector<512x128xi32>
    %slice3A_388 = vector.extract_strided_slice %get3A_1 {offsets = [24, 0], sizes = [1, 1], strides = [1, 1]} : vector<32x16xi32> to vector<1x1xi32>
    %squeeze3A_389 = vector.extract %slice3A_388[0, 0] : i32 from vector<1x1xi32>
    %sub3A_390 = arith.constant 1344 : i32
    %sub3A_391 = arith.subi %sub3A_390, %squeeze3A_389 : i32
    %mul3A_392 = vector.broadcast %sub3A_391 : i32 to vector<512x128xi32>
    %mul3A_393 = arith.muli %convert_element_type3A_387, %mul3A_392 : vector<512x128xi32>
    %add3A_394 = arith.addi %add3A_384, %mul3A_393 : vector<512x128xi32>
    %ge3A_395 = vector.broadcast %add3A_77 : i32 to vector<512x128xi32>
    %ge3A_396 = arith.cmpi sge, %add3A_146, %ge3A_395 : vector<512x128xi32>
    %convert_element_type3A_397 = arith.extui %ge3A_396 : vector<512x128xi1> to vector<512x128xi32>
    %slice3A_398 = vector.extract_strided_slice %get3A_1 {offsets = [25, 0], sizes = [1, 1], strides = [1, 1]} : vector<32x16xi32> to vector<1x1xi32>
    %squeeze3A_399 = vector.extract %slice3A_398[0, 0] : i32 from vector<1x1xi32>
    %sub3A_400 = arith.constant 1344 : i32
    %sub3A_401 = arith.subi %sub3A_400, %squeeze3A_399 : i32
    %mul3A_402 = vector.broadcast %sub3A_401 : i32 to vector<512x128xi32>
    %mul3A_403 = arith.muli %convert_element_type3A_397, %mul3A_402 : vector<512x128xi32>
    %add3A_404 = arith.addi %add3A_394, %mul3A_403 : vector<512x128xi32>
    %ge3A_405 = vector.broadcast %add3A_80 : i32 to vector<512x128xi32>
    %ge3A_406 = arith.cmpi sge, %add3A_146, %ge3A_405 : vector<512x128xi32>
    %convert_element_type3A_407 = arith.extui %ge3A_406 : vector<512x128xi1> to vector<512x128xi32>
    %slice3A_408 = vector.extract_strided_slice %get3A_1 {offsets = [26, 0], sizes = [1, 1], strides = [1, 1]} : vector<32x16xi32> to vector<1x1xi32>
    %squeeze3A_409 = vector.extract %slice3A_408[0, 0] : i32 from vector<1x1xi32>
    %sub3A_410 = arith.constant 1344 : i32
    %sub3A_411 = arith.subi %sub3A_410, %squeeze3A_409 : i32
    %mul3A_412 = vector.broadcast %sub3A_411 : i32 to vector<512x128xi32>
    %mul3A_413 = arith.muli %convert_element_type3A_407, %mul3A_412 : vector<512x128xi32>
    %add3A_414 = arith.addi %add3A_404, %mul3A_413 : vector<512x128xi32>
    %ge3A_415 = vector.broadcast %add3A_83 : i32 to vector<512x128xi32>
    %ge3A_416 = arith.cmpi sge, %add3A_146, %ge3A_415 : vector<512x128xi32>
    %convert_element_type3A_417 = arith.extui %ge3A_416 : vector<512x128xi1> to vector<512x128xi32>
    %slice3A_418 = vector.extract_strided_slice %get3A_1 {offsets = [27, 0], sizes = [1, 1], strides = [1, 1]} : vector<32x16xi32> to vector<1x1xi32>
    %squeeze3A_419 = vector.extract %slice3A_418[0, 0] : i32 from vector<1x1xi32>
    %sub3A_420 = arith.constant 1344 : i32
    %sub3A_421 = arith.subi %sub3A_420, %squeeze3A_419 : i32
    %mul3A_422 = vector.broadcast %sub3A_421 : i32 to vector<512x128xi32>
    %mul3A_423 = arith.muli %convert_element_type3A_417, %mul3A_422 : vector<512x128xi32>
    %add3A_424 = arith.addi %add3A_414, %mul3A_423 : vector<512x128xi32>
    %ge3A_425 = vector.broadcast %add3A_86 : i32 to vector<512x128xi32>
    %ge3A_426 = arith.cmpi sge, %add3A_146, %ge3A_425 : vector<512x128xi32>
    %convert_element_type3A_427 = arith.extui %ge3A_426 : vector<512x128xi1> to vector<512x128xi32>
    %slice3A_428 = vector.extract_strided_slice %get3A_1 {offsets = [28, 0], sizes = [1, 1], strides = [1, 1]} : vector<32x16xi32> to vector<1x1xi32>
    %squeeze3A_429 = vector.extract %slice3A_428[0, 0] : i32 from vector<1x1xi32>
    %sub3A_430 = arith.constant 1344 : i32
    %sub3A_431 = arith.subi %sub3A_430, %squeeze3A_429 : i32
    %mul3A_432 = vector.broadcast %sub3A_431 : i32 to vector<512x128xi32>
    %mul3A_433 = arith.muli %convert_element_type3A_427, %mul3A_432 : vector<512x128xi32>
    %add3A_434 = arith.addi %add3A_424, %mul3A_433 : vector<512x128xi32>
    %ge3A_435 = vector.broadcast %add3A_89 : i32 to vector<512x128xi32>
    %ge3A_436 = arith.cmpi sge, %add3A_146, %ge3A_435 : vector<512x128xi32>
    %convert_element_type3A_437 = arith.extui %ge3A_436 : vector<512x128xi1> to vector<512x128xi32>
    %slice3A_438 = vector.extract_strided_slice %get3A_1 {offsets = [29, 0], sizes = [1, 1], strides = [1, 1]} : vector<32x16xi32> to vector<1x1xi32>
    %squeeze3A_439 = vector.extract %slice3A_438[0, 0] : i32 from vector<1x1xi32>
    %sub3A_440 = arith.constant 1344 : i32
    %sub3A_441 = arith.subi %sub3A_440, %squeeze3A_439 : i32
    %mul3A_442 = vector.broadcast %sub3A_441 : i32 to vector<512x128xi32>
    %mul3A_443 = arith.muli %convert_element_type3A_437, %mul3A_442 : vector<512x128xi32>
    %add3A_444 = arith.addi %add3A_434, %mul3A_443 : vector<512x128xi32>
    %ge3A_445 = vector.broadcast %add3A_92 : i32 to vector<512x128xi32>
    %ge3A_446 = arith.cmpi sge, %add3A_146, %ge3A_445 : vector<512x128xi32>
    %convert_element_type3A_447 = arith.extui %ge3A_446 : vector<512x128xi1> to vector<512x128xi32>
    %slice3A_448 = vector.extract_strided_slice %get3A_1 {offsets = [30, 0], sizes = [1, 1], strides = [1, 1]} : vector<32x16xi32> to vector<1x1xi32>
    %squeeze3A_449 = vector.extract %slice3A_448[0, 0] : i32 from vector<1x1xi32>
    %sub3A_450 = arith.constant 1344 : i32
    %sub3A_451 = arith.subi %sub3A_450, %squeeze3A_449 : i32
    %mul3A_452 = vector.broadcast %sub3A_451 : i32 to vector<512x128xi32>
    %mul3A_453 = arith.muli %convert_element_type3A_447, %mul3A_452 : vector<512x128xi32>
    %add3A_454 = arith.addi %add3A_444, %mul3A_453 : vector<512x128xi32>
    %mul3A_455 = arith.constant 1344 : i32
    %mul3A_456 = vector.broadcast %mul3A_455 : i32 to vector<512x128xi32>
    %mul3A_457 = arith.muli %select_n3A, %mul3A_456 : vector<512x128xi32>
    %add3A_458 = arith.constant 1296 : i32
    %add3A_459 = vector.broadcast %add3A_458 : i32 to vector<512x128xi32>
    %add3A_460 = arith.addi %mul3A_457, %add3A_459 : vector<512x128xi32>
    %jit3A_461 = arith.constant 32 : i32
    %eq3A_462 = arith.constant 0 : i32
    %eq3A_463 = arith.cmpi eq, %jit3A_461, %eq3A_462 : i32
    %jit3A_464 = arith.constant 1 : i32
    %select_n3A_465 = arith.select %eq3A_463, %jit3A_464, %jit3A_461 : i32
    %rem3A_466 = vector.broadcast %select_n3A_465 : i32 to vector<512x128xi32>
    %rem3A_467 = arith.remsi %iota3A_96, %rem3A_466 : vector<512x128xi32>
    %ne3A_468 = arith.constant 0 : i32
    %ne3A_469 = vector.broadcast %ne3A_468 : i32 to vector<512x128xi32>
    %ne3A_470 = arith.cmpi ne, %rem3A_467, %ne3A_469 : vector<512x128xi32>
    %lt3A_471 = arith.constant 0 : i32
    %lt3A_472 = vector.broadcast %lt3A_471 : i32 to vector<512x128xi32>
    %lt3A_473 = arith.cmpi slt, %rem3A_467, %lt3A_472 : vector<512x128xi32>
    %lt3A_474 = arith.constant 0 : i32
    %lt3A_475 = arith.cmpi slt, %select_n3A_465, %lt3A_474 : i32
    %ne3A_476 = vector.broadcast %lt3A_475 : i1 to vector<512x128xi1>
    %ne3A_477 = vector.broadcast %ne3A_476 : vector<512x128xi1> to vector<512x128xi1>
    %ne3A_478 = arith.xori %lt3A_473, %ne3A_477 : vector<512x128xi1>
    %and3A_479 = arith.andi %ne3A_478, %ne3A_470 : vector<512x128xi1>
    %add3A_480 = vector.broadcast %select_n3A_465 : i32 to vector<512x128xi32>
    %add3A_481 = arith.addi %rem3A_467, %add3A_480 : vector<512x128xi32>
    %select_n3A_482 = arith.select %and3A_479, %add3A_481, %rem3A_467 : vector<512x128xi1>, vector<512x128xi32>
    %add3A_483 = arith.addi %add3A_460, %select_n3A_482 : vector<512x128xi32>
    %ge3A_484 = vector.broadcast %add3A_95 : i32 to vector<512x128xi32>
    %ge3A_485 = arith.cmpi sge, %add3A_146, %ge3A_484 : vector<512x128xi32>
    %select_n3A_486 = arith.select %ge3A_485, %add3A_483, %add3A_454 : vector<512x128xi1>, vector<512x128xi32>
    %swap3A = arith.constant 0 : index
    %swap3A_487 = arith.constant 0 : index
    %swap3A_488 = vector.load %arg1[%swap3A, %swap3A_487] : memref<512x128xi32, #tpu.memory_space<vmem>>, vector<512x128xi32>
    tpu.vector_store %arg1[%swap3A, %swap3A_487], %select_n3A_486 {strides = array<i32>} : memref<512x128xi32, #tpu.memory_space<vmem>>, vector<512x128xi32>,
    return
  }
}

</mosaic_0001>

<sc_bundles>
// kernel: kernel.11.cloned.1.call-start
scs
__scs_entry_jumppad:
0x0: {  	(pc) =	sbr.rel $0x88, $3  }
0x1: {  	(tag) =	ssettag $0x0;
	lr =	simm.s32 $0x1  }
0x2: {  	[smem:$0x3F9D] =	sst lr;
	_ =	strace $0xD0000000  }
0x3: {  	_ = 	snop  }
0x4: {  	_ = 	snop  }
0x5: {  	_ = 	snop  }
0x6: {  	_ = 	snop  }
0x7: {  	_ = 	snop  }
__scs_overlays_trampoline_lowered:
0x8: {  	[smem:$0x3FAC] =	sst s0  }
0x9: {  	[smem:$0x3FAD] =	sst s1  }
0xa: {  	[smem:$0x3FAE] =	sst s2  }
0xb: {  	[smem:$0x3FAF] =	sst s3  }
0xc: {  	[smem:$0x3FB0] =	sst s4  }
0xd: {  	[smem:$0x3FB1] =	sst s5  }
0xe: {  	[smem:$0x3FB2] =	sst s6  }
0xf: {  	[smem:$0x3FB3] =	sst s7  }
0x10: {  	[smem:$0x3FB4] =	sst s8  }
0x11: {  	[smem:$0x3FB5] =	sst s9;
	s0 =	simm.s32 @!p0 $0x0  }
0x12: {  	s1 =	sld [smem:$0x3F9B];
	s0 =	simm.s32 @p0 $0x1  }
0x13: {  	[smem:$0x3FB6] =	sst s0;
	s0 =	simm.s32 @!p1 $0x0  }
0x14: {  	s2 =	sld [smem:$0x3F9A];
	s0 =	simm.s32 @p1 $0x1  }
0x15: {  	[smem:$0x3FB7] =	sst s0;
	s0 =	simm.s32 @!p2 $0x0  }
0x16: {  	s3 =	sld [smem:$0x3FDB];
	s0 =	simm.s32 @p2 $0x1  }
0x17: {  	s4 =	simm.s32 $0x1BF5;
	[smem:$0x3FB9] =	sst s0  }
0x18: {  	s0 =	sld [smem:$0x3F9C];
	_ =	swait.ge [sflag:s4], $0x0  }
0x19: {  	s7 =	sld [smem:$0x3F9D]  }
0x1a: {  	s8 =	sadd.s32 $0xFFFFE003, lr  }
0x1b: {  	s9 =	sadd.s32 $0xFFFFFEF7, lr;
	s5 =	simm.s32 $0xFFFFFFFF;
	p2 =	slt.u32 s8, $0xFFFFF086  }
0x1c: {  	p1 =	slt.u32 s9, $0xF7A;
	s5 =	simm.s32 @!p2 $0x0  }
0x1d: {  	s5 =	simm.s32 @p1 $0x1;
	p0 =	seq.s32 s7, s2  }
0x1e: {  	s7 =	smul.u32 @!p0 $0xF7A, s2;
	p2 =	seq.s32 @!p0 s5, $0x0  }
0x1f: {  	s9 =	smul.u32 $0xF7A, s1;
	s8 =	simm.s32 @!p0 $0x1BF5;
	p2 =	por !p2, p0  }
0x20: {  	[sflag:s8] =	ssyncset.s32 @!p0 $0xFFFFF086;
	s6 =	sadd.s32 @!p0 s3, s7;
	s7 =	simm.s32 @!p0 $0x108  }
0x21: {  	s3 =	sadd.s32 s3, s9;
	s6 =	sadd.s32 @!p0 $0x88, s6;
	s7 =	simm.s32 @p2 $0x1082  }
0x22: {  	[simem:s7], [sflag:s8] =	dma.local @!p0 [hbm:s6], $0xF7A  }
0x23: {  	s9 =	sor.u32 $0xD0000000, s2;
	s6 =	simm.s32 $0x108;
	_ =	swait.ge @!p0 [sflag:s8], $0x0  }
0x24: {  	s3 =	sadd.s32 $0x88, s3;
	s6 =	simm.s32 @!p1 $0x1082;
	[sflag:s4] =	ssyncset.s32 $0xFFFFF086  }
0x25: {  	[simem:s6], [sflag:s4] =	dma.local [hbm:s3], $0xF7A  }
0x26: {  	[smem:$0x3F9D] =	sst s1;
	(tag) =	ssettag s2;
	_ =	strace s9  }
0x27: {  	s1 =	sld [smem:$0x3FAD]  }
0x28: {  	s2 =	sld [smem:$0x3FAE]  }
0x29: {  	s4 =	sld [smem:$0x3FB0]  }
0x2a: {  	p0 =	seq.s32 s5, $0x0;
	s5 =	sld [smem:$0x3FB1]  }
0x2b: {  	s6 =	sld [smem:$0x3FB2]  }
0x2c: {  	s7 =	sld [smem:$0x3FB3]  }
0x2d: {  	s3 =	simm.s32 $0x108;
	s8 =	sld [smem:$0x3FB4]  }
0x2e: {  	s3 =	simm.s32 @!p0 $0x1082;
	s9 =	sld [smem:$0x3FB5]  }
0x2f: {  	lr =	sadd.s32 s0, s3;
	s0 =	sld [smem:$0x3FAC]  }
0x30: {  	s3 =	sld [smem:$0x3FAF]  }
0x31: {  	[smem:$0x3FB8] =	sst s10  }
0x32: {  	s10 =	sld [smem:$0x3FB6];
	_ =	sdelay $0x3  }
0x33: {  	p0 =	seq.s32 s10, $0x1;
	s10 =	sld [smem:$0x3FB8];
	_ =	sdelay $0x3  }
0x34: {  	[smem:$0x3FB8] =	sst s10  }
0x35: {  	s10 =	sld [smem:$0x3FB7];
	_ =	sdelay $0x3  }
0x36: {  	p1 =	seq.s32 s10, $0x1;
	s10 =	sld [smem:$0x3FB8];
	_ =	sdelay $0x3  }
0x37: {  	[smem:$0x3FB8] =	sst s10  }
0x38: {  	s10 =	sld [smem:$0x3FB9]  }
0x39: {  	_ = 	snop;
	(pc) =	sbr.ind lr, $3  }
0x3a: {  	_ = 	snop  }
0x3b: {  	_ = 	snop  }
0x3c: {  	p2 =	seq.s32 s10, $0x1;
	s10 =	sld [smem:$0x3FB8]  }
0x3d: {  	_ =	shalt  }
0x3e: {  	_ =	shalt  }
0x3f: {  	_ =	shalt  }
0x40: {  	_ =	shalt  }
0x41: {  	_ =	shalt  }
0x42: {  	_ =	shalt  }
0x43: {  	_ =	shalt  }
0x44: {  	_ =	shalt  }
0x45: {  	_ =	shalt  }
0x46: {  	_ =	shalt  }
0x47: {  	_ =	shalt  }
0x48: {  	_ =	shalt  }
0x49: {  	_ =	shalt  }
0x4a: {  	_ =	shalt  }
0x4b: {  	_ =	shalt  }
0x4c: {  	_ =	shalt  }
0x4d: {  	_ =	shalt  }
0x4e: {  	_ =	shalt  }
0x4f: {  	_ =	shalt  }
0x50: {  	_ =	shalt  }
0x51: {  	_ =	shalt  }
0x52: {  	_ =	shalt  }
0x53: {  	_ =	shalt  }
0x54: {  	_ =	shalt  }
0x55: {  	_ =	shalt  }
0x56: {  	_ =	shalt  }
0x57: {  	_ =	shalt  }
0x58: {  	_ =	shalt  }
0x59: {  	_ =	shalt  }
0x5a: {  	_ =	shalt  }
0x5b: {  	_ =	shalt  }
0x5c: {  	_ =	shalt  }
0x5d: {  	_ =	shalt  }
0x5e: {  	_ =	shalt  }
0x5f: {  	_ =	shalt  }
0x60: {  	_ =	shalt  }
0x61: {  	_ =	shalt  }
0x62: {  	_ =	shalt  }
0x63: {  	_ =	shalt  }
0x64: {  	_ =	shalt  }
0x65: {  	_ =	shalt  }
0x66: {  	_ =	shalt  }
0x67: {  	_ =	shalt  }
0x68: {  	_ =	shalt  }
0x69: {  	_ =	shalt  }
0x6a: {  	_ =	shalt  }
0x6b: {  	_ =	shalt  }
0x6c: {  	_ =	shalt  }
0x6d: {  	_ =	shalt  }
0x6e: {  	_ =	shalt  }
0x6f: {  	_ =	shalt  }
0x70: {  	_ =	shalt  }
0x71: {  	_ =	shalt  }
0x72: {  	_ =	shalt  }
0x73: {  	_ =	shalt  }
0x74: {  	_ =	shalt  }
0x75: {  	_ =	shalt  }
0x76: {  	_ =	shalt  }
0x77: {  	_ =	shalt  }
0x78: {  	_ =	shalt  }
0x79: {  	_ =	shalt  }
0x7a: {  	_ =	shalt  }
0x7b: {  	_ =	shalt  }
0x7c: {  	_ =	shalt  }
0x7d: {  	_ =	shalt  }
0x7e: {  	_ =	shalt  }
0x7f: {  	_ =	shalt  }
0x80: {  	_ =	shalt  }
0x81: {  	_ =	shalt  }
0x82: {  	_ =	shalt  }
0x83: {  	_ =	shalt  }
0x84: {  	_ =	shalt  }
0x85: {  	_ =	shalt  }
0x86: {  	_ =	shalt  }
0x87: {  	_ =	shalt  }
.Lfunc_end0:
.L_simem_size_0:
called_computation.2_lowered:
.L_overlay_start_0:
0x88: {  	s2 =	sld [smem:$0x3FD9]  }
0x89: {  	s3 =	sld [smem:$0x3FFE];
	_ =	sdelay $0x1  }
0x8a: {  	s1 =	srdreg.scid  }
0x8b: {  	s0 =	sand.u32 $0x1, s1  }
0x8c: {  	s14 =	sshll.u32 s0, $0xA;
	s2 =	sadd.s32 s3, s2  }
0x8d: {  	s2 =	sadd.s32 s2, s14  }
0x8e: {  	[smem:$0x3FC4] =	sst s2  }
0x8f: {  	_ = 	snop  }
0x90: {  	s2 =	sld [smem:$0x3FD0];
	_ =	sdelay $0x2  }
0x91: {  	s15 =	simm.s32 $0xA;
	s4 =	simm.s32 $0x10  }
0x92: {  	[smem:s4], [sflag:s15] =	dma.local [hbm:s2], $0x1  }
0x93: {  	_ =	swait.eq [sflag:s15], $0x1  }
0x94: {  	[sflag:s15] =	ssyncset.done $0x0  }
0x95: {  	[sflag:s15] =	ssyncadd.s32 $0xFFFFFFFF  }
0x96: {  	s16 =	sld [smem:$0x10];
	(tm) =	ssettm $0x1  }
0x97: {  	s17 =	sld [smem:$0x3FFB];
	_ =	sdelay $0x3  }
0x98: {  	_ =	strace s17  }
0x99: {  	s3 =	sld [smem:$0x3FFC];
	_ =	sdelay $0x3  }
0x9a: {  	_ =	strace s3  }
0x9b: {  	s3 =	sld [smem:$0x3FFD];
	_ =	sdelay $0x3  }
0x9c: {  	_ =	strace s3  }
0x9d: {  	_ =	strace $0x8FFFFFFF  }
0x9e: {  	s18 =	sld [smem:$0x3FDB];
	_ =	sdelay $0x1  }
0x9f: {  	s19 =	simm.s32 $_scs_section_size  }
0xa0: {  	s5 =	simm.s32 $_size__tile_overlayer_lowered;
	s6 =	simm.s32 $_tile_overlayer_lowered  }
0xa1: {  	s22 =	simm.s32 $0x1BFF;
	s21 =	sshll.u32 s6, $0x1;
	s3 =	sadd.s32 s19, s18  }
0xa2: {  	s7 =	simm.s32 $0x0;
	s20 =	sshll.u32 s5, $0x1;
	s5 =	sadd.s32 s21, s3  }
0xa3: {  	[timem:s7], [sflag:s22] =	dma.local [hbm:s5], s20  }
0xa4: {  	_ =	swait.ge [sflag:s22], s20  }
0xa5: {  	s4 =	ssub.s32 $0x0, s20;
	[sflag:s22] =	ssyncset.done $0x0  }
0xa6: {  	[sflag:s22] =	ssyncadd.s32 s4;
	_ =	sdelay $0x1  }
0xa7: {  	s23 =	simm.s32 $0x1B8B  }
0xa8: {  	_ =	swait.ge [sflag:s23], $0x1  }
0xa9: {  	[sflag:s23] =	ssyncset.done $0x0  }
0xaa: {  	s25 =	simm.s32 $0x1B8E;
	s24 =	sld [smem:$0x3FFE];
	[sflag:s23] =	ssyncadd.s32 $0xFFFFFFFF  }
0xab: {  	s26 =	simm.s32 $execute0_lowered;
	[smem:$0x3FD2] =	sst s25  }
0xac: {  	s5 =	sshll.u32 s26, $0x1;
	_ =	strace $0x8000004C;
	[dreg:$0x1] =	wrdreg $0xFFFFFFFF  }
0xad: {  	s28 =	simm.s32 $_size_execute0_lowered;
	s3 =	sadd.s32 s3, s5;
	[dreg:$0x0] =	wrdreg $0x0  }
0xae: {  	s5 =	sshll.u32 s28, $0x1;
	[dreg:$0x2] =	wrdreg s3  }
0xaf: {  	[dreg:$0x3] =	wrdreg s5  }
0xb0: {  	[dreg:$0x4] =	wrdreg $0xC0  }
0xb1: {  	_ =	task [dreg:s7], $0x5FFFF  }
0xb2: {  	[dreg:$0x1] =	wrdreg $0xFFFFFFFF  }
0xb3: {  	[dreg:$0x0] =	wrdreg $0x60  }
0xb4: {  	[dreg:$0x2] =	wrdreg s16  }
0xb5: {  	[dreg:$0x3] =	wrdreg s24  }
0xb6: {  	[dreg:$0x4] =	wrdreg $0x9  }
0xb7: {  	_ =	task.clear_ibuf [dreg:s7], $0x5FFFF;
	_ =	strace $0x9000004C  }
0xb8: {  	s29 =	simm.s32 $0x9;
	_ =	strace $0x8000004E  }
0xb9: {  	_ =	swait.ge [sflag:s29], $0x1  }
0xba: {  	[sflag:s29] =	ssyncadd.s32 $0xFFFFFFFF  }
0xbb: {  	_ =	strace $0x9000004E  }
0xbc: {  	_ =	sfence  }
0xbd: {  	s30 =	sld [smem:$0x0];
	_ =	sdelay $0x2  }
0xbe: {  	s31 =	sshll.u32 s1, $0xD;
	s1 =	sshrl.u32 s1, $0x2  }
0xbf: {  	s3 =	sand.u32 $0x4000, s31;
	s1 =	sadd.s32 s1, s30  }
0xc0: {  	s0 =	sor.u32 s3, s0;
	s1 =	sshll.u32 s1, $0x11  }
0xc1: {  	s0 =	sor.u32 s1, s0  }
0xc2: {  	s0 =	sadd.s32 $0x8F2B, s0  }
0xc3: {  	[sflag:s0] =	ssyncadd.remote.s32 $0x1  }
0xc4: {  	_ =	sfence.sel $0xFFFF  }
0xc5: {  	[dreg:$0x0] =	wrdreg $0xFFFFFFFF;
	(pc) =	sbr.abs _section_cstart, $3  }
0xc6: {  	[dreg:$0x1] =	wrdreg $0xFFFFFFFF  }
0xc7: {  	_ =	task.clear_ibuf [dreg:s7], $0x2FFFF;
	_ =	strace $0x9FFFFFFF  }
0xc8: {  	(tm) =	ssettm $0x7FFFFFFF  }
0xc9: {  	_ =	shalt  }
tec
execute0_lowered:
.L_overlay_start_1:
0x0: {  	(tag) =	ssettag $0x1  }
0x1: {  	s7 =	rddreg [dreg:$0x0]  }
0x2: {  	s4 =	rddreg [dreg:$0x1]  }
0x3: {  	s0 =	rddreg [dreg:$0x2]  }
0x4: {  	s3 =	srdreg.scid;
	s1 =	stileid.u32;
	s2 =	simm.s32 $0x0  }
0x5: {  	s13 =	simm.s32 $0x8000;
	s14 =	simm.s32 $0x4000;
	s15 =	simm.s32 $0x8800  }
0x6: {  	s16 =	simm.s32 $0x8D80;
	s17 =	simm.s32 $0x9380;
	s18 =	simm.s32 $0x0  }
0x7: {  	s3 =	sand.u32 $0x1, s3;
	s5 =	sshll.u32 s1, $0x1;
	[smem:$0x7FF] =	sst s2  }
0x8: {  	s8 =	sor.u32 s3, s5;
	_ =	strace $0x8000004D;
	s9 =	ssub.s32 $0x2, s3  }
0x9: {  	s3 =	sadd.s32 $0x210200, s4;
	s5 =	sshll.u32 s8, $0xB;
	s6 =	smul.u32 $0xA8, s8  }
0xa: {  	s10 =	sshrl.u32 s9, $0x1;
	s11 =	sshll.u32 s8, $0x4;
	s8 =	sshll.u32 s8, $0x8  }
0xb: {  	s5 =	sadd.s32 s5, s4;
	s10 =	ssub.s32 s9, s10;
	s7 =	sadd.s32 s7, s8  }
0xc: {  	s12 =	sadd.s32 s6, s4;
	s4 =	sadd.s32 s4, s11;
	s5 =	sadd.s32 $0x200000, s5  }
0xd: {  	s10 =	smax.u32 s10, $0x1;
	s11 =	simm.s32 $0x1;
	s6 =	sadd.s32 $0x210000, s4  }
0xe: {  	s8 =	sadd.s32 $0x200, s12;
	s9 =	sadd.s32 $0x1800, s12;
	s12 =	simm.s32 $0x9300  }
.LBB2_1:
0xf: {  	[tilespmem:s2], [sflag:$0x1] =	stream.linear.gather [hbm4b:s5+s2], $0x4000, $0x38;
	[tilespmem:$0x9400] =	vst v63  }
0x10: {  	_ =	swait.ge [sflag:s11], $0x4000  }
0x11: {  	[sflag:s11] =	ssyncset.done $0x0  }
0x12: {  	[sflag:s11] =	ssyncadd.s32 $0xFFFFC000  }
0x13: {  	[tilespmem:s12], [sflag:$0x1] =	stream.linear.gather [hbm4b:s6+s2], $0x80, $0x38;
	[tilespmem:$0x9400] =	vst v63  }
0x14: {  	_ =	swait.ge [sflag:s11], $0x80  }
0x15: {  	[sflag:s11] =	ssyncset.done $0x0  }
0x16: {  	[sflag:s11] =	ssyncadd.s32 $0xFFFFFF80  }
0x17: {  	v0 =	vld [tilespmem:$0x9300];
	[tilespmem:s13], [sflag:$0x1] =	stream.linear.gather [hbm4b:s7+s2], $0x800, $0x38  }
0x18: {  	_ =	swait.ge [sflag:s11], $0x800  }
0x19: {  	[sflag:s11] =	ssyncset.done $0x0  }
0x1a: {  	[sflag:s11] =	ssyncadd.s32 $0xFFFFF800  }
0x1b: {  	[tilespmem:s14], [sflag:$0x1] =	stream.linear.gather [hbm4b:s3+s2], $0x4000, $0x38;
	[tilespmem:$0x9400] =	vst v63  }
0x1c: {  	_ =	swait.ge [sflag:s11], $0x4000  }
0x1d: {  	[sflag:s11] =	ssyncset.done $0x0  }
0x1e: {  	v1 =	vimm.s32 $0x0;
	[sflag:s11] =	ssyncadd.s32 $0xFFFFC000  }
0x1f: {  	[tilespmem:$0x8D10] =	vst v1  }
0x20: {  	[tilespmem:$0x9290] =	vst v1  }
0x21: {  	[tilespmem:$0x8D20] =	vst v1  }
0x22: {  	[tilespmem:$0x92A0] =	vst v1  }
0x23: {  	[tilespmem:$0x8D30] =	vst v1  }
0x24: {  	[tilespmem:$0x92B0] =	vst v1  }
0x25: {  	v2 =	vld [tilespmem:s2+$0x0];
	_ =	sdelay $0x2  }
0x26: {  	v0 =	vshll.u32 v0, $0x7  }
0x27: {  	s19 =	sand.u32 $0x1E00, s2;
	v3 =	vadd.s32 $0x1000, v0  }
0x28: {  	s20 =	sand.u32 $0x70, s2;
	s19 =	sshrl.u32 s19, $0x2;
	v4 =	vadd.s32 $0x3000, v0;
	vm0 =	vlt.s32 v2, $0x1000  }
0x29: {  	s19 =	sor.u32 s20, s19;
	v5 =	vnsel vm0, $0x0, v2  }
0x2a: {  	v11 =	vld [tilespmem:s19+$0x8000];
	v6 =	vadd.s32 $0x1000, v5  }
0x2b: {  	v7 =	vadd.s32 $0x2000, v0;
	v8 =	vld.idx.msk [tilespmem:v0+s14+$0x0], $0xffff  }
0x2c: {  	(v2sf) =	vpush v1, $0x0;
	v3 =	vld.idx.msk [tilespmem:v3+s14+$0x0], $0xffff;
	v9 =	vadd.s32 $0x2000, v5  }
0x2d: {  	v4 =	vld.idx.msk [tilespmem:v4+s14+$0x0], $0xffff;
	v10 =	vadd.s32 $0x3000, v5  }
0x2e: {  	v5 =	vld.idx.msk [tilespmem:v5+s14+$0x0], $0xffff  }
0x2f: {  	v6 =	vld.idx.msk [tilespmem:v6+s14+$0x0], $0xffff  }
0x30: {  	v7 =	vld.idx.msk [tilespmem:v7+s14+$0x0], $0xffff  }
0x31: {  	v9 =	vld.idx.msk [tilespmem:v9+s14+$0x0], $0xffff  }
0x32: {  	v10 =	vld.idx.msk [tilespmem:v10+s14+$0x0], $0xffff  }
0x33: {  	vm1 =	vlt.f32 v11, $0.0e+00  }
0x34: {  	vm2 =	vgt.f32 v11, $0.0e+00;
	vm3 =	veq.s32 v5, v8;
	vm4 =	veq.s32 v6, v3  }
0x35: {  	vm1 =	vmor vm2, vm1;
	vm13 =	vmor vm3, vm4  }
0x36: {  	vm14 =	veq.s32 v9, v7;
	vm1 =	vmor vm13, vm1  }
0x37: {  	vm15 =	veq.s32 v10, v4;
	vm1 =	vmor vm1, vm14  }
0x38: {  	vm1 =	vmor vm1, vm15  }
0x39: {  	v3 =	vxor.u32 $0x80000000, v2;
	vm0 =	vmand vm0, vm1  }
0x3a: {  	v63 =	vmpcnt.ones.xlane vm0;
	v3 =	vnsel vm0, $0xC0000000, v3  }
0x3b: {  	s22 =	spop (v2sf);
	(xrf1) =	vsort.ascd.msk.u32 $0xffff, v3, v2  }
0x3c: {  	s21 =	simm.s32 $0x0;
	s20 =	simm.s32 $0x0;
	s19 =	simm.s32 $0x40;
	[tilespmem:s22+$0x8D80] =	vst v0;
	v1 =	vadd.s32 v1, v63  }
.LBB2_2:
0x3d: {  	_ =	sdelay $0x8  }
0x3e: {  	p0 =	sne.s32 s19, $0x1FC0;
	v0 =	vadd.s32 $0x1, v0;
	s20 =	sadd.s32 $0x80, s20;
	s21 =	sadd.s32 $0x10, s21  }
0x3f: {  	s23 =	smov.u32 s19;
	s19 =	sadd.s32 $0x40, s19;
	_ =	sdelay $0x1  }
0x40: {  	v2, _, _ =	vpop (xrf1)  }
0x41: {  	v2 =	vxor.u32 $0x80000000, v2  }
0x42: {  	(v2sf) =	vpush v1, $0x0;
	[tilespmem:s22+$0x8800] =	vst v2  }
0x43: {  	v2 =	vld [tilespmem:s20+$0x0]  }
0x44: {  	v3 =	vadd.s32 $0x1000, v0  }
0x45: {  	v4 =	vadd.s32 $0x3000, v0;
	_ =	sdelay $0x1  }
0x46: {  	v5 =	vadd.s32 $0x2000, v0  }
0x47: {  	vm0 =	vlt.s32 v2, $0x1000  }
0x48: {  	s22 =	sand.u32 $0x1E00, s23;
	v6 =	vnsel vm0, $0x0, v2;
	v3 =	vld.idx.msk [tilespmem:v3+s14+$0x0], $0xffff  }
0x49: {  	s23 =	sand.u32 $0x70, s21;
	s22 =	sshrl.u32 s22, $0x2;
	v7 =	vadd.s32 $0x1000, v6;
	v4 =	vld.idx.msk [tilespmem:v4+s14+$0x0], $0xffff  }
0x4a: {  	s22 =	sor.u32 s23, s22;
	v9 =	vadd.s32 $0x2000, v6;
	v10 =	vadd.s32 $0x3000, v6;
	v8 =	vld.idx.msk [tilespmem:v0+s14+$0x0], $0xffff  }
0x4b: {  	v11 =	vld [tilespmem:s22+$0x8000]  }
0x4c: {  	v5 =	vld.idx.msk [tilespmem:v5+s14+$0x0], $0xffff  }
0x4d: {  	v6 =	vld.idx.msk [tilespmem:v6+s14+$0x0], $0xffff  }
0x4e: {  	v7 =	vld.idx.msk [tilespmem:v7+s14+$0x0], $0xffff  }
0x4f: {  	v9 =	vld.idx.msk [tilespmem:v9+s14+$0x0], $0xffff  }
0x50: {  	v10 =	vld.idx.msk [tilespmem:v10+s14+$0x0], $0xffff;
	s22 =	spop (v2sf)  }
0x51: {  	[tilespmem:s22+$0x8D80] =	vst v0;
	_ =	sdelay $0x1  }
0x52: {  	vm1 =	vlt.f32 v11, $0.0e+00;
	vm2 =	vgt.f32 v11, $0.0e+00;
	vm3 =	veq.s32 v6, v8  }
0x53: {  	vm1 =	vmor vm2, vm1;
	vm2 =	veq.s32 v7, v3  }
0x54: {  	vm2 =	vmor vm3, vm2;
	vm3 =	veq.s32 v9, v5  }
0x55: {  	vm1 =	vmor vm2, vm1;
	vm2 =	veq.s32 v10, v4  }
0x56: {  	vm1 =	vmor vm1, vm3  }
.Ltmp0:
0x57: {  	v3 =	vxor.u32 $0x80000000, v2;
	vm1 =	vmor vm1, vm2;
	(pc) =	sbr.rel @p0 .LBB2_2-.Ltmp0, $4  }
0x58: {  	vm0 =	vmand vm0, vm1  }
0x59: {  	v3 =	vnsel vm0, $0xC0000000, v3;
	v4 =	vmpcnt.ones.xlane vm0  }
0x5a: {  	(xrf1) =	vsort.ascd.msk.u32 $0xffff, v3, v2  }
0x5b: {  	v1 =	vadd.s32 v1, v4  }
0x5c: {  	_ =	sdelay $0xb  }
0x5d: {  	v0, _, _ =	vpop (xrf1)  }
0x5e: {  	v0 =	vxor.u32 $0x80000000, v0  }
0x5f: {  	[tilespmem:s22+$0x8800] =	vst v0  }
0x60: {  	[tilespmem:$0x9380] =	vst v1  }
0x61: {  	[hbm4b:s8+s2] =	stream.linear.scatter [tilespmem:s15], [sflag:$0x1], $0x540, $0x38;
	[tilespmem:$0x9400] =	vst v63  }
0x62: {  	_ =	swait.ge [sflag:s11], $0x540  }
0x63: {  	[sflag:s11] =	ssyncset.done $0x0  }
0x64: {  	[sflag:s11] =	ssyncadd.s32 $0xFFFFFAC0  }
0x65: {  	[hbm4b:s9+s2] =	stream.linear.scatter [tilespmem:s16], [sflag:$0x1], $0x540, $0x38;
	[tilespmem:$0x9400] =	vst v63  }
0x66: {  	s18 =	sadd.s32 $0x1, s18;
	_ =	swait.ge [sflag:s11], $0x540  }
0x67: {  	p0 =	sne.s32 s18, s10;
	[sflag:s11] =	ssyncset.done $0x0  }
.Ltmp1:
0x68: {  	[sflag:s11] =	ssyncadd.s32 $0xFFFFFAC0;
	(pc) =	sbr.rel @p0 .LBB2_1-.Ltmp1, $4  }
0x69: {  	[hbm4b:s4+s2] =	stream.linear.scatter [tilespmem:s17], [sflag:$0x1], $0x80, $0x38;
	[tilespmem:$0x9400] =	vst v63  }
0x6a: {  	_ =	swait.ge [sflag:s11], $0x80  }
0x6b: {  	[sflag:s11] =	ssyncset.done $0x0  }
0x6c: {  	[sflag:s11] =	ssyncadd.s32 $0xFFFFFF80  }
0x6d: {  	_ =	sfence.sel $0x180000  }
0x6e: {  	[bflag:$0x0] =	sbarrier.arrive $0xFFFF  }
0x6f: {  	p0 =	sne.s32 s1, $0x0;
	_ =	strace $0x9000004D  }
0x70: {  	s0 =	sadd.s32 @!p0 $0x100000, s0;
	[bflag:$0x2] =	sbarrier.arrive $0xFFFF  }
0x71: {  	[sflag:s0] =	ssyncadd.tile.s32 @!p0 $0x1;
	_ =	shalt  }
.Lfunc_end2:
_tile_overlayer_lowered:
.L_overlay_start_2:
0x72: {  	(tag) =	ssettag $0x2  }
0x73: {  	s0 =	rddreg [dreg:$0x0];
	s2 =	stileid.u32  }
0x74: {  	s1 =	rddreg [dreg:$0x1];
	p0 =	sne.s32 s2, $0x0  }
0x75: {  	s3 =	rddreg [dreg:$0x2];
	[bflag:$0x3] =	sbarrier.arrive $0xFFFF;
	s2 =	simm.s32 @!p0 $0x1C01  }
0x76: {  	[timem:s3], [sflag:s2] =	dma.local @!p0 [hbm:s0], s1  }
0x77: {  	s0 =	simm.s32 @!p0 $0x1  }
0x78: {  	_ =	swait.ge @!p0 [sflag:s0], s1  }
0x79: {  	s1 =	ssub.s32 @!p0 $0x0, s1;
	[sflag:s0] =	ssyncset.done @!p0 $0x0  }
0x7a: {  	[sflag:s0] =	ssyncadd.s32 @!p0 s1  }
0x7b: {  	[bflag:$0x3] =	sbarrier.arrive $0xFFFF  }
0x7c: {  	_ =	shalt  }

// kernel: kernel.14.cloned.1.call-start
scs
__scs_entry_jumppad:
0x0: {  	(pc) =	sbr.rel $0x88, $3  }
0x1: {  	(tag) =	ssettag $0x0;
	lr =	simm.s32 $0x1  }
0x2: {  	[smem:$0x3F9D] =	sst lr;
	_ =	strace $0xD0000000  }
0x3: {  	_ = 	snop  }
0x4: {  	_ = 	snop  }
0x5: {  	_ = 	snop  }
0x6: {  	_ = 	snop  }
0x7: {  	_ = 	snop  }
__scs_overlays_trampoline_lowered:
0x8: {  	[smem:$0x3FAC] =	sst s0  }
0x9: {  	[smem:$0x3FAD] =	sst s1  }
0xa: {  	[smem:$0x3FAE] =	sst s2  }
0xb: {  	[smem:$0x3FAF] =	sst s3  }
0xc: {  	[smem:$0x3FB0] =	sst s4  }
0xd: {  	[smem:$0x3FB1] =	sst s5  }
0xe: {  	[smem:$0x3FB2] =	sst s6  }
0xf: {  	[smem:$0x3FB3] =	sst s7  }
0x10: {  	[smem:$0x3FB4] =	sst s8  }
0x11: {  	[smem:$0x3FB5] =	sst s9;
	s0 =	simm.s32 @!p0 $0x0  }
0x12: {  	s1 =	sld [smem:$0x3F9B];
	s0 =	simm.s32 @p0 $0x1  }
0x13: {  	[smem:$0x3FB6] =	sst s0;
	s0 =	simm.s32 @!p1 $0x0  }
0x14: {  	s2 =	sld [smem:$0x3F9A];
	s0 =	simm.s32 @p1 $0x1  }
0x15: {  	[smem:$0x3FB7] =	sst s0;
	s0 =	simm.s32 @!p2 $0x0  }
0x16: {  	s3 =	sld [smem:$0x3FDB];
	s0 =	simm.s32 @p2 $0x1  }
0x17: {  	s4 =	simm.s32 $0x1BF5;
	[smem:$0x3FB9] =	sst s0  }
0x18: {  	s0 =	sld [smem:$0x3F9C];
	_ =	swait.ge [sflag:s4], $0x0  }
0x19: {  	s7 =	sld [smem:$0x3F9D]  }
0x1a: {  	s8 =	sadd.s32 $0xFFFFE003, lr  }
0x1b: {  	s9 =	sadd.s32 $0xFFFFFEF7, lr;
	s5 =	simm.s32 $0xFFFFFFFF;
	p2 =	slt.u32 s8, $0xFFFFF086  }
0x1c: {  	p1 =	slt.u32 s9, $0xF7A;
	s5 =	simm.s32 @!p2 $0x0  }
0x1d: {  	s5 =	simm.s32 @p1 $0x1;
	p0 =	seq.s32 s7, s2  }
0x1e: {  	s7 =	smul.u32 @!p0 $0xF7A, s2;
	p2 =	seq.s32 @!p0 s5, $0x0  }
0x1f: {  	s9 =	smul.u32 $0xF7A, s1;
	s8 =	simm.s32 @!p0 $0x1BF5;
	p2 =	por !p2, p0  }
0x20: {  	[sflag:s8] =	ssyncset.s32 @!p0 $0xFFFFF086;
	s6 =	sadd.s32 @!p0 s3, s7;
	s7 =	simm.s32 @!p0 $0x108  }
0x21: {  	s3 =	sadd.s32 s3, s9;
	s6 =	sadd.s32 @!p0 $0x88, s6;
	s7 =	simm.s32 @p2 $0x1082  }
0x22: {  	[simem:s7], [sflag:s8] =	dma.local @!p0 [hbm:s6], $0xF7A  }
0x23: {  	s9 =	sor.u32 $0xD0000000, s2;
	s6 =	simm.s32 $0x108;
	_ =	swait.ge @!p0 [sflag:s8], $0x0  }
0x24: {  	s3 =	sadd.s32 $0x88, s3;
	s6 =	simm.s32 @!p1 $0x1082;
	[sflag:s4] =	ssyncset.s32 $0xFFFFF086  }
0x25: {  	[simem:s6], [sflag:s4] =	dma.local [hbm:s3], $0xF7A  }
0x26: {  	[smem:$0x3F9D] =	sst s1;
	(tag) =	ssettag s2;
	_ =	strace s9  }
0x27: {  	s1 =	sld [smem:$0x3FAD]  }
0x28: {  	s2 =	sld [smem:$0x3FAE]  }
0x29: {  	s4 =	sld [smem:$0x3FB0]  }
0x2a: {  	p0 =	seq.s32 s5, $0x0;
	s5 =	sld [smem:$0x3FB1]  }
0x2b: {  	s6 =	sld [smem:$0x3FB2]  }
0x2c: {  	s7 =	sld [smem:$0x3FB3]  }
0x2d: {  	s3 =	simm.s32 $0x108;
	s8 =	sld [smem:$0x3FB4]  }
0x2e: {  	s3 =	simm.s32 @!p0 $0x1082;
	s9 =	sld [smem:$0x3FB5]  }
0x2f: {  	lr =	sadd.s32 s0, s3;
	s0 =	sld [smem:$0x3FAC]  }
0x30: {  	s3 =	sld [smem:$0x3FAF]  }
0x31: {  	[smem:$0x3FB8] =	sst s10  }
0x32: {  	s10 =	sld [smem:$0x3FB6];
	_ =	sdelay $0x3  }
0x33: {  	p0 =	seq.s32 s10, $0x1;
	s10 =	sld [smem:$0x3FB8];
	_ =	sdelay $0x3  }
0x34: {  	[smem:$0x3FB8] =	sst s10  }
0x35: {  	s10 =	sld [smem:$0x3FB7];
	_ =	sdelay $0x3  }
0x36: {  	p1 =	seq.s32 s10, $0x1;
	s10 =	sld [smem:$0x3FB8];
	_ =	sdelay $0x3  }
0x37: {  	[smem:$0x3FB8] =	sst s10  }
0x38: {  	s10 =	sld [smem:$0x3FB9]  }
0x39: {  	_ = 	snop;
	(pc) =	sbr.ind lr, $3  }
0x3a: {  	_ = 	snop  }
0x3b: {  	_ = 	snop  }
0x3c: {  	p2 =	seq.s32 s10, $0x1;
	s10 =	sld [smem:$0x3FB8]  }
0x3d: {  	_ =	shalt  }
0x3e: {  	_ =	shalt  }
0x3f: {  	_ =	shalt  }
0x40: {  	_ =	shalt  }
0x41: {  	_ =	shalt  }
0x42: {  	_ =	shalt  }
0x43: {  	_ =	shalt  }
0x44: {  	_ =	shalt  }
0x45: {  	_ =	shalt  }
0x46: {  	_ =	shalt  }
0x47: {  	_ =	shalt  }
0x48: {  	_ =	shalt  }
0x49: {  	_ =	shalt  }
0x4a: {  	_ =	shalt  }
0x4b: {  	_ =	shalt  }
0x4c: {  	_ =	shalt  }
0x4d: {  	_ =	shalt  }
0x4e: {  	_ =	shalt  }
0x4f: {  	_ =	shalt  }
0x50: {  	_ =	shalt  }
0x51: {  	_ =	shalt  }
0x52: {  	_ =	shalt  }
0x53: {  	_ =	shalt  }
0x54: {  	_ =	shalt  }
0x55: {  	_ =	shalt  }
0x56: {  	_ =	shalt  }
0x57: {  	_ =	shalt  }
0x58: {  	_ =	shalt  }
0x59: {  	_ =	shalt  }
0x5a: {  	_ =	shalt  }
0x5b: {  	_ =	shalt  }
0x5c: {  	_ =	shalt  }
0x5d: {  	_ =	shalt  }
0x5e: {  	_ =	shalt  }
0x5f: {  	_ =	shalt  }
0x60: {  	_ =	shalt  }
0x61: {  	_ =	shalt  }
0x62: {  	_ =	shalt  }
0x63: {  	_ =	shalt  }
0x64: {  	_ =	shalt  }
0x65: {  	_ =	shalt  }
0x66: {  	_ =	shalt  }
0x67: {  	_ =	shalt  }
0x68: {  	_ =	shalt  }
0x69: {  	_ =	shalt  }
0x6a: {  	_ =	shalt  }
0x6b: {  	_ =	shalt  }
0x6c: {  	_ =	shalt  }
0x6d: {  	_ =	shalt  }
0x6e: {  	_ =	shalt  }
0x6f: {  	_ =	shalt  }
0x70: {  	_ =	shalt  }
0x71: {  	_ =	shalt  }
0x72: {  	_ =	shalt  }
0x73: {  	_ =	shalt  }
0x74: {  	_ =	shalt  }
0x75: {  	_ =	shalt  }
0x76: {  	_ =	shalt  }
0x77: {  	_ =	shalt  }
0x78: {  	_ =	shalt  }
0x79: {  	_ =	shalt  }
0x7a: {  	_ =	shalt  }
0x7b: {  	_ =	shalt  }
0x7c: {  	_ =	shalt  }
0x7d: {  	_ =	shalt  }
0x7e: {  	_ =	shalt  }
0x7f: {  	_ =	shalt  }
0x80: {  	_ =	shalt  }
0x81: {  	_ =	shalt  }
0x82: {  	_ =	shalt  }
0x83: {  	_ =	shalt  }
0x84: {  	_ =	shalt  }
0x85: {  	_ =	shalt  }
0x86: {  	_ =	shalt  }
0x87: {  	_ =	shalt  }
.Lfunc_end0:
.L_simem_size_0:
called_computation.3_lowered:
.L_overlay_start_0:
0x88: {  	s2 =	sld [smem:$0x3FD9]  }
0x89: {  	s3 =	sld [smem:$0x3FFE];
	_ =	sdelay $0x1  }
0x8a: {  	s1 =	srdreg.scid  }
0x8b: {  	s0 =	sand.u32 $0x1, s1  }
0x8c: {  	s14 =	sshll.u32 s0, $0xA;
	s2 =	sadd.s32 s3, s2  }
0x8d: {  	s2 =	sadd.s32 s2, s14  }
0x8e: {  	[smem:$0x3FC4] =	sst s2  }
0x8f: {  	_ = 	snop  }
0x90: {  	s2 =	sld [smem:$0x3FD0];
	_ =	sdelay $0x2  }
0x91: {  	s15 =	simm.s32 $0xA;
	s4 =	simm.s32 $0x10  }
0x92: {  	[smem:s4], [sflag:s15] =	dma.local [hbm:s2], $0x1  }
0x93: {  	_ =	swait.eq [sflag:s15], $0x1  }
0x94: {  	[sflag:s15] =	ssyncset.done $0x0  }
0x95: {  	[sflag:s15] =	ssyncadd.s32 $0xFFFFFFFF  }
0x96: {  	s16 =	sld [smem:$0x10];
	(tm) =	ssettm $0x1  }
0x97: {  	s17 =	sld [smem:$0x3FFB];
	_ =	sdelay $0x3  }
0x98: {  	_ =	strace s17  }
0x99: {  	s3 =	sld [smem:$0x3FFC];
	_ =	sdelay $0x3  }
0x9a: {  	_ =	strace s3  }
0x9b: {  	s3 =	sld [smem:$0x3FFD];
	_ =	sdelay $0x3  }
0x9c: {  	_ =	strace s3  }
0x9d: {  	_ =	strace $0x8FFFFFFF  }
0x9e: {  	s18 =	sld [smem:$0x3FDB];
	_ =	sdelay $0x1  }
0x9f: {  	s19 =	simm.s32 $_scs_section_size  }
0xa0: {  	s5 =	simm.s32 $_size__tile_overlayer_lowered;
	s6 =	simm.s32 $_tile_overlayer_lowered  }
0xa1: {  	s22 =	simm.s32 $0x1BFF;
	s21 =	sshll.u32 s6, $0x1;
	s3 =	sadd.s32 s19, s18  }
0xa2: {  	s7 =	simm.s32 $0x0;
	s20 =	sshll.u32 s5, $0x1;
	s5 =	sadd.s32 s21, s3  }
0xa3: {  	[timem:s7], [sflag:s22] =	dma.local [hbm:s5], s20  }
0xa4: {  	_ =	swait.ge [sflag:s22], s20  }
0xa5: {  	s4 =	ssub.s32 $0x0, s20;
	[sflag:s22] =	ssyncset.done $0x0  }
0xa6: {  	[sflag:s22] =	ssyncadd.s32 s4;
	_ =	sdelay $0x1  }
0xa7: {  	s23 =	simm.s32 $0x1B8B  }
0xa8: {  	_ =	swait.ge [sflag:s23], $0x1  }
0xa9: {  	[sflag:s23] =	ssyncset.done $0x0  }
0xaa: {  	s25 =	simm.s32 $0x1B8E;
	s24 =	sld [smem:$0x3FFE];
	[sflag:s23] =	ssyncadd.s32 $0xFFFFFFFF  }
0xab: {  	s26 =	simm.s32 $execute0_lowered;
	[smem:$0x3FD2] =	sst s25  }
0xac: {  	s5 =	sshll.u32 s26, $0x1;
	_ =	strace $0x8000004F;
	[dreg:$0x1] =	wrdreg $0xFFFFFFFF  }
0xad: {  	s28 =	simm.s32 $_size_execute0_lowered;
	s3 =	sadd.s32 s3, s5;
	[dreg:$0x0] =	wrdreg $0x0  }
0xae: {  	s5 =	sshll.u32 s28, $0x1;
	[dreg:$0x2] =	wrdreg s3  }
0xaf: {  	[dreg:$0x3] =	wrdreg s5  }
0xb0: {  	[dreg:$0x4] =	wrdreg $0xC0  }
0xb1: {  	_ =	task [dreg:s7], $0x5FFFF  }
0xb2: {  	[dreg:$0x1] =	wrdreg $0xFFFFFFFF  }
0xb3: {  	[dreg:$0x0] =	wrdreg $0x60  }
0xb4: {  	[dreg:$0x2] =	wrdreg s24  }
0xb5: {  	[dreg:$0x3] =	wrdreg s16  }
0xb6: {  	[dreg:$0x4] =	wrdreg $0x9  }
0xb7: {  	_ =	task.clear_ibuf [dreg:s7], $0x5FFFF;
	_ =	strace $0x9000004F  }
0xb8: {  	s29 =	simm.s32 $0x9;
	_ =	strace $0x80000051  }
0xb9: {  	_ =	swait.ge [sflag:s29], $0x1  }
0xba: {  	[sflag:s29] =	ssyncadd.s32 $0xFFFFFFFF  }
0xbb: {  	_ =	strace $0x90000051  }
0xbc: {  	_ =	sfence  }
0xbd: {  	s30 =	sld [smem:$0x0];
	_ =	sdelay $0x2  }
0xbe: {  	s31 =	sshll.u32 s1, $0xD;
	s1 =	sshrl.u32 s1, $0x2  }
0xbf: {  	s3 =	sand.u32 $0x4000, s31;
	s1 =	sadd.s32 s1, s30  }
0xc0: {  	s0 =	sor.u32 s3, s0;
	s1 =	sshll.u32 s1, $0x11  }
0xc1: {  	s0 =	sor.u32 s1, s0  }
0xc2: {  	s0 =	sadd.s32 $0x8F2B, s0  }
0xc3: {  	[sflag:s0] =	ssyncadd.remote.s32 $0x1  }
0xc4: {  	_ =	sfence.sel $0xFFFF  }
0xc5: {  	[dreg:$0x0] =	wrdreg $0xFFFFFFFF;
	(pc) =	sbr.abs _section_cstart, $3  }
0xc6: {  	[dreg:$0x1] =	wrdreg $0xFFFFFFFF  }
0xc7: {  	_ =	task.clear_ibuf [dreg:s7], $0x2FFFF;
	_ =	strace $0x9FFFFFFF  }
0xc8: {  	(tm) =	ssettm $0x7FFFFFFF  }
0xc9: {  	_ =	shalt  }
tec
execute0_lowered:
.L_overlay_start_1:
0x0: {  	(tag) =	ssettag $0x1  }
0x1: {  	s0 =	rddreg [dreg:$0x0]  }
0x2: {  	s1 =	rddreg [dreg:$0x1]  }
0x3: {  	s12 =	rddreg [dreg:$0x2];
	s2 =	simm.s32 $0x0;
	s3 =	srdreg.scid  }
0x4: {  	s4 =	stileid.u32;
	s22 =	simm.s32 $0x880;
	s23 =	simm.s32 $0x1080  }
0x5: {  	s8 =	simm.s32 $0x80;
	s24 =	simm.s32 $0x900;
	s25 =	simm.s32 $0x1100  }
0x6: {  	s26 =	simm.s32 $0x980;
	s30 =	simm.s32 $0x100;
	s29 =	simm.s32 $0x180  }
0x7: {  	s19 =	simm.s32 $0x1180;
	s9 =	simm.s32 $0x1;
	s21 =	simm.s32 $0x1200  }
0x8: {  	s20 =	simm.s32 $0x300;
	s28 =	simm.s32 $0xB80;
	s31 =	simm.s32 $0x1380  }
0x9: {  	p0 =	por $0x0, $0x0;
	s10 =	simm.s32 $0x400;
	s13 =	simm.s32 $0xC00  }
0xa: {  	s14 =	simm.s32 $0x1400;
	s11 =	simm.s32 $0x480;
	[smem:$0x7FF] =	sst s2  }
0xb: {  	s15 =	simm.s32 $0xC80;
	_ =	strace $0x80000050;
	[dreg:$0x6] =	wrdreg s22  }
0xc: {  	s3 =	sand.u32 $0x1, s3;
	s6 =	sshll.u32 s4, $0x9;
	[dreg:$0x7] =	wrdreg s23  }
0xd: {  	s4 =	sadd.s32 $0x200, s0;
	s5 =	sadd.s32 $0x1800, s0;
	[dreg:$0x8] =	wrdreg s24  }
0xe: {  	s7 =	sshll.u32 s3, $0x8;
	s3 =	ssub.s32 $0x2, s3;
	[dreg:$0x9] =	wrdreg s25  }
0xf: {  	[dreg:$0xa] =	wrdreg s26;
	s22 =	simm.s32 $0xA80;
	s16 =	sshrl.u32 s3, $0x1  }
0x10: {  	s24 =	simm.s32 $0x1280;
	s25 =	simm.s32 $0xB00;
	s3 =	ssub.s32 s3, s16  }
0x11: {  	s26 =	simm.s32 $0x1300;
	s23 =	simm.s32 $0x380;
	s18 =	smax.u32 s3, $0x1  }
0x12: {  	s6 =	sor.u32 s7, s6;
	s7 =	simm.s32 $0x800;
	p1 =	sne.s32 s18, $0x1  }
.Ltmp0:
0x13: {  	s0 =	sadd.s32 s6, s0;
	s1 =	sadd.s32 s1, s6;
	(pc) =	sbr.rel @!p1 .LBB2_1-.Ltmp0, $4  }
0x14: {  	s6 =	simm.s32 $0x1000;
	[dreg:$0x3] =	wrdreg s1;
	s17 =	sadd.s32 $0x2E00, s0  }
0x15: {  	s16 =	simm.s32 $0x200;
	s0 =	sadd.s32 $0x4E00, s0;
	[dreg:$0x4] =	wrdreg s17  }
0x16: {  	s3 =	simm.s32 $0x2;
	[dreg:$0x5] =	wrdreg s0;
	s17 =	simm.s32 $0x280  }
0x17: {  	s0 =	sadd.s32 $0xFFFFFFFF, s18;
	s18 =	simm.s32 $0x1480;
	s1 =	rddreg [dreg:$0x3]  }
0x18: {  	[tilespmem:s2], [sflag:$0x2] =	stream.linear.gather [hbm4b:s1+s2], $0x800, $0x38;
	[tilespmem:$0x1800] =	vst v63  }
0x19: {  	_ =	swait.ge [sflag:s3], $0x800  }
0x1a: {  	[sflag:s3] =	ssyncset.done $0x0  }
0x1b: {  	[sflag:s3] =	ssyncadd.s32 $0xFFFFF800  }
0x1c: {  	[tilespmem:s7], [sflag:$0x1] =	stream.indirect.gather [hbm4b:s4+s8], $0x1, s2, s8, $0xb8;
	[tilespmem:$0x1800] =	vst v63  }
0x1d: {  	_ = 	snop  }
0x1e: {  	[tilespmem:s6], [sflag:$0x1] =	stream.indirect.gather [hbm4b:s5+s8], $0x1, s2, s8, $0xb8;
	[tilespmem:$0x1800] =	vst v63  }
0x1f: {  	s1 =	rddreg [dreg:$0x6]  }
0x20: {  	[tilespmem:s1], [sflag:$0x1] =	stream.indirect.gather [hbm4b:s4+s8], $0x1, s8, s8, $0xb8;
	[tilespmem:$0x1800] =	vst v63  }
0x21: {  	s12 =	smov.u32 s0;
	s0 =	rddreg [dreg:$0x7]  }
0x22: {  	[tilespmem:s0], [sflag:$0x1] =	stream.indirect.gather [hbm4b:s5+s8], $0x1, s8, s8, $0xb8;
	[tilespmem:$0x1800] =	vst v63  }
0x23: {  	s1 =	rddreg [dreg:$0x8]  }
0x24: {  	[tilespmem:s1], [sflag:$0x1] =	stream.indirect.gather [hbm4b:s4+s8], $0x1, s30, s8, $0xb8;
	[tilespmem:$0x1800] =	vst v63  }
0x25: {  	s0 =	rddreg [dreg:$0x9]  }
0x26: {  	[tilespmem:s0], [sflag:$0x1] =	stream.indirect.gather [hbm4b:s5+s8], $0x1, s30, s8, $0xb8;
	[tilespmem:$0x1800] =	vst v63  }
0x27: {  	s1 =	rddreg [dreg:$0xa]  }
0x28: {  	[tilespmem:s1], [sflag:$0x1] =	stream.indirect.gather [hbm4b:s4+s8], $0x1, s29, s8, $0xb8;
	[tilespmem:$0x1800] =	vst v63  }
0x29: {  	_ = 	snop  }
0x2a: {  	[tilespmem:s19], [sflag:$0x1] =	stream.indirect.gather [hbm4b:s5+s8], $0x1, s29, s8, $0xb8;
	[tilespmem:$0x1800] =	vst v63  }
0x2b: {  	_ =	swait.ge [sflag:s9], $0x80  }
0x2c: {  	[sflag:s9] =	ssyncset.done $0x0  }
0x2d: {  	[sflag:s9] =	ssyncadd.s32 $0xFFFFFF80  }
0x2e: {  	_ =	swait.ge [sflag:s9], $0x80  }
0x2f: {  	[sflag:s9] =	ssyncset.done $0x0  }
0x30: {  	[sflag:s9] =	ssyncadd.s32 $0xFFFFFF80  }
0x31: {  	_ =	swait.ge [sflag:s9], $0x80  }
0x32: {  	[sflag:s9] =	ssyncset.done $0x0  }
0x33: {  	[sflag:s9] =	ssyncadd.s32 $0xFFFFFF80  }
0x34: {  	_ =	swait.ge [sflag:s9], $0x80  }
0x35: {  	[sflag:s9] =	ssyncset.done $0x0  }
0x36: {  	[sflag:s9] =	ssyncadd.s32 $0xFFFFFF80  }
0x37: {  	_ =	swait.ge [sflag:s9], $0x80  }
0x38: {  	[sflag:s9] =	ssyncset.done $0x0  }
0x39: {  	[sflag:s9] =	ssyncadd.s32 $0xFFFFFF80  }
0x3a: {  	_ =	swait.ge [sflag:s9], $0x80  }
0x3b: {  	[sflag:s9] =	ssyncset.done $0x0  }
0x3c: {  	[sflag:s9] =	ssyncadd.s32 $0xFFFFFF80  }
0x3d: {  	_ =	swait.ge [sflag:s9], $0x80  }
0x3e: {  	[sflag:s9] =	ssyncset.done $0x0  }
0x3f: {  	[sflag:s9] =	ssyncadd.s32 $0xFFFFFF80  }
0x40: {  	_ =	swait.ge [sflag:s9], $0x80  }
0x41: {  	[sflag:s9] =	ssyncset.done $0x0  }
0x42: {  	s1 =	simm.s32 $0xA00;
	[sflag:s9] =	ssyncadd.s32 $0xFFFFFF80  }
0x43: {  	[tilespmem:s1], [sflag:$0x1] =	stream.indirect.gather [hbm4b:s4+s8], $0x1, s16, s8, $0xb8;
	[tilespmem:$0x1800] =	vst v63  }
0x44: {  	_ = 	snop  }
0x45: {  	[tilespmem:s21], [sflag:$0x1] =	stream.indirect.gather [hbm4b:s5+s8], $0x1, s16, s8, $0xb8;
	[tilespmem:$0x1800] =	vst v63  }
0x46: {  	_ = 	snop  }
0x47: {  	[tilespmem:s22], [sflag:$0x1] =	stream.indirect.gather [hbm4b:s4+s8], $0x1, s17, s8, $0xb8;
	[tilespmem:$0x1800] =	vst v63  }
0x48: {  	_ = 	snop  }
0x49: {  	[tilespmem:s24], [sflag:$0x1] =	stream.indirect.gather [hbm4b:s5+s8], $0x1, s17, s8, $0xb8;
	[tilespmem:$0x1800] =	vst v63  }
0x4a: {  	_ = 	snop  }
0x4b: {  	[tilespmem:s25], [sflag:$0x1] =	stream.indirect.gather [hbm4b:s4+s8], $0x1, s20, s8, $0xb8;
	[tilespmem:$0x1800] =	vst v63  }
0x4c: {  	_ = 	snop  }
0x4d: {  	[tilespmem:s26], [sflag:$0x1] =	stream.indirect.gather [hbm4b:s5+s8], $0x1, s20, s8, $0xb8;
	[tilespmem:$0x1800] =	vst v63  }
0x4e: {  	_ = 	snop  }
0x4f: {  	[tilespmem:s28], [sflag:$0x1] =	stream.indirect.gather [hbm4b:s4+s8], $0x1, s23, s8, $0xb8;
	[tilespmem:$0x1800] =	vst v63  }
0x50: {  	_ = 	snop  }
0x51: {  	[tilespmem:s31], [sflag:$0x1] =	stream.indirect.gather [hbm4b:s5+s8], $0x1, s23, s8, $0xb8;
	[tilespmem:$0x1800] =	vst v63  }
0x52: {  	_ =	swait.ge [sflag:s9], $0x80  }
0x53: {  	[sflag:s9] =	ssyncset.done $0x0  }
0x54: {  	[sflag:s9] =	ssyncadd.s32 $0xFFFFFF80  }
0x55: {  	_ =	swait.ge [sflag:s9], $0x80  }
0x56: {  	[sflag:s9] =	ssyncset.done $0x0  }
0x57: {  	[sflag:s9] =	ssyncadd.s32 $0xFFFFFF80  }
0x58: {  	_ =	swait.ge [sflag:s9], $0x80  }
0x59: {  	[sflag:s9] =	ssyncset.done $0x0  }
0x5a: {  	[sflag:s9] =	ssyncadd.s32 $0xFFFFFF80  }
0x5b: {  	_ =	swait.ge [sflag:s9], $0x80  }
0x5c: {  	[sflag:s9] =	ssyncset.done $0x0  }
0x5d: {  	[sflag:s9] =	ssyncadd.s32 $0xFFFFFF80  }
0x5e: {  	_ =	swait.ge [sflag:s9], $0x80  }
0x5f: {  	[sflag:s9] =	ssyncset.done $0x0  }
0x60: {  	[sflag:s9] =	ssyncadd.s32 $0xFFFFFF80  }
0x61: {  	_ =	swait.ge [sflag:s9], $0x80  }
0x62: {  	[sflag:s9] =	ssyncset.done $0x0  }
0x63: {  	[sflag:s9] =	ssyncadd.s32 $0xFFFFFF80  }
0x64: {  	_ =	swait.ge [sflag:s9], $0x80  }
0x65: {  	[sflag:s9] =	ssyncset.done $0x0  }
0x66: {  	[sflag:s9] =	ssyncadd.s32 $0xFFFFFF80  }
0x67: {  	_ =	swait.ge [sflag:s9], $0x80  }
0x68: {  	[sflag:s9] =	ssyncset.done $0x0  }
0x69: {  	[sflag:s9] =	ssyncadd.s32 $0xFFFFFF80  }
0x6a: {  	[tilespmem:s13], [sflag:$0x1] =	stream.indirect.gather [hbm4b:s4+s8], $0x1, s10, s8, $0xb8;
	[tilespmem:$0x1800] =	vst v63  }
0x6b: {  	_ = 	snop  }
0x6c: {  	[tilespmem:s14], [sflag:$0x1] =	stream.indirect.gather [hbm4b:s5+s8], $0x1, s10, s8, $0xb8;
	[tilespmem:$0x1800] =	vst v63  }
0x6d: {  	_ = 	snop  }
0x6e: {  	[tilespmem:s15], [sflag:$0x1] =	stream.indirect.gather [hbm4b:s4+s8], $0x1, s11, s8, $0xb8;
	[tilespmem:$0x1800] =	vst v63  }
0x6f: {  	_ = 	snop  }
0x70: {  	[tilespmem:s18], [sflag:$0x1] =	stream.indirect.gather [hbm4b:s5+s8], $0x1, s11, s8, $0xb8;
	[tilespmem:$0x1800] =	vst v63  }
0x71: {  	_ =	swait.ge [sflag:s9], $0x80  }
0x72: {  	[sflag:s9] =	ssyncset.done $0x0  }
0x73: {  	[sflag:s9] =	ssyncadd.s32 $0xFFFFFF80  }
0x74: {  	_ =	swait.ge [sflag:s9], $0x80  }
0x75: {  	[sflag:s9] =	ssyncset.done $0x0  }
0x76: {  	[sflag:s9] =	ssyncadd.s32 $0xFFFFFF80  }
0x77: {  	_ =	swait.ge [sflag:s9], $0x80  }
0x78: {  	[sflag:s9] =	ssyncset.done $0x0  }
0x79: {  	[sflag:s9] =	ssyncadd.s32 $0xFFFFFF80  }
0x7a: {  	_ =	swait.ge [sflag:s9], $0x80  }
0x7b: {  	[sflag:s9] =	ssyncset.done $0x0  }
0x7c: {  	s1 =	rddreg [dreg:$0x4];
	[sflag:s9] =	ssyncadd.s32 $0xFFFFFF80  }
0x7d: {  	[hbm4b:s1+s2] =	stream.linear.scatter [tilespmem:s7], [sflag:$0x2], $0x500, $0x38;
	[tilespmem:$0x1800] =	vst v63  }
0x7e: {  	p1 =	sne.s32 s12, $0x1;
	_ =	swait.ge [sflag:s3], $0x500  }
.Ltmp1:
0x7f: {  	[sflag:s3] =	ssyncset.done $0x0;
	(pc) =	sbr.rel @!p1 .LBB2_3-.Ltmp1, $4  }
0x80: {  	s1 =	rddreg [dreg:$0x5];
	[sflag:s3] =	ssyncadd.s32 $0xFFFFFB00  }
0x81: {  	[hbm4b:s1+s2] =	stream.linear.scatter [tilespmem:s6], [sflag:$0x2], $0x500, $0x38;
	[tilespmem:$0x1800] =	vst v63  }
0x82: {  	p0 =	por $0x1, $0x1;
	_ =	swait.ge [sflag:s3], $0x500  }
0x83: {  	s0 =	sadd.s32 $0xFFFFFFFF, s12;
	s1 =	rddreg [dreg:$0x3];
	[sflag:s3] =	ssyncset.done $0x0  }
.LBB2_4:
0x84: {  	[sflag:s3] =	ssyncadd.s32 $0xFFFFFB00  }
0x85: {  	[tilespmem:s2], [sflag:$0x2] =	stream.linear.gather [hbm4b:s1+s2], $0x800, $0x38;
	[tilespmem:$0x1800] =	vst v63  }
0x86: {  	_ =	swait.ge [sflag:s3], $0x800  }
0x87: {  	[sflag:s3] =	ssyncset.done $0x0  }
0x88: {  	[sflag:s3] =	ssyncadd.s32 $0xFFFFF800  }
0x89: {  	[tilespmem:s7], [sflag:$0x1] =	stream.indirect.gather [hbm4b:s4+s8], $0x1, s2, s8, $0xb8;
	[tilespmem:$0x1800] =	vst v63  }
0x8a: {  	_ = 	snop  }
0x8b: {  	[tilespmem:s6], [sflag:$0x1] =	stream.indirect.gather [hbm4b:s5+s8], $0x1, s2, s8, $0xb8;
	[tilespmem:$0x1800] =	vst v63  }
0x8c: {  	s1 =	rddreg [dreg:$0x6]  }
0x8d: {  	[tilespmem:s1], [sflag:$0x1] =	stream.indirect.gather [hbm4b:s4+s8], $0x1, s8, s8, $0xb8;
	[tilespmem:$0x1800] =	vst v63  }
0x8e: {  	s12 =	rddreg [dreg:$0x7]  }
0x8f: {  	[tilespmem:s12], [sflag:$0x1] =	stream.indirect.gather [hbm4b:s5+s8], $0x1, s8, s8, $0xb8;
	[tilespmem:$0x1800] =	vst v63  }
0x90: {  	s1 =	rddreg [dreg:$0x8]  }
0x91: {  	[tilespmem:s1], [sflag:$0x1] =	stream.indirect.gather [hbm4b:s4+s8], $0x1, s30, s8, $0xb8;
	[tilespmem:$0x1800] =	vst v63  }
0x92: {  	s12 =	rddreg [dreg:$0x9]  }
0x93: {  	[tilespmem:s12], [sflag:$0x1] =	stream.indirect.gather [hbm4b:s5+s8], $0x1, s30, s8, $0xb8;
	[tilespmem:$0x1800] =	vst v63  }
0x94: {  	s1 =	rddreg [dreg:$0xa]  }
0x95: {  	[tilespmem:s1], [sflag:$0x1] =	stream.indirect.gather [hbm4b:s4+s8], $0x1, s29, s8, $0xb8;
	[tilespmem:$0x1800] =	vst v63  }
0x96: {  	_ = 	snop  }
0x97: {  	[tilespmem:s19], [sflag:$0x1] =	stream.indirect.gather [hbm4b:s5+s8], $0x1, s29, s8, $0xb8;
	[tilespmem:$0x1800] =	vst v63  }
0x98: {  	_ =	swait.ge [sflag:s9], $0x80  }
0x99: {  	[sflag:s9] =	ssyncset.done $0x0  }
0x9a: {  	[sflag:s9] =	ssyncadd.s32 $0xFFFFFF80  }
0x9b: {  	_ =	swait.ge [sflag:s9], $0x80  }
0x9c: {  	[sflag:s9] =	ssyncset.done $0x0  }
0x9d: {  	[sflag:s9] =	ssyncadd.s32 $0xFFFFFF80  }
0x9e: {  	_ =	swait.ge [sflag:s9], $0x80  }
0x9f: {  	[sflag:s9] =	ssyncset.done $0x0  }
0xa0: {  	[sflag:s9] =	ssyncadd.s32 $0xFFFFFF80  }
0xa1: {  	_ =	swait.ge [sflag:s9], $0x80  }
0xa2: {  	[sflag:s9] =	ssyncset.done $0x0  }
0xa3: {  	[sflag:s9] =	ssyncadd.s32 $0xFFFFFF80  }
0xa4: {  	_ =	swait.ge [sflag:s9], $0x80  }
0xa5: {  	[sflag:s9] =	ssyncset.done $0x0  }
0xa6: {  	[sflag:s9] =	ssyncadd.s32 $0xFFFFFF80  }
0xa7: {  	_ =	swait.ge [sflag:s9], $0x80  }
0xa8: {  	[sflag:s9] =	ssyncset.done $0x0  }
0xa9: {  	[sflag:s9] =	ssyncadd.s32 $0xFFFFFF80  }
0xaa: {  	_ =	swait.ge [sflag:s9], $0x80  }
0xab: {  	[sflag:s9] =	ssyncset.done $0x0  }
0xac: {  	[sflag:s9] =	ssyncadd.s32 $0xFFFFFF80  }
0xad: {  	_ =	swait.ge [sflag:s9], $0x80  }
0xae: {  	[sflag:s9] =	ssyncset.done $0x0  }
0xaf: {  	s12 =	simm.s32 $0xA00;
	[sflag:s9] =	ssyncadd.s32 $0xFFFFFF80  }
0xb0: {  	[tilespmem:s12], [sflag:$0x1] =	stream.indirect.gather [hbm4b:s4+s8], $0x1, s16, s8, $0xb8;
	[tilespmem:$0x1800] =	vst v63  }
0xb1: {  	_ = 	snop  }
0xb2: {  	[tilespmem:s21], [sflag:$0x1] =	stream.indirect.gather [hbm4b:s5+s8], $0x1, s16, s8, $0xb8;
	[tilespmem:$0x1800] =	vst v63  }
0xb3: {  	_ = 	snop  }
0xb4: {  	[tilespmem:s22], [sflag:$0x1] =	stream.indirect.gather [hbm4b:s4+s8], $0x1, s17, s8, $0xb8;
	[tilespmem:$0x1800] =	vst v63  }
0xb5: {  	_ = 	snop  }
0xb6: {  	[tilespmem:s24], [sflag:$0x1] =	stream.indirect.gather [hbm4b:s5+s8], $0x1, s17, s8, $0xb8;
	[tilespmem:$0x1800] =	vst v63  }
0xb7: {  	_ = 	snop  }
0xb8: {  	[tilespmem:s25], [sflag:$0x1] =	stream.indirect.gather [hbm4b:s4+s8], $0x1, s20, s8, $0xb8;
	[tilespmem:$0x1800] =	vst v63  }
0xb9: {  	_ = 	snop  }
0xba: {  	[tilespmem:s26], [sflag:$0x1] =	stream.indirect.gather [hbm4b:s5+s8], $0x1, s20, s8, $0xb8;
	[tilespmem:$0x1800] =	vst v63  }
0xbb: {  	_ = 	snop  }
0xbc: {  	[tilespmem:s28], [sflag:$0x1] =	stream.indirect.gather [hbm4b:s4+s8], $0x1, s23, s8, $0xb8;
	[tilespmem:$0x1800] =	vst v63  }
0xbd: {  	_ = 	snop  }
0xbe: {  	[tilespmem:s31], [sflag:$0x1] =	stream.indirect.gather [hbm4b:s5+s8], $0x1, s23, s8, $0xb8;
	[tilespmem:$0x1800] =	vst v63  }
0xbf: {  	_ =	swait.ge [sflag:s9], $0x80  }
0xc0: {  	[sflag:s9] =	ssyncset.done $0x0  }
0xc1: {  	[sflag:s9] =	ssyncadd.s32 $0xFFFFFF80  }
0xc2: {  	_ =	swait.ge [sflag:s9], $0x80  }
0xc3: {  	[sflag:s9] =	ssyncset.done $0x0  }
0xc4: {  	[sflag:s9] =	ssyncadd.s32 $0xFFFFFF80  }
0xc5: {  	_ =	swait.ge [sflag:s9], $0x80  }
0xc6: {  	[sflag:s9] =	ssyncset.done $0x0  }
0xc7: {  	[sflag:s9] =	ssyncadd.s32 $0xFFFFFF80  }
0xc8: {  	_ =	swait.ge [sflag:s9], $0x80  }
0xc9: {  	[sflag:s9] =	ssyncset.done $0x0  }
0xca: {  	[sflag:s9] =	ssyncadd.s32 $0xFFFFFF80  }
0xcb: {  	_ =	swait.ge [sflag:s9], $0x80  }
0xcc: {  	[sflag:s9] =	ssyncset.done $0x0  }
0xcd: {  	[sflag:s9] =	ssyncadd.s32 $0xFFFFFF80  }
0xce: {  	_ =	swait.ge [sflag:s9], $0x80  }
0xcf: {  	[sflag:s9] =	ssyncset.done $0x0  }
0xd0: {  	[sflag:s9] =	ssyncadd.s32 $0xFFFFFF80  }
0xd1: {  	_ =	swait.ge [sflag:s9], $0x80  }
0xd2: {  	[sflag:s9] =	ssyncset.done $0x0  }
0xd3: {  	[sflag:s9] =	ssyncadd.s32 $0xFFFFFF80  }
0xd4: {  	_ =	swait.ge [sflag:s9], $0x80  }
0xd5: {  	[sflag:s9] =	ssyncset.done $0x0  }
0xd6: {  	[sflag:s9] =	ssyncadd.s32 $0xFFFFFF80  }
0xd7: {  	[tilespmem:s13], [sflag:$0x1] =	stream.indirect.gather [hbm4b:s4+s8], $0x1, s10, s8, $0xb8;
	[tilespmem:$0x1800] =	vst v63  }
0xd8: {  	_ = 	snop  }
0xd9: {  	[tilespmem:s14], [sflag:$0x1] =	stream.indirect.gather [hbm4b:s5+s8], $0x1, s10, s8, $0xb8;
	[tilespmem:$0x1800] =	vst v63  }
0xda: {  	_ = 	snop  }
0xdb: {  	[tilespmem:s15], [sflag:$0x1] =	stream.indirect.gather [hbm4b:s4+s8], $0x1, s11, s8, $0xb8;
	[tilespmem:$0x1800] =	vst v63  }
0xdc: {  	_ = 	snop  }
0xdd: {  	[tilespmem:s18], [sflag:$0x1] =	stream.indirect.gather [hbm4b:s5+s8], $0x1, s11, s8, $0xb8;
	[tilespmem:$0x1800] =	vst v63  }
0xde: {  	_ =	swait.ge [sflag:s9], $0x80  }
0xdf: {  	[sflag:s9] =	ssyncset.done $0x0  }
0xe0: {  	[sflag:s9] =	ssyncadd.s32 $0xFFFFFF80  }
0xe1: {  	_ =	swait.ge [sflag:s9], $0x80  }
0xe2: {  	[sflag:s9] =	ssyncset.done $0x0  }
0xe3: {  	[sflag:s9] =	ssyncadd.s32 $0xFFFFFF80  }
0xe4: {  	_ =	swait.ge [sflag:s9], $0x80  }
0xe5: {  	[sflag:s9] =	ssyncset.done $0x0  }
0xe6: {  	[sflag:s9] =	ssyncadd.s32 $0xFFFFFF80  }
0xe7: {  	_ =	swait.ge [sflag:s9], $0x80  }
0xe8: {  	[sflag:s9] =	ssyncset.done $0x0  }
0xe9: {  	s12 =	rddreg [dreg:$0x4];
	[sflag:s9] =	ssyncadd.s32 $0xFFFFFF80  }
0xea: {  	[hbm4b:s12+s2] =	stream.linear.scatter [tilespmem:s7], [sflag:$0x2], $0x500, $0x38;
	[tilespmem:$0x1800] =	vst v63  }
0xeb: {  	p1 =	sne.s32 s0, $0x1;
	_ =	swait.ge [sflag:s3], $0x500  }
.Ltmp2:
0xec: {  	[sflag:s3] =	ssyncset.done $0x0;
	(pc) =	sbr.rel @p1 .LBB2_4-.Ltmp2, $4  }
0xed: {  	s12 =	rddreg [dreg:$0x5];
	[sflag:s3] =	ssyncadd.s32 $0xFFFFFB00  }
0xee: {  	[hbm4b:s12+s2] =	stream.linear.scatter [tilespmem:s6], [sflag:$0x2], $0x500, $0x38;
	[tilespmem:$0x1800] =	vst v63  }
0xef: {  	_ =	swait.ge [sflag:s3], $0x500  }
0xf0: {  	s0 =	sadd.s32 $0xFFFFFFFF, s0;
	s1 =	rddreg [dreg:$0x3];
	[sflag:s3] =	ssyncset.done $0x0  }
0xf1: {  	s18 =	simm.s32 $0x1180  }
0xf2: {  	s31 =	simm.s32 $0x1380;
	s28 =	simm.s32 $0xB80;
	s26 =	simm.s32 $0x1300  }
0xf3: {  	s25 =	simm.s32 $0xB00;
	s24 =	simm.s32 $0x1280;
	s22 =	simm.s32 $0xA80  }
0xf4: {  	s21 =	simm.s32 $0x1200;
	s19 =	simm.s32 $0xA00;
	s15 =	simm.s32 $0xC80  }
0xf5: {  	s14 =	simm.s32 $0x1400;
	s13 =	simm.s32 $0xC00;
	s12 =	rddreg [dreg:$0x2]  }
.LBB2_6:
0xf6: {  	[sflag:s3] =	ssyncadd.s32 @p0 $0xFFFFFB00  }
0xf7: {  	[tilespmem:s2], [sflag:$0x2] =	stream.linear.gather [hbm4b:s1+s2], $0x800, $0x38;
	[tilespmem:$0x1800] =	vst v63  }
0xf8: {  	_ =	swait.ge [sflag:s3], $0x800  }
0xf9: {  	[sflag:s3] =	ssyncset.done $0x0  }
0xfa: {  	[sflag:s3] =	ssyncadd.s32 $0xFFFFF800  }
0xfb: {  	[tilespmem:s7], [sflag:$0x1] =	stream.indirect.gather [hbm4b:s4+s8], $0x1, s2, s8, $0xb8;
	[tilespmem:$0x1800] =	vst v63  }
0xfc: {  	_ = 	snop  }
0xfd: {  	[tilespmem:s6], [sflag:$0x1] =	stream.indirect.gather [hbm4b:s5+s8], $0x1, s2, s8, $0xb8;
	[tilespmem:$0x1800] =	vst v63  }
0xfe: {  	s0 =	rddreg [dreg:$0x6]  }
0xff: {  	[tilespmem:s0], [sflag:$0x1] =	stream.indirect.gather [hbm4b:s4+s8], $0x1, s8, s8, $0xb8;
	[tilespmem:$0x1800] =	vst v63  }
0x100: {  	s1 =	rddreg [dreg:$0x7]  }
0x101: {  	[tilespmem:s1], [sflag:$0x1] =	stream.indirect.gather [hbm4b:s5+s8], $0x1, s8, s8, $0xb8;
	[tilespmem:$0x1800] =	vst v63  }
0x102: {  	s0 =	rddreg [dreg:$0x8]  }
0x103: {  	[tilespmem:s0], [sflag:$0x1] =	stream.indirect.gather [hbm4b:s4+s8], $0x1, s30, s8, $0xb8;
	[tilespmem:$0x1800] =	vst v63  }
0x104: {  	s1 =	rddreg [dreg:$0x9]  }
0x105: {  	[tilespmem:s1], [sflag:$0x1] =	stream.indirect.gather [hbm4b:s5+s8], $0x1, s30, s8, $0xb8;
	[tilespmem:$0x1800] =	vst v63  }
0x106: {  	s0 =	rddreg [dreg:$0xa]  }
0x107: {  	[tilespmem:s0], [sflag:$0x1] =	stream.indirect.gather [hbm4b:s4+s8], $0x1, s29, s8, $0xb8;
	[tilespmem:$0x1800] =	vst v63  }
0x108: {  	_ = 	snop  }
0x109: {  	[tilespmem:s18], [sflag:$0x1] =	stream.indirect.gather [hbm4b:s5+s8], $0x1, s29, s8, $0xb8;
	[tilespmem:$0x1800] =	vst v63  }
0x10a: {  	_ =	swait.ge [sflag:s9], $0x80  }
0x10b: {  	[sflag:s9] =	ssyncset.done $0x0  }
0x10c: {  	[sflag:s9] =	ssyncadd.s32 $0xFFFFFF80  }
0x10d: {  	_ =	swait.ge [sflag:s9], $0x80  }
0x10e: {  	[sflag:s9] =	ssyncset.done $0x0  }
0x10f: {  	[sflag:s9] =	ssyncadd.s32 $0xFFFFFF80  }
0x110: {  	_ =	swait.ge [sflag:s9], $0x80  }
0x111: {  	[sflag:s9] =	ssyncset.done $0x0  }
0x112: {  	[sflag:s9] =	ssyncadd.s32 $0xFFFFFF80  }
0x113: {  	_ =	swait.ge [sflag:s9], $0x80  }
0x114: {  	[sflag:s9] =	ssyncset.done $0x0  }
0x115: {  	[sflag:s9] =	ssyncadd.s32 $0xFFFFFF80  }
0x116: {  	_ =	swait.ge [sflag:s9], $0x80  }
0x117: {  	[sflag:s9] =	ssyncset.done $0x0  }
0x118: {  	[sflag:s9] =	ssyncadd.s32 $0xFFFFFF80  }
0x119: {  	_ =	swait.ge [sflag:s9], $0x80  }
0x11a: {  	[sflag:s9] =	ssyncset.done $0x0  }
0x11b: {  	[sflag:s9] =	ssyncadd.s32 $0xFFFFFF80  }
0x11c: {  	_ =	swait.ge [sflag:s9], $0x80  }
0x11d: {  	[sflag:s9] =	ssyncset.done $0x0  }
0x11e: {  	[sflag:s9] =	ssyncadd.s32 $0xFFFFFF80  }
0x11f: {  	_ =	swait.ge [sflag:s9], $0x80  }
0x120: {  	[sflag:s9] =	ssyncset.done $0x0  }
0x121: {  	[sflag:s9] =	ssyncadd.s32 $0xFFFFFF80  }
0x122: {  	[tilespmem:s19], [sflag:$0x1] =	stream.indirect.gather [hbm4b:s4+s8], $0x1, s16, s8, $0xb8;
	[tilespmem:$0x1800] =	vst v63  }
0x123: {  	_ = 	snop  }
0x124: {  	[tilespmem:s21], [sflag:$0x1] =	stream.indirect.gather [hbm4b:s5+s8], $0x1, s16, s8, $0xb8;
	[tilespmem:$0x1800] =	vst v63  }
0x125: {  	_ = 	snop  }
0x126: {  	[tilespmem:s22], [sflag:$0x1] =	stream.indirect.gather [hbm4b:s4+s8], $0x1, s17, s8, $0xb8;
	[tilespmem:$0x1800] =	vst v63  }
0x127: {  	_ = 	snop  }
0x128: {  	[tilespmem:s24], [sflag:$0x1] =	stream.indirect.gather [hbm4b:s5+s8], $0x1, s17, s8, $0xb8;
	[tilespmem:$0x1800] =	vst v63  }
0x129: {  	_ = 	snop  }
0x12a: {  	[tilespmem:s25], [sflag:$0x1] =	stream.indirect.gather [hbm4b:s4+s8], $0x1, s20, s8, $0xb8;
	[tilespmem:$0x1800] =	vst v63  }
0x12b: {  	_ = 	snop  }
0x12c: {  	[tilespmem:s26], [sflag:$0x1] =	stream.indirect.gather [hbm4b:s5+s8], $0x1, s20, s8, $0xb8;
	[tilespmem:$0x1800] =	vst v63  }
0x12d: {  	_ = 	snop  }
0x12e: {  	[tilespmem:s28], [sflag:$0x1] =	stream.indirect.gather [hbm4b:s4+s8], $0x1, s23, s8, $0xb8;
	[tilespmem:$0x1800] =	vst v63  }
0x12f: {  	_ = 	snop  }
0x130: {  	[tilespmem:s31], [sflag:$0x1] =	stream.indirect.gather [hbm4b:s5+s8], $0x1, s23, s8, $0xb8;
	[tilespmem:$0x1800] =	vst v63  }
0x131: {  	_ =	swait.ge [sflag:s9], $0x80  }
0x132: {  	[sflag:s9] =	ssyncset.done $0x0  }
0x133: {  	[sflag:s9] =	ssyncadd.s32 $0xFFFFFF80  }
0x134: {  	_ =	swait.ge [sflag:s9], $0x80  }
0x135: {  	[sflag:s9] =	ssyncset.done $0x0  }
0x136: {  	[sflag:s9] =	ssyncadd.s32 $0xFFFFFF80  }
0x137: {  	_ =	swait.ge [sflag:s9], $0x80  }
0x138: {  	[sflag:s9] =	ssyncset.done $0x0  }
0x139: {  	[sflag:s9] =	ssyncadd.s32 $0xFFFFFF80  }
0x13a: {  	_ =	swait.ge [sflag:s9], $0x80  }
0x13b: {  	[sflag:s9] =	ssyncset.done $0x0  }
0x13c: {  	[sflag:s9] =	ssyncadd.s32 $0xFFFFFF80  }
0x13d: {  	_ =	swait.ge [sflag:s9], $0x80  }
0x13e: {  	[sflag:s9] =	ssyncset.done $0x0  }
0x13f: {  	[sflag:s9] =	ssyncadd.s32 $0xFFFFFF80  }
0x140: {  	_ =	swait.ge [sflag:s9], $0x80  }
0x141: {  	[sflag:s9] =	ssyncset.done $0x0  }
0x142: {  	[sflag:s9] =	ssyncadd.s32 $0xFFFFFF80  }
0x143: {  	_ =	swait.ge [sflag:s9], $0x80  }
0x144: {  	[sflag:s9] =	ssyncset.done $0x0  }
0x145: {  	[sflag:s9] =	ssyncadd.s32 $0xFFFFFF80  }
0x146: {  	_ =	swait.ge [sflag:s9], $0x80  }
0x147: {  	[sflag:s9] =	ssyncset.done $0x0  }
0x148: {  	[sflag:s9] =	ssyncadd.s32 $0xFFFFFF80  }
0x149: {  	[tilespmem:s13], [sflag:$0x1] =	stream.indirect.gather [hbm4b:s4+s8], $0x1, s10, s8, $0xb8;
	[tilespmem:$0x1800] =	vst v63  }
0x14a: {  	_ = 	snop  }
0x14b: {  	[tilespmem:s14], [sflag:$0x1] =	stream.indirect.gather [hbm4b:s5+s8], $0x1, s10, s8, $0xb8;
	[tilespmem:$0x1800] =	vst v63  }
0x14c: {  	_ = 	snop  }
0x14d: {  	[tilespmem:s15], [sflag:$0x1] =	stream.indirect.gather [hbm4b:s4+s8], $0x1, s11, s8, $0xb8;
	[tilespmem:$0x1800] =	vst v63  }
0x14e: {  	s28 =	simm.s32 $0x1480  }
0x14f: {  	[tilespmem:s28], [sflag:$0x1] =	stream.indirect.gather [hbm4b:s5+s8], $0x1, s11, s8, $0xb8;
	[tilespmem:$0x1800] =	vst v63  }
0x150: {  	_ =	swait.ge [sflag:s9], $0x80  }
0x151: {  	[sflag:s9] =	ssyncset.done $0x0  }
0x152: {  	[sflag:s9] =	ssyncadd.s32 $0xFFFFFF80  }
0x153: {  	_ =	swait.ge [sflag:s9], $0x80  }
0x154: {  	[sflag:s9] =	ssyncset.done $0x0  }
0x155: {  	[sflag:s9] =	ssyncadd.s32 $0xFFFFFF80  }
0x156: {  	_ =	swait.ge [sflag:s9], $0x80  }
0x157: {  	[sflag:s9] =	ssyncset.done $0x0  }
0x158: {  	[sflag:s9] =	ssyncadd.s32 $0xFFFFFF80  }
0x159: {  	_ =	swait.ge [sflag:s9], $0x80  }
0x15a: {  	[sflag:s9] =	ssyncset.done $0x0  }
0x15b: {  	s29 =	rddreg [dreg:$0x4];
	[sflag:s9] =	ssyncadd.s32 $0xFFFFFF80  }
0x15c: {  	[hbm4b:s29+s2] =	stream.linear.scatter [tilespmem:s7], [sflag:$0x2], $0x500, $0x38;
	[tilespmem:$0x1800] =	vst v63  }
0x15d: {  	_ =	swait.ge [sflag:s3], $0x500  }
0x15e: {  	[sflag:s3] =	ssyncset.done $0x0  }
0x15f: {  	s30 =	rddreg [dreg:$0x5];
	[sflag:s3] =	ssyncadd.s32 $0xFFFFFB00  }
0x160: {  	[hbm4b:s30+s2] =	stream.linear.scatter [tilespmem:s6], [sflag:$0x2], $0x500, $0x38;
	[tilespmem:$0x1800] =	vst v63  }
0x161: {  	_ =	swait.ge [sflag:s3], $0x500  }
0x162: {  	[sflag:s3] =	ssyncset.done $0x0  }
0x163: {  	[sflag:s3] =	ssyncadd.s32 $0xFFFFFB00  }
0x164: {  	_ =	sfence.sel $0x180000  }
0x165: {  	s31 =	stileid.u32;
	[bflag:$0x0] =	sbarrier.arrive $0xFFFF  }
0x166: {  	p0 =	sne.s32 s31, $0x0;
	_ =	strace $0x90000050  }
0x167: {  	s0 =	sadd.s32 @!p0 $0x100000, s12;
	[bflag:$0x2] =	sbarrier.arrive $0xFFFF  }
0x168: {  	[sflag:s0] =	ssyncadd.tile.s32 @!p0 $0x1;
	_ =	shalt  }
.LBB2_1:
.Ltmp3:
0x169: {  	(pc) =	sbr.rel .LBB2_6-.Ltmp3, $4  }
0x16a: {  	s18 =	simm.s32 $0x1180;
	s31 =	simm.s32 $0x1380;
	s28 =	simm.s32 $0xB80  }
0x16b: {  	s26 =	simm.s32 $0x1300;
	s25 =	simm.s32 $0xB00;
	s24 =	simm.s32 $0x1280  }
0x16c: {  	s22 =	simm.s32 $0xA80;
	s21 =	simm.s32 $0x1200;
	s19 =	simm.s32 $0xA00  }
0x16d: {  	s15 =	simm.s32 $0xC80;
	s14 =	simm.s32 $0x1400;
	s13 =	simm.s32 $0xC00  }
.LBB2_3:
.Ltmp4:
0x16e: {  	s18 =	simm.s32 $0x1180;
	(pc) =	sbr.rel .LBB2_6-.Ltmp4, $4  }
0x16f: {  	s31 =	simm.s32 $0x1380;
	s28 =	simm.s32 $0xB80;
	s26 =	simm.s32 $0x1300  }
0x170: {  	s25 =	simm.s32 $0xB00;
	s24 =	simm.s32 $0x1280;
	s22 =	simm.s32 $0xA80  }
0x171: {  	s21 =	simm.s32 $0x1200;
	s19 =	simm.s32 $0xA00;
	s15 =	simm.s32 $0xC80  }
0x172: {  	s14 =	simm.s32 $0x1400;
	s13 =	simm.s32 $0xC00;
	s12 =	rddreg [dreg:$0x2]  }
.Lfunc_end2:
_tile_overlayer_lowered:
.L_overlay_start_2:
0x173: {  	(tag) =	ssettag $0x2  }
0x174: {  	s0 =	rddreg [dreg:$0x0];
	s2 =	stileid.u32  }
0x175: {  	s1 =	rddreg [dreg:$0x1];
	p0 =	sne.s32 s2, $0x0  }
0x176: {  	s3 =	rddreg [dreg:$0x2];
	[bflag:$0x3] =	sbarrier.arrive $0xFFFF;
	s2 =	simm.s32 @!p0 $0x1C02  }
0x177: {  	[timem:s3], [sflag:s2] =	dma.local @!p0 [hbm:s0], s1  }
0x178: {  	s0 =	simm.s32 @!p0 $0x2  }
0x179: {  	_ =	swait.ge @!p0 [sflag:s0], s1  }
0x17a: {  	s1 =	ssub.s32 @!p0 $0x0, s1;
	[sflag:s0] =	ssyncset.done @!p0 $0x0  }
0x17b: {  	[sflag:s0] =	ssyncadd.s32 @!p0 s1  }
0x17c: {  	[bflag:$0x3] =	sbarrier.arrive $0xFFFF  }
0x17d: {  	_ =	shalt  }

// kernel: kernel.8.cloned.1.call-start
scs
__scs_entry_jumppad:
0x0: {  	(pc) =	sbr.rel $0x88, $3  }
0x1: {  	(tag) =	ssettag $0x0;
	lr =	simm.s32 $0x1  }
0x2: {  	[smem:$0x3F9D] =	sst lr;
	_ =	strace $0xD0000000  }
0x3: {  	_ = 	snop  }
0x4: {  	_ = 	snop  }
0x5: {  	_ = 	snop  }
0x6: {  	_ = 	snop  }
0x7: {  	_ = 	snop  }
__scs_overlays_trampoline_lowered:
0x8: {  	[smem:$0x3FAC] =	sst s0  }
0x9: {  	[smem:$0x3FAD] =	sst s1  }
0xa: {  	[smem:$0x3FAE] =	sst s2  }
0xb: {  	[smem:$0x3FAF] =	sst s3  }
0xc: {  	[smem:$0x3FB0] =	sst s4  }
0xd: {  	[smem:$0x3FB1] =	sst s5  }
0xe: {  	[smem:$0x3FB2] =	sst s6  }
0xf: {  	[smem:$0x3FB3] =	sst s7  }
0x10: {  	[smem:$0x3FB4] =	sst s8  }
0x11: {  	[smem:$0x3FB5] =	sst s9;
	s0 =	simm.s32 @!p0 $0x0  }
0x12: {  	s1 =	sld [smem:$0x3F9B];
	s0 =	simm.s32 @p0 $0x1  }
0x13: {  	[smem:$0x3FB6] =	sst s0;
	s0 =	simm.s32 @!p1 $0x0  }
0x14: {  	s2 =	sld [smem:$0x3F9A];
	s0 =	simm.s32 @p1 $0x1  }
0x15: {  	[smem:$0x3FB7] =	sst s0;
	s0 =	simm.s32 @!p2 $0x0  }
0x16: {  	s3 =	sld [smem:$0x3FDB];
	s0 =	simm.s32 @p2 $0x1  }
0x17: {  	s4 =	simm.s32 $0x1BF5;
	[smem:$0x3FB9] =	sst s0  }
0x18: {  	s0 =	sld [smem:$0x3F9C];
	_ =	swait.ge [sflag:s4], $0x0  }
0x19: {  	s7 =	sld [smem:$0x3F9D]  }
0x1a: {  	s8 =	sadd.s32 $0xFFFFE003, lr  }
0x1b: {  	s9 =	sadd.s32 $0xFFFFFEF7, lr;
	s5 =	simm.s32 $0xFFFFFFFF;
	p2 =	slt.u32 s8, $0xFFFFF086  }
0x1c: {  	p1 =	slt.u32 s9, $0xF7A;
	s5 =	simm.s32 @!p2 $0x0  }
0x1d: {  	s5 =	simm.s32 @p1 $0x1;
	p0 =	seq.s32 s7, s2  }
0x1e: {  	s7 =	smul.u32 @!p0 $0xF7A, s2;
	p2 =	seq.s32 @!p0 s5, $0x0  }
0x1f: {  	s9 =	smul.u32 $0xF7A, s1;
	s8 =	simm.s32 @!p0 $0x1BF5;
	p2 =	por !p2, p0  }
0x20: {  	[sflag:s8] =	ssyncset.s32 @!p0 $0xFFFFF086;
	s6 =	sadd.s32 @!p0 s3, s7;
	s7 =	simm.s32 @!p0 $0x108  }
0x21: {  	s3 =	sadd.s32 s3, s9;
	s6 =	sadd.s32 @!p0 $0x88, s6;
	s7 =	simm.s32 @p2 $0x1082  }
0x22: {  	[simem:s7], [sflag:s8] =	dma.local @!p0 [hbm:s6], $0xF7A  }
0x23: {  	s9 =	sor.u32 $0xD0000000, s2;
	s6 =	simm.s32 $0x108;
	_ =	swait.ge @!p0 [sflag:s8], $0x0  }
0x24: {  	s3 =	sadd.s32 $0x88, s3;
	s6 =	simm.s32 @!p1 $0x1082;
	[sflag:s4] =	ssyncset.s32 $0xFFFFF086  }
0x25: {  	[simem:s6], [sflag:s4] =	dma.local [hbm:s3], $0xF7A  }
0x26: {  	[smem:$0x3F9D] =	sst s1;
	(tag) =	ssettag s2;
	_ =	strace s9  }
0x27: {  	s1 =	sld [smem:$0x3FAD]  }
0x28: {  	s2 =	sld [smem:$0x3FAE]  }
0x29: {  	s4 =	sld [smem:$0x3FB0]  }
0x2a: {  	p0 =	seq.s32 s5, $0x0;
	s5 =	sld [smem:$0x3FB1]  }
0x2b: {  	s6 =	sld [smem:$0x3FB2]  }
0x2c: {  	s7 =	sld [smem:$0x3FB3]  }
0x2d: {  	s3 =	simm.s32 $0x108;
	s8 =	sld [smem:$0x3FB4]  }
0x2e: {  	s3 =	simm.s32 @!p0 $0x1082;
	s9 =	sld [smem:$0x3FB5]  }
0x2f: {  	lr =	sadd.s32 s0, s3;
	s0 =	sld [smem:$0x3FAC]  }
0x30: {  	s3 =	sld [smem:$0x3FAF]  }
0x31: {  	[smem:$0x3FB8] =	sst s10  }
0x32: {  	s10 =	sld [smem:$0x3FB6];
	_ =	sdelay $0x3  }
0x33: {  	p0 =	seq.s32 s10, $0x1;
	s10 =	sld [smem:$0x3FB8];
	_ =	sdelay $0x3  }
0x34: {  	[smem:$0x3FB8] =	sst s10  }
0x35: {  	s10 =	sld [smem:$0x3FB7];
	_ =	sdelay $0x3  }
0x36: {  	p1 =	seq.s32 s10, $0x1;
	s10 =	sld [smem:$0x3FB8];
	_ =	sdelay $0x3  }
0x37: {  	[smem:$0x3FB8] =	sst s10  }
0x38: {  	s10 =	sld [smem:$0x3FB9]  }
0x39: {  	_ = 	snop;
	(pc) =	sbr.ind lr, $3  }
0x3a: {  	_ = 	snop  }
0x3b: {  	_ = 	snop  }
0x3c: {  	p2 =	seq.s32 s10, $0x1;
	s10 =	sld [smem:$0x3FB8]  }
0x3d: {  	_ =	shalt  }
0x3e: {  	_ =	shalt  }
0x3f: {  	_ =	shalt  }
0x40: {  	_ =	shalt  }
0x41: {  	_ =	shalt  }
0x42: {  	_ =	shalt  }
0x43: {  	_ =	shalt  }
0x44: {  	_ =	shalt  }
0x45: {  	_ =	shalt  }
0x46: {  	_ =	shalt  }
0x47: {  	_ =	shalt  }
0x48: {  	_ =	shalt  }
0x49: {  	_ =	shalt  }
0x4a: {  	_ =	shalt  }
0x4b: {  	_ =	shalt  }
0x4c: {  	_ =	shalt  }
0x4d: {  	_ =	shalt  }
0x4e: {  	_ =	shalt  }
0x4f: {  	_ =	shalt  }
0x50: {  	_ =	shalt  }
0x51: {  	_ =	shalt  }
0x52: {  	_ =	shalt  }
0x53: {  	_ =	shalt  }
0x54: {  	_ =	shalt  }
0x55: {  	_ =	shalt  }
0x56: {  	_ =	shalt  }
0x57: {  	_ =	shalt  }
0x58: {  	_ =	shalt  }
0x59: {  	_ =	shalt  }
0x5a: {  	_ =	shalt  }
0x5b: {  	_ =	shalt  }
0x5c: {  	_ =	shalt  }
0x5d: {  	_ =	shalt  }
0x5e: {  	_ =	shalt  }
0x5f: {  	_ =	shalt  }
0x60: {  	_ =	shalt  }
0x61: {  	_ =	shalt  }
0x62: {  	_ =	shalt  }
0x63: {  	_ =	shalt  }
0x64: {  	_ =	shalt  }
0x65: {  	_ =	shalt  }
0x66: {  	_ =	shalt  }
0x67: {  	_ =	shalt  }
0x68: {  	_ =	shalt  }
0x69: {  	_ =	shalt  }
0x6a: {  	_ =	shalt  }
0x6b: {  	_ =	shalt  }
0x6c: {  	_ =	shalt  }
0x6d: {  	_ =	shalt  }
0x6e: {  	_ =	shalt  }
0x6f: {  	_ =	shalt  }
0x70: {  	_ =	shalt  }
0x71: {  	_ =	shalt  }
0x72: {  	_ =	shalt  }
0x73: {  	_ =	shalt  }
0x74: {  	_ =	shalt  }
0x75: {  	_ =	shalt  }
0x76: {  	_ =	shalt  }
0x77: {  	_ =	shalt  }
0x78: {  	_ =	shalt  }
0x79: {  	_ =	shalt  }
0x7a: {  	_ =	shalt  }
0x7b: {  	_ =	shalt  }
0x7c: {  	_ =	shalt  }
0x7d: {  	_ =	shalt  }
0x7e: {  	_ =	shalt  }
0x7f: {  	_ =	shalt  }
0x80: {  	_ =	shalt  }
0x81: {  	_ =	shalt  }
0x82: {  	_ =	shalt  }
0x83: {  	_ =	shalt  }
0x84: {  	_ =	shalt  }
0x85: {  	_ =	shalt  }
0x86: {  	_ =	shalt  }
0x87: {  	_ =	shalt  }
.Lfunc_end0:
.L_simem_size_0:
called_computation.1_lowered:
.L_overlay_start_0:
0x88: {  	s2 =	sld [smem:$0x3FD9]  }
0x89: {  	s3 =	sld [smem:$0x3FFE];
	_ =	sdelay $0x1  }
0x8a: {  	s1 =	srdreg.scid  }
0x8b: {  	s0 =	sand.u32 $0x1, s1  }
0x8c: {  	s14 =	sshll.u32 s0, $0xA;
	s2 =	sadd.s32 s3, s2  }
0x8d: {  	s2 =	sadd.s32 s2, s14  }
0x8e: {  	[smem:$0x3FC4] =	sst s2  }
0x8f: {  	_ = 	snop  }
0x90: {  	s2 =	sld [smem:$0x3FD0];
	_ =	sdelay $0x2  }
0x91: {  	s15 =	simm.s32 $0xA;
	s4 =	simm.s32 $0x10  }
0x92: {  	[smem:s4], [sflag:s15] =	dma.local [hbm:s2], $0x1  }
0x93: {  	_ =	swait.eq [sflag:s15], $0x1  }
0x94: {  	[sflag:s15] =	ssyncset.done $0x0  }
0x95: {  	[sflag:s15] =	ssyncadd.s32 $0xFFFFFFFF  }
0x96: {  	s16 =	sld [smem:$0x10];
	(tm) =	ssettm $0x1  }
0x97: {  	s17 =	sld [smem:$0x3FFB];
	_ =	sdelay $0x3  }
0x98: {  	_ =	strace s17  }
0x99: {  	s3 =	sld [smem:$0x3FFC];
	_ =	sdelay $0x3  }
0x9a: {  	_ =	strace s3  }
0x9b: {  	s3 =	sld [smem:$0x3FFD];
	_ =	sdelay $0x3  }
0x9c: {  	_ =	strace s3  }
0x9d: {  	_ =	strace $0x8FFFFFFF  }
0x9e: {  	s18 =	sld [smem:$0x3FDB];
	_ =	sdelay $0x1  }
0x9f: {  	s19 =	simm.s32 $_scs_section_size  }
0xa0: {  	s5 =	simm.s32 $_size__tile_overlayer_lowered;
	s6 =	simm.s32 $_tile_overlayer_lowered  }
0xa1: {  	s22 =	simm.s32 $0x1BFF;
	s21 =	sshll.u32 s6, $0x1;
	s3 =	sadd.s32 s19, s18  }
0xa2: {  	s7 =	simm.s32 $0x0;
	s20 =	sshll.u32 s5, $0x1;
	s5 =	sadd.s32 s21, s3  }
0xa3: {  	[timem:s7], [sflag:s22] =	dma.local [hbm:s5], s20  }
0xa4: {  	_ =	swait.ge [sflag:s22], s20  }
0xa5: {  	s4 =	ssub.s32 $0x0, s20;
	[sflag:s22] =	ssyncset.done $0x0  }
0xa6: {  	[sflag:s22] =	ssyncadd.s32 s4;
	_ =	sdelay $0x1  }
0xa7: {  	s23 =	simm.s32 $0x1B8B  }
0xa8: {  	_ =	swait.ge [sflag:s23], $0x1  }
0xa9: {  	[sflag:s23] =	ssyncset.done $0x0  }
0xaa: {  	s25 =	simm.s32 $0x1B8E;
	s24 =	sld [smem:$0x3FFE];
	[sflag:s23] =	ssyncadd.s32 $0xFFFFFFFF  }
0xab: {  	s26 =	simm.s32 $execute0_lowered;
	[smem:$0x3FD2] =	sst s25  }
0xac: {  	s5 =	sshll.u32 s26, $0x1;
	_ =	strace $0x80000049;
	[dreg:$0x1] =	wrdreg $0xFFFFFFFF  }
0xad: {  	s28 =	simm.s32 $_size_execute0_lowered;
	s3 =	sadd.s32 s3, s5;
	[dreg:$0x0] =	wrdreg $0x0  }
0xae: {  	s5 =	sshll.u32 s28, $0x1;
	[dreg:$0x2] =	wrdreg s3  }
0xaf: {  	[dreg:$0x3] =	wrdreg s5  }
0xb0: {  	[dreg:$0x4] =	wrdreg $0xC0  }
0xb1: {  	_ =	task [dreg:s7], $0x5FFFF  }
0xb2: {  	[dreg:$0x1] =	wrdreg $0xFFFFFFFF  }
0xb3: {  	[dreg:$0x0] =	wrdreg $0x60  }
0xb4: {  	[dreg:$0x2] =	wrdreg s24  }
0xb5: {  	[dreg:$0x3] =	wrdreg s16  }
0xb6: {  	[dreg:$0x4] =	wrdreg $0x9  }
0xb7: {  	_ =	task.clear_ibuf [dreg:s7], $0x5FFFF;
	_ =	strace $0x90000049  }
0xb8: {  	s29 =	simm.s32 $0x9;
	_ =	strace $0x8000004B  }
0xb9: {  	_ =	swait.ge [sflag:s29], $0x1  }
0xba: {  	[sflag:s29] =	ssyncadd.s32 $0xFFFFFFFF  }
0xbb: {  	_ =	strace $0x9000004B  }
0xbc: {  	_ =	sfence  }
0xbd: {  	s30 =	sld [smem:$0x0];
	_ =	sdelay $0x2  }
0xbe: {  	s31 =	sshll.u32 s1, $0xD;
	s1 =	sshrl.u32 s1, $0x2  }
0xbf: {  	s3 =	sand.u32 $0x4000, s31;
	s1 =	sadd.s32 s1, s30  }
0xc0: {  	s0 =	sor.u32 s3, s0;
	s1 =	sshll.u32 s1, $0x11  }
0xc1: {  	s0 =	sor.u32 s1, s0  }
0xc2: {  	s0 =	sadd.s32 $0x8F2B, s0  }
0xc3: {  	[sflag:s0] =	ssyncadd.remote.s32 $0x1  }
0xc4: {  	_ =	sfence.sel $0xFFFF  }
0xc5: {  	[dreg:$0x0] =	wrdreg $0xFFFFFFFF;
	(pc) =	sbr.abs _section_cstart, $3  }
0xc6: {  	[dreg:$0x1] =	wrdreg $0xFFFFFFFF  }
0xc7: {  	_ =	task.clear_ibuf [dreg:s7], $0x2FFFF;
	_ =	strace $0x9FFFFFFF  }
0xc8: {  	(tm) =	ssettm $0x7FFFFFFF  }
0xc9: {  	_ =	shalt  }
tec
execute0_lowered:
.L_overlay_start_1:
0x0: {  	(tag) =	ssettag $0x1  }
0x1: {  	s1 =	rddreg [dreg:$0x0]  }
0x2: {  	s0 =	rddreg [dreg:$0x1]  }
0x3: {  	s3 =	simm.s32 $0x0;
	s2 =	srdreg.scid;
	s4 =	stileid.u32  }
0x4: {  	s8 =	simm.s32 $0x2;
	s10 =	simm.s32 $0x80;
	s12 =	simm.s32 $0x4800  }
0x5: {  	s30 =	simm.s32 $0x4480;
	s31 =	simm.s32 $0x4C80;
	s9 =	simm.s32 $0x4580  }
0x6: {  	s11 =	simm.s32 $0x4D80;
	s13 =	simm.s32 $0x4600;
	s14 =	simm.s32 $0x4E00  }
0x7: {  	s15 =	simm.s32 $0x4680;
	s16 =	simm.s32 $0x4E80;
	s17 =	simm.s32 $0x4700  }
0x8: {  	s18 =	simm.s32 $0x4F00;
	s19 =	simm.s32 $0x4780;
	s20 =	simm.s32 $0x4F80  }
0x9: {  	s21 =	simm.s32 $0x1;
	s2 =	sand.u32 $0x1, s2;
	s4 =	sshll.u32 s4, $0x1  }
0xa: {  	s22 =	simm.s32 $0x0;
	[smem:$0x7FF] =	sst s3;
	s6 =	sor.u32 s2, s4  }
0xb: {  	_ =	strace $0x8000004A;
	s2 =	ssub.s32 $0x2, s2;
	s4 =	sshll.u32 s6, $0xB  }
0xc: {  	s5 =	sshll.u32 s6, $0x4;
	s7 =	sshrl.u32 s2, $0x1;
	s6 =	sshll.u32 s6, $0x8  }
0xd: {  	s4 =	sadd.s32 s4, s1;
	s5 =	sadd.s32 s5, s1;
	s2 =	ssub.s32 s2, s7  }
0xe: {  	s6 =	sadd.s32 s0, s6;
	s0 =	simm.s32 $0x4500;
	s4 =	sadd.s32 $0x200000, s4  }
0xf: {  	s5 =	sadd.s32 $0x210000, s5;
	s7 =	smax.u32 s2, $0x1;
	s2 =	simm.s32 $0x4D00  }
.LBB2_1:
0x10: {  	[tilespmem:s3], [sflag:$0x2] =	stream.linear.gather [hbm4b:s4+s3], $0x4000, $0x38;
	[tilespmem:$0x5080] =	vst v63  }
0x11: {  	_ =	swait.ge [sflag:s8], $0x4000  }
0x12: {  	[sflag:s8] =	ssyncset.done $0x0  }
0x13: {  	s23 =	simm.s32 $0x5000;
	[sflag:s8] =	ssyncadd.s32 $0xFFFFC000  }
0x14: {  	[tilespmem:s23], [sflag:$0x2] =	stream.linear.gather [hbm4b:s5+s3], $0x80, $0x38;
	[tilespmem:$0x5080] =	vst v63  }
0x15: {  	_ =	swait.ge [sflag:s8], $0x80  }
0x16: {  	[sflag:s8] =	ssyncset.done $0x0  }
0x17: {  	[sflag:s8] =	ssyncadd.s32 $0xFFFFFF80  }
0x18: {  	v0 =	vld [tilespmem:$0x5000]  }
0x19: {  	v1 =	vld [tilespmem:s3+$0x0];
	_ =	sdelay $0x3  }
0x1a: {  	s29 =	sand.u32 $0x1E00, s3;
	v0 =	vshll.u32 v0, $0x13  }
0x1b: {  	s24 =	sand.u32 $0x70, s3;
	s23 =	sshrl.u32 s29, $0x2;
	vm0 =	vlt.s32 v1, $0x1000;
	v1 =	vadd.s32 v0, v1  }
0x1c: {  	s23 =	sor.u32 s24, s23;
	v1 =	vnsel vm0, $0x0, v1  }
0x1d: {  	[tilespmem:s23+$0x4000] =	vst v1;
	s23 =	simm.s32 $0x80  }
0x1e: {  	s26 =	simm.s32 $0x40;
	s25 =	simm.s32 $0x80;
	s24 =	simm.s32 $0x0;
	v1 =	vld [tilespmem:s23+$0x0]  }
.LBB2_2:
0x1f: {  	p0 =	sne.s32 s25, $0x1FC0;
	_ =	sdelay $0x2  }
.Ltmp0:
0x20: {  	s26 =	sand.u32 $0x1E00, s26;
	v0 =	vadd.s32 $0x1000, v0;
	s24 =	sadd.s32 $0x10, s24;
	(pc) =	sbr.rel @p0 .LBB2_2-.Ltmp0, $4  }
0x21: {  	s28 =	sand.u32 $0x70, s24;
	s29 =	sshrl.u32 s26, $0x2;
	s26 =	smov.u32 s25;
	vm0 =	vlt.s32 v1, $0x1000;
	v1 =	vadd.s32 v0, v1  }
0x22: {  	s28 =	sor.u32 s28, s29;
	v1 =	vnsel vm0, $0x0, v1  }
0x23: {  	s23 =	sadd.s32 $0x80, s23;
	[tilespmem:s28+$0x4000] =	vst v1  }
0x24: {  	s25 =	sadd.s32 $0x40, s25;
	v1 =	vld [tilespmem:s23+$0x0]  }
0x25: {  	_ =	sdelay $0x2  }
0x26: {  	s23 =	sand.u32 $0x1E00, s26;
	v0 =	vadd.s32 $0x1000, v0;
	s24 =	sadd.s32 $0x10, s24  }
0x27: {  	s24 =	sand.u32 $0x70, s24;
	s23 =	sshrl.u32 s23, $0x2;
	vm0 =	vlt.s32 v1, $0x1000;
	v0 =	vadd.s32 v0, v1  }
0x28: {  	s23 =	sor.u32 s24, s23;
	v0 =	vnsel vm0, $0x0, v0  }
0x29: {  	s24 =	simm.s32 $0x4000;
	[tilespmem:s23+$0x4000] =	vst v0  }
0x2a: {  	[tilespmem:s12], [sflag:$0x1] =	stream.indirect.gather [hbm4b:s1+s10], $0x1, s24, s10, $0xb8;
	[tilespmem:$0x5080] =	vst v63  }
0x2b: {  	s25 =	simm.s32 $0x4080;
	s26 =	simm.s32 $0x4880  }
0x2c: {  	[tilespmem:s26], [sflag:$0x1] =	stream.indirect.gather [hbm4b:s1+s10], $0x1, s25, s10, $0xb8;
	[tilespmem:$0x5080] =	vst v63  }
0x2d: {  	s28 =	simm.s32 $0x4100;
	s29 =	simm.s32 $0x4900  }
0x2e: {  	[tilespmem:s29], [sflag:$0x1] =	stream.indirect.gather [hbm4b:s1+s10], $0x1, s28, s10, $0xb8;
	[tilespmem:$0x5080] =	vst v63  }
0x2f: {  	s25 =	simm.s32 $0x4180;
	s26 =	simm.s32 $0x4980  }
0x30: {  	[tilespmem:s26], [sflag:$0x1] =	stream.indirect.gather [hbm4b:s1+s10], $0x1, s25, s10, $0xb8;
	[tilespmem:$0x5080] =	vst v63  }
0x31: {  	s28 =	simm.s32 $0x4200;
	s29 =	simm.s32 $0x4A00  }
0x32: {  	[tilespmem:s29], [sflag:$0x1] =	stream.indirect.gather [hbm4b:s1+s10], $0x1, s28, s10, $0xb8;
	[tilespmem:$0x5080] =	vst v63  }
0x33: {  	s25 =	simm.s32 $0x4280;
	s26 =	simm.s32 $0x4A80  }
0x34: {  	[tilespmem:s26], [sflag:$0x1] =	stream.indirect.gather [hbm4b:s1+s10], $0x1, s25, s10, $0xb8;
	[tilespmem:$0x5080] =	vst v63  }
0x35: {  	s28 =	simm.s32 $0x4300;
	s29 =	simm.s32 $0x4B00  }
0x36: {  	[tilespmem:s29], [sflag:$0x1] =	stream.indirect.gather [hbm4b:s1+s10], $0x1, s28, s10, $0xb8;
	[tilespmem:$0x5080] =	vst v63  }
0x37: {  	s25 =	simm.s32 $0x4380;
	s26 =	simm.s32 $0x4B80  }
0x38: {  	[tilespmem:s26], [sflag:$0x1] =	stream.indirect.gather [hbm4b:s1+s10], $0x1, s25, s10, $0xb8;
	[tilespmem:$0x5080] =	vst v63  }
0x39: {  	s28 =	simm.s32 $0x4400;
	s29 =	simm.s32 $0x4C00  }
0x3a: {  	[tilespmem:s29], [sflag:$0x1] =	stream.indirect.gather [hbm4b:s1+s10], $0x1, s28, s10, $0xb8;
	[tilespmem:$0x5080] =	vst v63  }
0x3b: {  	_ = 	snop  }
0x3c: {  	[tilespmem:s31], [sflag:$0x1] =	stream.indirect.gather [hbm4b:s1+s10], $0x1, s30, s10, $0xb8;
	[tilespmem:$0x5080] =	vst v63  }
0x3d: {  	_ = 	snop  }
0x3e: {  	[tilespmem:s2], [sflag:$0x1] =	stream.indirect.gather [hbm4b:s1+s10], $0x1, s0, s10, $0xb8;
	[tilespmem:$0x5080] =	vst v63  }
0x3f: {  	_ = 	snop  }
0x40: {  	[tilespmem:s11], [sflag:$0x1] =	stream.indirect.gather [hbm4b:s1+s10], $0x1, s9, s10, $0xb8;
	[tilespmem:$0x5080] =	vst v63  }
0x41: {  	_ = 	snop  }
0x42: {  	[tilespmem:s14], [sflag:$0x1] =	stream.indirect.gather [hbm4b:s1+s10], $0x1, s13, s10, $0xb8;
	[tilespmem:$0x5080] =	vst v63  }
0x43: {  	_ = 	snop  }
0x44: {  	[tilespmem:s16], [sflag:$0x1] =	stream.indirect.gather [hbm4b:s1+s10], $0x1, s15, s10, $0xb8;
	[tilespmem:$0x5080] =	vst v63  }
0x45: {  	_ = 	snop  }
0x46: {  	[tilespmem:s18], [sflag:$0x1] =	stream.indirect.gather [hbm4b:s1+s10], $0x1, s17, s10, $0xb8;
	[tilespmem:$0x5080] =	vst v63  }
0x47: {  	_ = 	snop  }
0x48: {  	[tilespmem:s20], [sflag:$0x1] =	stream.indirect.gather [hbm4b:s1+s10], $0x1, s19, s10, $0xb8;
	[tilespmem:$0x5080] =	vst v63  }
0x49: {  	_ =	swait.ge [sflag:s21], $0x80  }
0x4a: {  	[sflag:s21] =	ssyncset.done $0x0  }
0x4b: {  	[sflag:s21] =	ssyncadd.s32 $0xFFFFFF80  }
0x4c: {  	_ =	swait.ge [sflag:s21], $0x80  }
0x4d: {  	[sflag:s21] =	ssyncset.done $0x0  }
0x4e: {  	[sflag:s21] =	ssyncadd.s32 $0xFFFFFF80  }
0x4f: {  	_ =	swait.ge [sflag:s21], $0x80  }
0x50: {  	[sflag:s21] =	ssyncset.done $0x0  }
0x51: {  	[sflag:s21] =	ssyncadd.s32 $0xFFFFFF80  }
0x52: {  	_ =	swait.ge [sflag:s21], $0x80  }
0x53: {  	[sflag:s21] =	ssyncset.done $0x0  }
0x54: {  	[sflag:s21] =	ssyncadd.s32 $0xFFFFFF80  }
0x55: {  	_ =	swait.ge [sflag:s21], $0x80  }
0x56: {  	[sflag:s21] =	ssyncset.done $0x0  }
0x57: {  	[sflag:s21] =	ssyncadd.s32 $0xFFFFFF80  }
0x58: {  	_ =	swait.ge [sflag:s21], $0x80  }
0x59: {  	[sflag:s21] =	ssyncset.done $0x0  }
0x5a: {  	[sflag:s21] =	ssyncadd.s32 $0xFFFFFF80  }
0x5b: {  	_ =	swait.ge [sflag:s21], $0x80  }
0x5c: {  	[sflag:s21] =	ssyncset.done $0x0  }
0x5d: {  	[sflag:s21] =	ssyncadd.s32 $0xFFFFFF80  }
0x5e: {  	_ =	swait.ge [sflag:s21], $0x80  }
0x5f: {  	[sflag:s21] =	ssyncset.done $0x0  }
0x60: {  	[sflag:s21] =	ssyncadd.s32 $0xFFFFFF80  }
0x61: {  	_ =	swait.ge [sflag:s21], $0x80  }
0x62: {  	[sflag:s21] =	ssyncset.done $0x0  }
0x63: {  	[sflag:s21] =	ssyncadd.s32 $0xFFFFFF80  }
0x64: {  	_ =	swait.ge [sflag:s21], $0x80  }
0x65: {  	[sflag:s21] =	ssyncset.done $0x0  }
0x66: {  	[sflag:s21] =	ssyncadd.s32 $0xFFFFFF80  }
0x67: {  	_ =	swait.ge [sflag:s21], $0x80  }
0x68: {  	[sflag:s21] =	ssyncset.done $0x0  }
0x69: {  	[sflag:s21] =	ssyncadd.s32 $0xFFFFFF80  }
0x6a: {  	_ =	swait.ge [sflag:s21], $0x80  }
0x6b: {  	[sflag:s21] =	ssyncset.done $0x0  }
0x6c: {  	[sflag:s21] =	ssyncadd.s32 $0xFFFFFF80  }
0x6d: {  	_ =	swait.ge [sflag:s21], $0x80  }
0x6e: {  	[sflag:s21] =	ssyncset.done $0x0  }
0x6f: {  	[sflag:s21] =	ssyncadd.s32 $0xFFFFFF80  }
0x70: {  	_ =	swait.ge [sflag:s21], $0x80  }
0x71: {  	[sflag:s21] =	ssyncset.done $0x0  }
0x72: {  	[sflag:s21] =	ssyncadd.s32 $0xFFFFFF80  }
0x73: {  	_ =	swait.ge [sflag:s21], $0x80  }
0x74: {  	[sflag:s21] =	ssyncset.done $0x0  }
0x75: {  	[sflag:s21] =	ssyncadd.s32 $0xFFFFFF80  }
0x76: {  	s22 =	sadd.s32 $0x1, s22;
	_ =	swait.ge [sflag:s21], $0x80  }
0x77: {  	p0 =	sne.s32 s22, s7;
	[sflag:s21] =	ssyncset.done $0x0  }
.Ltmp1:
0x78: {  	[sflag:s21] =	ssyncadd.s32 $0xFFFFFF80;
	(pc) =	sbr.rel @p0 .LBB2_1-.Ltmp1, $4  }
0x79: {  	[hbm4b:s6+s3] =	stream.linear.scatter [tilespmem:s12], [sflag:$0x2], $0x800, $0x38;
	[tilespmem:$0x5080] =	vst v63  }
0x7a: {  	_ =	swait.ge [sflag:s8], $0x800  }
0x7b: {  	[sflag:s8] =	ssyncset.done $0x0  }
0x7c: {  	[sflag:s8] =	ssyncadd.s32 $0xFFFFF800  }
0x7d: {  	_ =	sfence.sel $0x180000  }
0x7e: {  	[bflag:$0x0] =	sbarrier.arrive $0xFFFF  }
0x7f: {  	_ =	strace $0x9000004A  }
0x80: {  	s0 =	stileid.u32;
	[bflag:$0x2] =	sbarrier.arrive $0xFFFF  }
0x81: {  	p0 =	sne.s32 s0, $0x0;
	s0 =	rddreg [dreg:$0x2]  }
0x82: {  	s0 =	sadd.s32 @!p0 $0x100000, s0  }
0x83: {  	[sflag:s0] =	ssyncadd.tile.s32 @!p0 $0x1;
	_ =	shalt  }
.Lfunc_end2:
_tile_overlayer_lowered:
.L_overlay_start_2:
0x84: {  	(tag) =	ssettag $0x2  }
0x85: {  	s0 =	rddreg [dreg:$0x0];
	s2 =	stileid.u32  }
0x86: {  	s1 =	rddreg [dreg:$0x1];
	p0 =	sne.s32 s2, $0x0  }
0x87: {  	s3 =	rddreg [dreg:$0x2];
	[bflag:$0x3] =	sbarrier.arrive $0xFFFF;
	s2 =	simm.s32 @!p0 $0x1C02  }
0x88: {  	[timem:s3], [sflag:s2] =	dma.local @!p0 [hbm:s0], s1  }
0x89: {  	s0 =	simm.s32 @!p0 $0x2  }
0x8a: {  	_ =	swait.ge @!p0 [sflag:s0], s1  }
0x8b: {  	s1 =	ssub.s32 @!p0 $0x0, s1;
	[sflag:s0] =	ssyncset.done @!p0 $0x0  }
0x8c: {  	[sflag:s0] =	ssyncadd.s32 @!p0 s1  }
0x8d: {  	[bflag:$0x3] =	sbarrier.arrive $0xFFFF  }
0x8e: {  	_ =	shalt  }

// kernel: sparse-core-data-format-call.cloned.1.call-start
scs
called_computation_lowered:
.L_overlay_start_0:
0x0: {  	s2 =	sld [smem:$0x3FD9]  }
0x1: {  	s3 =	sld [smem:$0x3FFE];
	_ =	sdelay $0x1  }
0x2: {  	s1 =	srdreg.scid  }
0x3: {  	s0 =	sand.u32 $0x1, s1  }
0x4: {  	s18 =	sshll.u32 s0, $0xA;
	s2 =	sadd.s32 s3, s2  }
0x5: {  	s2 =	sadd.s32 s2, s18  }
0x6: {  	[smem:$0x3FC4] =	sst s2  }
0x7: {  	_ = 	snop  }
0x8: {  	s2 =	sld [smem:$0x3FC9];
	(tm) =	ssettm $0x1  }
0x9: {  	s19 =	sld [smem:$0x3FFB];
	_ =	sdelay $0x3  }
0xa: {  	_ =	strace s19  }
0xb: {  	s3 =	sld [smem:$0x3FFC];
	_ =	sdelay $0x3  }
0xc: {  	_ =	strace s3  }
0xd: {  	s3 =	sld [smem:$0x3FFD];
	_ =	sdelay $0x3  }
0xe: {  	_ =	strace s3  }
0xf: {  	_ =	strace $0x8FFFFFFF  }
0x10: {  	s20 =	sld [smem:$0x3FDB];
	_ =	sdelay $0x1  }
0x11: {  	s4 =	simm.s32 $_scs_section_size  }
0x12: {  	s5 =	simm.s32 $_size__tile_overlayer_lowered;
	s6 =	simm.s32 $_tile_overlayer_lowered  }
0x13: {  	s23 =	simm.s32 $0x1BFF;
	s22 =	sshll.u32 s6, $0x1;
	s3 =	sadd.s32 s4, s20  }
0x14: {  	s7 =	simm.s32 $0x0;
	s21 =	sshll.u32 s5, $0x1;
	s5 =	sadd.s32 s22, s3  }
0x15: {  	[timem:s7], [sflag:s23] =	dma.local [hbm:s5], s21  }
0x16: {  	_ =	swait.ge [sflag:s23], s21  }
0x17: {  	s4 =	ssub.s32 $0x0, s21;
	[sflag:s23] =	ssyncset.done $0x0  }
0x18: {  	[sflag:s23] =	ssyncadd.s32 s4;
	_ =	sdelay $0x1  }
0x19: {  	s24 =	simm.s32 $0x1B8B  }
0x1a: {  	_ =	swait.ge [sflag:s24], $0x1  }
0x1b: {  	[sflag:s24] =	ssyncset.done $0x0  }
0x1c: {  	s26 =	simm.s32 $0x1B8E;
	s25 =	sld [smem:$0x3FFE];
	[sflag:s24] =	ssyncadd.s32 $0xFFFFFFFF  }
0x1d: {  	s27 =	simm.s32 $execute0_lowered;
	[smem:$0x3FD2] =	sst s26  }
0x1e: {  	s5 =	sshll.u32 s27, $0x1;
	_ =	strace $0x80000046;
	[dreg:$0x1] =	wrdreg $0xFFFFFFFF  }
0x1f: {  	s28 =	simm.s32 $_size_execute0_lowered;
	s3 =	sadd.s32 s3, s5;
	[dreg:$0x0] =	wrdreg $0x0  }
0x20: {  	s5 =	sshll.u32 s28, $0x1;
	[dreg:$0x2] =	wrdreg s3  }
0x21: {  	[dreg:$0x3] =	wrdreg s5  }
0x22: {  	[dreg:$0x4] =	wrdreg $0xC0  }
0x23: {  	_ =	task [dreg:s7], $0x5FFFF  }
0x24: {  	[dreg:$0x1] =	wrdreg $0xFFFFFFFF  }
0x25: {  	[dreg:$0x0] =	wrdreg $0x60  }
0x26: {  	[dreg:$0x2] =	wrdreg s2  }
0x27: {  	[dreg:$0x3] =	wrdreg s25  }
0x28: {  	[dreg:$0x4] =	wrdreg $0x9  }
0x29: {  	_ =	task.clear_ibuf [dreg:s7], $0x5FFFF;
	_ =	strace $0x90000046  }
0x2a: {  	s29 =	simm.s32 $0x9;
	_ =	strace $0x80000048  }
0x2b: {  	_ =	swait.ge [sflag:s29], $0x1  }
0x2c: {  	[sflag:s29] =	ssyncadd.s32 $0xFFFFFFFF  }
0x2d: {  	_ =	strace $0x90000048  }
0x2e: {  	_ =	sfence  }
0x2f: {  	s30 =	sld [smem:$0x0];
	_ =	sdelay $0x2  }
0x30: {  	s31 =	sshll.u32 s1, $0xD;
	s1 =	sshrl.u32 s1, $0x2  }
0x31: {  	s3 =	sand.u32 $0x4000, s31;
	s1 =	sadd.s32 s1, s30  }
0x32: {  	s0 =	sor.u32 s3, s0;
	s1 =	sshll.u32 s1, $0x11  }
0x33: {  	s0 =	sor.u32 s1, s0  }
0x34: {  	s0 =	sadd.s32 $0x8F2B, s0  }
0x35: {  	[sflag:s0] =	ssyncadd.remote.s32 $0x1  }
0x36: {  	_ =	sfence.sel $0xFFFF  }
0x37: {  	[dreg:$0x0] =	wrdreg $0xFFFFFFFF;
	(pc) =	sbr.abs _section_cstart, $3  }
0x38: {  	[dreg:$0x1] =	wrdreg $0xFFFFFFFF  }
0x39: {  	_ =	task.clear_ibuf [dreg:s7], $0x2FFFF;
	_ =	strace $0x9FFFFFFF  }
0x3a: {  	(tm) =	ssettm $0x7FFFFFFF  }
0x3b: {  	_ =	shalt  }
tec
execute0_lowered:
.L_overlay_start_1:
0x0: {  	(tag) =	ssettag $0x1  }
0x1: {  	s2 =	rddreg [dreg:$0x0]  }
0x2: {  	s3 =	rddreg [dreg:$0x1]  }
0x3: {  	s0 =	rddreg [dreg:$0x2];
	_ =	strace $0x80000047  }
0x4: {  	s4 =	srdreg.scid;
	s1 =	stileid.u32;
	s6 =	simm.s32 $0x2  }
.Ltmp0:
0x5: {  	s11 =	simm.s32 $0x0;
	p0 =	por $0x0, $0x0;
	(pc) =	sbr.rel .LBB1_1-.Ltmp0, $4  }
0x6: {  	s7 =	simm.s32 $0x1000;
	s12 =	simm.s32 $0x0;
	s5 =	sshll.u32 s4, $0x4  }
0x7: {  	s9 =	simm.s32 $0x0;
	s4 =	simm.s32 $0x1;
	s5 =	sand.u32 $0x10, s5  }
0x8: {  	s8 =	simm.s32 $0x0;
	[sflag:s4] =	ssyncpa.u1 $0x0;
	s5 =	sor.u32 s1, s5  }
0x9: {  	[sflag:s6] =	ssyncpa.u1 $0x0;
	s6 =	simm.s32 $0x800;
	s10 =	smov.u32 s5  }
.LBB1_7:
0xa: {  	s13 =	sadd.s32 $0x10, s9  }
0xb: {  	s11 =	sadd.s32 $0x20, s10;
	s15 =	smov.u32 s10;
	p2 =	sgt.s32 s13, $0x1F  }
0xc: {  	p1 =	slt.u32 s8, $0x2;
	s15 =	smov.u32 @p2 s11  }
0xd: {  	s8 =	sadd.s32 $0x1, s8;
	s13 =	simm.s32 @p2 $0x0;
	p2 =	sgt.s32 s15, $0x1FF  }
0xe: {  	s15 =	smov.u32 @p2 s5;
	p2 =	sne.s32 s8, $0x22  }
.Ltmp1:
0xf: {  	_ = 	snop;
	(pc) =	sbr.rel @!p2 .LBB1_8-.Ltmp1, $4  }
0x10: {  	s14 =	simm.s32 @!p1 $0x2  }
0x11: {  	s12 =	smov.u32 s10;
	_ =	swait.ge @!p1 [sflag:s14], $0x4000  }
0x12: {  	p0 =	por !p0, !p0;
	s11 =	smov.u32 s9;
	[sflag:s14] =	ssyncset.done @!p1 $0x0  }
0x13: {  	s9 =	smov.u32 s13;
	[sflag:s14] =	ssyncadd.s32 @!p1 $0xFFFFC000;
	s10 =	smov.u32 s15  }
.LBB1_1:
0x14: {  	p1 =	sgt.u32 s8, $0x1F  }
0x15: {  	s13 =	sxor.u32 @!p1 $0xFFFFFFFF, s8;
	s14 =	sshll.u32 @!p1 s10, $0xC  }
0x16: {  	s15 =	sshll.u32 @!p1 s9, $0x7;
	s13 =	sshll.u32 @!p1 s13, $0xE;
	s14 =	sadd.s32 @!p1 s2, s14  }
0x17: {  	s13 =	sand.u32 @!p1 $0x4000, s13;
	s14 =	sadd.s32 @!p1 s15, s14;
	s15 =	simm.s32 @!p1 $0x0  }
0x18: {  	[tilespmem:s13], [sflag:$0x1] =	stream.linear.gather @!p1 [hbm4b:s14+s15], $0x4000, $0x38;
	[tilespmem:$0x10000] =	vst v63  }
0x19: {  	p1 =	seq.s32 s8, $0x0  }
0x1a: {  	p2 =	seq.s32 @!p1 s8, $0x21  }
0x1b: {  	p1 =	por p1, p2  }
.Ltmp2:
0x1c: {  	_ = 	snop;
	(pc) =	sbr.rel @p1 .LBB1_7-.Ltmp2, $1  }
0x1d: {  	_ =	sdelay $0x3  }
0x1e: {  	s13 =	simm.s32 $0x1;
	_ =	swait.ge [sflag:s4], $0x4000;
	s16 =	sshll.u32 s8, $0xE  }
0x1f: {  	s13 =	simm.s32 @!p0 $0x0;
	[sflag:s4] =	ssyncset.done $0x0;
	s31 =	sand.u32 $0x4000, s16  }
0x20: {  	s16 =	simm.s32 $0x0;
	s14 =	sshll.u32 s13, $0xE;
	[sflag:s4] =	ssyncadd.s32 $0xFFFFC000  }
0x21: {  	s13 =	sor.u32 $0x8040, s14;
	s15 =	sor.u32 $0x40, s14;
	s14 =	sor.u32 $0x8000, s31  }
.LBB1_3:
0x22: {  	v0 =	vmov s15;
	_ =	sdelay $0x3  }
0x23: {  	s18 =	simm.s32 $0x0  }
0x24: {  	v6 =	vld.idx.msk [tilespmem:v0+s18+$0x30 ss:$0x1], $0xffff  }
0x25: {  	v7 =	vld.idx.msk [tilespmem:v0+s18+$0xFFFFFFC0 ss:$0x1], $0xffff  }
0x26: {  	v5 =	vld.idx.msk [tilespmem:v0+s18+$0xFFFFFFD0 ss:$0x1], $0xffff  }
0x27: {  	v4 =	vld.idx.msk [tilespmem:v0+s18+$0xFFFFFFE0 ss:$0x1], $0xffff  }
0x28: {  	v3 =	vld.idx.msk [tilespmem:v0+s18+$0xFFFFFFF0 ss:$0x1], $0xffff  }
0x29: {  	v1 =	vld.idx.msk [tilespmem:v0+s18+$0x0 ss:$0x1], $0xffff  }
0x2a: {  	v2 =	vld.idx.msk [tilespmem:v0+s18+$0x10 ss:$0x1], $0xffff;
	[tilespmem:s13+$0x30] =	vst v6  }
0x2b: {  	s17 =	simm.s32 $0x80;
	s19 =	simm.s32 $0x400;
	[tilespmem:s13+$0xFFFFFFC0] =	vst v7;
	v6 =	vld.idx.msk [tilespmem:v0+s18+$0x20 ss:$0x1], $0xffff;
	s18 =	smov.u32 s13  }
.LBB1_4:
0x2c: {  	p1 =	sne.s32 s19, $0xE00;
	v7 =	vld.idx.msk [tilespmem:v0+s17+$0x30 ss:$0x1], $0xffff;
	[tilespmem:s18+$0xFFFFFFD0] =	vst v5  }
0x2d: {  	v8 =	vld.idx.msk [tilespmem:v0+s17+$0xFFFFFFC0 ss:$0x1], $0xffff;
	[tilespmem:s18+$0xFFFFFFE0] =	vst v4  }
0x2e: {  	v5 =	vld.idx.msk [tilespmem:v0+s17+$0xFFFFFFD0 ss:$0x1], $0xffff;
	[tilespmem:s18+$0xFFFFFFF0] =	vst v3  }
.Ltmp3:
0x2f: {  	v4 =	vld.idx.msk [tilespmem:v0+s17+$0xFFFFFFE0 ss:$0x1], $0xffff;
	[tilespmem:s18+$0x0] =	vst v1;
	(pc) =	sbr.rel @p1 .LBB1_4-.Ltmp3, $4  }
0x30: {  	v3 =	vld.idx.msk [tilespmem:v0+s17+$0xFFFFFFF0 ss:$0x1], $0xffff;
	[tilespmem:s18+$0x10] =	vst v2  }
0x31: {  	v1 =	vld.idx.msk [tilespmem:v0+s17+$0x0 ss:$0x1], $0xffff;
	[tilespmem:s18+$0x20] =	vst v6;
	s18 =	sadd.s32 $0x800, s18  }
0x32: {  	v2 =	vld.idx.msk [tilespmem:v0+s17+$0x10 ss:$0x1], $0xffff;
	[tilespmem:s18+$0x30] =	vst v7  }
0x33: {  	[tilespmem:s18+$0xFFFFFFC0] =	vst v8;
	v6 =	vld.idx.msk [tilespmem:v0+s17+$0x20 ss:$0x1], $0xffff;
	s17 =	sshra.s32 s19, $0x2;
	s19 =	sadd.s32 $0x200, s19  }
0x34: {  	_ =	sdelay $0x2  }
0x35: {  	[tilespmem:s18+$0xFFFFFFD0] =	vst v5  }
0x36: {  	v56 =	vld.idx.msk [tilespmem:v0+s17+$0x30 ss:$0x1], $0xffff;
	[tilespmem:s18+$0xFFFFFFE0] =	vst v4  }
0x37: {  	v57 =	vld.idx.msk [tilespmem:v0+s17+$0xFFFFFFC0 ss:$0x1], $0xffff;
	[tilespmem:s18+$0xFFFFFFF0] =	vst v3  }
0x38: {  	v58 =	vld.idx.msk [tilespmem:v0+s17+$0xFFFFFFD0 ss:$0x1], $0xffff;
	[tilespmem:s18+$0x0] =	vst v1  }
0x39: {  	v59 =	vld.idx.msk [tilespmem:v0+s17+$0xFFFFFFE0 ss:$0x1], $0xffff;
	[tilespmem:s18+$0x10] =	vst v2  }
0x3a: {  	v60 =	vld.idx.msk [tilespmem:v0+s17+$0xFFFFFFF0 ss:$0x1], $0xffff;
	s31 =	sadd.s32 $0x800, s18;
	[tilespmem:s18+$0x20] =	vst v6  }
0x3b: {  	v61 =	vld.idx.msk [tilespmem:v0+s17+$0x0 ss:$0x1], $0xffff;
	[tilespmem:s31+$0x30] =	vst v56  }
0x3c: {  	v62 =	vld.idx.msk [tilespmem:v0+s17+$0x10 ss:$0x1], $0xffff;
	s16 =	sadd.s32 $0x1, s16;
	[tilespmem:s31+$0xFFFFFFC0] =	vst v57  }
0x3d: {  	v63 =	vld.idx.msk [tilespmem:v0+s17+$0x20 ss:$0x1], $0xffff;
	p1 =	sne.s32 s16, $0x10;
	[tilespmem:s31+$0xFFFFFFD0] =	vst v58  }
.Ltmp4:
0x3e: {  	[tilespmem:s31+$0xFFFFFFE0] =	vst v59;
	(pc) =	sbr.rel @p1 .LBB1_3-.Ltmp4, $4  }
0x3f: {  	[tilespmem:s31+$0xFFFFFFF0] =	vst v60  }
0x40: {  	[tilespmem:s31+$0x0] =	vst v61  }
0x41: {  	[tilespmem:s31+$0x10] =	vst v62  }
0x42: {  	s13 =	sadd.s32 $0x80, s13;
	s15 =	sadd.s32 $0x400, s15;
	[tilespmem:s31+$0x20] =	vst v63  }
.Ltmp5:
0x43: {  	(pc) =	sbr.rel .LBB1_7-.Ltmp5, $4  }
0x44: {  	s12 =	sshll.u32 s12, $0xC;
	s11 =	sshll.u32 s11, $0x4  }
0x45: {  	s11 =	sand.u32 $0x1F0, s11;
	s12 =	sadd.s32 s3, s12  }
0x46: {  	s11 =	sadd.s32 s11, s12  }
0x47: {  	[hbm4b:s11+s6] =	stream.strided.scatter [tilespmem:s14], [sflag:$0x2], $0x4000, s7, s6, $0x38;
	[tilespmem:$0x10000] =	vst v63  }
.LBB1_8:
0x48: {  	_ =	sfence.sel $0x180000  }
0x49: {  	s2 =	simm.s32 $0x1;
	[bflag:$0x0] =	sbarrier.arrive $0xFFFF  }
0x4a: {  	s31 =	simm.s32 $0x2;
	[sflag:s2] =	ssyncpa.u1 $0x1  }
0x4b: {  	[sflag:s31] =	ssyncpa.u1 $0x1  }
0x4c: {  	p0 =	sne.s32 s1, $0x0;
	_ =	strace $0x90000047  }
0x4d: {  	s0 =	sadd.s32 @!p0 $0x100000, s0;
	[bflag:$0x2] =	sbarrier.arrive $0xFFFF  }
0x4e: {  	[sflag:s0] =	ssyncadd.tile.s32 @!p0 $0x1;
	_ =	shalt  }
.Lfunc_end1:
_tile_overlayer_lowered:
.L_overlay_start_2:
0x4f: {  	(tag) =	ssettag $0x2  }
0x50: {  	s0 =	rddreg [dreg:$0x0];
	s2 =	stileid.u32  }
0x51: {  	s1 =	rddreg [dreg:$0x1];
	p0 =	sne.s32 s2, $0x0  }
0x52: {  	s3 =	rddreg [dreg:$0x2];
	[bflag:$0x3] =	sbarrier.arrive $0xFFFF;
	s2 =	simm.s32 @!p0 $0x1C01  }
0x53: {  	[timem:s3], [sflag:s2] =	dma.local @!p0 [hbm:s0], s1  }
0x54: {  	s0 =	simm.s32 @!p0 $0x1  }
0x55: {  	_ =	swait.ge @!p0 [sflag:s0], s1  }
0x56: {  	s1 =	ssub.s32 @!p0 $0x0, s1;
	[sflag:s0] =	ssyncset.done @!p0 $0x0  }
0x57: {  	[sflag:s0] =	ssyncadd.s32 @!p0 s1  }
0x58: {  	[bflag:$0x3] =	sbarrier.arrive $0xFFFF  }
0x59: {  	_ =	shalt  }

</sc_bundles>
